<compile_context>
chip_gen: v7x
topology: tpu7x:2x2x1
jax: 0.10.2.dev20260603
libtpu: 0.0.44.dev20260713+nightly
codegen_flags: <defaults>
</compile_context>

<pallas_src>
import jax
import jax.numpy as jnp
from jax import lax
from jax.experimental import pallas as pl
from jax.experimental.pallas import tpu as pltpu
from jax.experimental.pallas import tpu_sc as plsc

B = 16384
L = 50
LP = 64
H = 64
NLANE = 16
NVREG = H // NLANE
NC = 2
NS = 16
NW = NC * NS
EPW = B // NW
CHUNK = 64
NCHUNK = EPW // CHUNK
DEPTH = 8


def _body(user_hbm, att_hbm, maskf_hbm, itemv_hbm, uemb, aemb, out_hbm,
          aidx_v, amask_v, arows_v, uidx_v, urows_v, irows_v,
          scores_v, sem_att, sem_stage):
    wid = lax.axis_index("s") * NC + lax.axis_index("c")
    base = wid * EPW

    lane_iota = lax.iota(jnp.int32, NLANE)
    gdn = lax.GatherDimensionNumbers(
        offset_dims=(), collapsed_slice_dims=(0,), start_index_map=(0,))

    def lane_sum(v):
        for sh in (8, 4, 2, 1):
            perm = lax.bitwise_and(lane_iota + sh, NLANE - 1)[:, None]
            v = v + lax.gather(v, perm, gdn, (1,),
                               mode=lax.GatherScatterMode.PROMISE_IN_BOUNDS)
        return v

    def fire(e):
        pltpu.async_copy(aemb.at[aidx_v.at[e]],
                         arows_v.at[pl.ds((e % DEPTH) * L, L)],
                         sem_att.at[e % DEPTH])

    def step(i, svec):
        c = i // CHUNK
        e = i % CHUNK
        cbase = base + c * CHUNK

        @pl.when(e == 0)
        def _stage():
            pltpu.sync_copy(att_hbm.at[pl.ds(cbase, CHUNK)], aidx_v)
            pltpu.sync_copy(maskf_hbm.at[pl.ds(cbase, CHUNK)], amask_v)
            pltpu.sync_copy(user_hbm.at[pl.ds(cbase, CHUNK)], uidx_v)
            pltpu.sync_copy(itemv_hbm.at[pl.ds(cbase, CHUNK)], irows_v)
            pltpu.async_copy(uemb.at[uidx_v], urows_v, sem_stage).wait()
            for p in range(DEPTH - 1):
                fire(p)

        nxt = e + (DEPTH - 1)

        @pl.when(nxt < CHUNK)
        def _fire_ahead():
            fire(nxt)

        pltpu.make_async_copy(aemb.at[aidx_v.at[e]],
                              arows_v.at[pl.ds((e % DEPTH) * L, L)],
                              sem_att.at[e % DEPTH]).wait()

        rbase = (e % DEPTH) * L
        accs = [urows_v[e, pl.ds(k * NLANE, NLANE)] for k in range(NVREG)]
        mvecs = [amask_v[e, pl.ds(g * NLANE, NLANE)] for g in range(LP // NLANE)]
        for l in range(L):
            m = mvecs[l // NLANE][l % NLANE]
            for k in range(NVREG):
                accs[k] = accs[k] + m * arows_v[rbase + l, pl.ds(k * NLANE, NLANE)]

        tot = accs[0] * irows_v[e, pl.ds(0, NLANE)]
        for k in range(1, NVREG):
            tot = tot + accs[k] * irows_v[e, pl.ds(k * NLANE, NLANE)]
        svec = jnp.where(lane_iota == (e % NLANE), lane_sum(tot), svec)

        @pl.when((i % NLANE) == (NLANE - 1))
        def _flush():
            scores_v[pl.ds((i // NLANE) * NLANE, NLANE)] = svec
        return svec

    lax.fori_loop(0, EPW, step, jnp.zeros((NLANE,), jnp.float32))
    pltpu.sync_copy(scores_v, out_hbm.at[pl.ds(base, EPW)])


@jax.jit
def _run(user_list, att_list, maskf, item_vec, user_emb, att_emb):
    mesh = plsc.VectorSubcoreMesh(core_axis_name="c", subcore_axis_name="s")
    f = pl.kernel(
        _body,
        out_type=jax.ShapeDtypeStruct((B,), jnp.float32),
        mesh=mesh,
        scratch_types=[
            pltpu.VMEM((CHUNK, L), jnp.int32),
            pltpu.VMEM((CHUNK, LP), jnp.float32),
            pltpu.VMEM((DEPTH * L, H), jnp.float32),
            pltpu.VMEM((CHUNK,), jnp.int32),
            pltpu.VMEM((CHUNK, H), jnp.float32),
            pltpu.VMEM((CHUNK, H), jnp.float32),
            pltpu.VMEM((EPW,), jnp.float32),
            pltpu.SemaphoreType.DMA((DEPTH,)),
            pltpu.SemaphoreType.DMA,
        ],
        compiler_params=pltpu.CompilerParams(use_tc_tiling_on_sc=False),
    )
    return f(user_list, att_list, maskf, item_vec, user_emb, att_emb)


def kernel(user_list, item_list, att_list, att_mask, user_emb, item_emb, att_emb):
    maskf = jnp.pad(att_mask.astype(jnp.float32), ((0, 0), (0, LP - L)))
    item_vec = jnp.take(item_emb, item_list, axis=0)
    return _run(user_list.astype(jnp.int32),
                att_list.astype(jnp.int32), maskf, item_vec,
                user_emb, att_emb)

# --- scband reference (transcript-rebuilt; emitter-appended) ---
"""Pipeline reference for scband-conv-rec-87600152969757 (READ-ONLY COPY).

The authoritative reference and input builder live on the scoring server;
editing this copy changes nothing except your own understanding.
"""

import jax, jax.numpy as jnp
import numpy as np

USER_NUM = 100000
ITEM_NUM = 1000000
ATT_NUM = 100000
HIDDEN = 64
B = 16384
L = 50

def setup_inputs(seed: int = 0) -> dict:
    key = jax.random.key(seed)
    ks = jax.random.split(key, 7)
    user_list = jax.random.randint(ks[0], (B,), 0, USER_NUM, dtype=jnp.int64 if jax.config.jax_enable_x64 else jnp.int32)
    item_list = jax.random.randint(ks[1], (B,), 0, ITEM_NUM, dtype=jnp.int64 if jax.config.jax_enable_x64 else jnp.int32)
    att_list = jax.random.randint(ks[2], (B, L), 0, ATT_NUM, dtype=jnp.int64 if jax.config.jax_enable_x64 else jnp.int32)
    att_mask = jax.random.randint(ks[3], (B, L), 0, 2).astype(bool)
    user_emb = jax.random.normal(ks[4], (USER_NUM, HIDDEN), dtype=jnp.float32) * 0.01
    item_emb = jax.random.normal(ks[5], (ITEM_NUM, HIDDEN), dtype=jnp.float32) * 0.01
    att_emb = jax.random.normal(ks[6], (ATT_NUM, HIDDEN), dtype=jnp.float32) * 0.01
    return {
        "user_list": user_list,
        "item_list": item_list,
        "att_list": att_list,
        "att_mask": att_mask,
        "user_emb": user_emb,
        "item_emb": item_emb,
        "att_emb": att_emb,
    }

def reference(user_list, item_list, att_list, att_mask, user_emb, item_emb, att_emb):
    # user_vec = self.user_embeddings(user_list)
    user_vec = jnp.take(user_emb, user_list, axis=0)
    # item_vec = self.item_embeddings(item_list)
    item_vec = jnp.take(item_emb, item_list, axis=0)
    # att_vec_list = self.attribute_embeddings(att_list)
    att_vec_list = jnp.take(att_emb, att_list, axis=0)
    # masked_fill(mask == False, 0.0)
    att_vec_list = jnp.where(att_mask[..., None], att_vec_list, 0.0)
    # att_vec = sum over attribute axis
    att_vec = jnp.sum(att_vec_list, axis=-2)
    user_vec = user_vec + att_vec
    # score = sum(user_vec * item_vec, dim=-1)
    return jnp.sum(user_vec * item_vec, axis=-1)

if __name__ == "__main__":
    import jax
    _d = setup_inputs()
    print(jax.jit(kernel)(*tuple(_d.values())))

</pallas_src>

<mosaic_0001>
#map = affine_map<(d0, d1) -> (0)>
#map1 = affine_map<(d0, d1) -> (0, 0)>
module attributes {stable_mosaic.version = 14 : i64} {
  func.func @_body(%arg0: i32, %arg1: i32, %arg2: memref<16384xi32, #tpu.memory_space<hbm>>, %arg3: memref<16384x50xi32, #tpu.memory_space<hbm>>, %arg4: memref<16384x64xf32, #tpu.memory_space<hbm>>, %arg5: memref<16384x64xf32, #tpu.memory_space<hbm>>, %arg6: memref<100000x64xf32, #tpu.memory_space<hbm>>, %arg7: memref<100000x64xf32, #tpu.memory_space<hbm>>, %arg8: memref<16384xf32, #tpu.memory_space<hbm>>, %arg9: memref<64x50xi32, #tpu.memory_space<vmem>>, %arg10: memref<64x64xf32, #tpu.memory_space<vmem>>, %arg11: memref<400x64xf32, #tpu.memory_space<vmem>>, %arg12: memref<64xi32, #tpu.memory_space<vmem>>, %arg13: memref<64x64xf32, #tpu.memory_space<vmem>>, %arg14: memref<64x64xf32, #tpu.memory_space<vmem>>, %arg15: memref<512xf32, #tpu.memory_space<vmem>>, %arg16: memref<8x!tpu.dma_semaphore, #tpu.memory_space<semaphore_mem>>, %arg17: memref<!tpu.dma_semaphore, #tpu.memory_space<semaphore_mem>>) attributes {dimension_semantics = [#tpu.dimension_semantics<core_parallel>, #tpu.dimension_semantics<subcore_parallel>], iteration_bounds = array<i64: 2, 16>, scalar_prefetch = 0 : i64, scratch_operands = 9 : i64, tpu.core_type = #tpu.core_type<sc_vector_subcore>, window_params = [{transform_indices = #map}, {transform_indices = #map1}, {transform_indices = #map1}, {transform_indices = #map1}, {transform_indices = #map1}, {transform_indices = #map1}, {transform_indices = #map}]} {
    %mul3A = arith.constant 2 : i32
    %mul3A_0 = arith.muli %arg1, %mul3A : i32
    %add3A = arith.addi %mul3A_0, %arg0 : i32
    %mul3A_1 = arith.constant 512 : i32
    %mul3A_2 = arith.muli %add3A, %mul3A_1 : i32
    %iota3A = tpu.iota {dimensions = array<i32: 0>} : vector<16xi32>
    %broadcast_in_dim3A = arith.constant 0.000000e+00 : f32
    %broadcast_in_dim3A_3 = vector.broadcast %broadcast_in_dim3A : f32 to vector<16xf32>
    %scan3A = arith.constant 0 : i32
    %scan3A_4 = arith.constant 512 : i32
    %scan3A_5 = arith.addi %scan3A, %scan3A_4 : i32
    %scan3A_6 = arith.constant 1 : i32
    %scan3A_7 = scf.for %scan3A_9 = %scan3A to %scan3A_5 step %scan3A_6 iter_args(%scan3A_10 = %broadcast_in_dim3A_3) -> (vector<16xf32>)  : i32 {
      %jit3A = arith.constant 64 : i32
      %div3A = arith.divsi %scan3A_9, %jit3A : i32
      %sign3A = arith.constant 0 : i32
      %sign3A_11 = arith.cmpi sgt, %scan3A_9, %sign3A : i32
      %sign3A_12 = arith.extui %sign3A_11 : i1 to i32
      %sign3A_13 = arith.constant 0 : i32
      %sign3A_14 = arith.cmpi slt, %scan3A_9, %sign3A_13 : i32
      %sign3A_15 = arith.extui %sign3A_14 : i1 to i32
      %sign3A_16 = arith.subi %sign3A_12, %sign3A_15 : i32
      %sign3A_17 = arith.constant 0 : i32
      %sign3A_18 = arith.cmpi sgt, %jit3A, %sign3A_17 : i32
      %sign3A_19 = arith.extui %sign3A_18 : i1 to i32
      %sign3A_20 = arith.constant 0 : i32
      %sign3A_21 = arith.cmpi slt, %jit3A, %sign3A_20 : i32
      %sign3A_22 = arith.extui %sign3A_21 : i1 to i32
      %sign3A_23 = arith.subi %sign3A_19, %sign3A_22 : i32
      %ne3A = arith.cmpi ne, %sign3A_16, %sign3A_23 : i32
      %rem3A = arith.remsi %scan3A_9, %jit3A : i32
      %ne3A_24 = arith.constant 0 : i32
      %ne3A_25 = arith.cmpi ne, %rem3A, %ne3A_24 : i32
      %and3A = arith.andi %ne3A, %ne3A_25 : i1
      %sub3A = arith.constant 1 : i32
      %sub3A_26 = arith.subi %div3A, %sub3A : i32
      %select_n3A = arith.select %and3A, %sub3A_26, %div3A : i32
      %jit3A_27 = arith.constant 64 : i32
      %eq3A = arith.constant 0 : i32
      %eq3A_28 = arith.cmpi eq, %jit3A_27, %eq3A : i32
      %jit3A_29 = arith.constant 1 : i32
      %select_n3A_30 = arith.select %eq3A_28, %jit3A_29, %jit3A_27 : i32
      %rem3A_31 = arith.remsi %scan3A_9, %select_n3A_30 : i32
      %ne3A_32 = arith.constant 0 : i32
      %ne3A_33 = arith.cmpi ne, %rem3A_31, %ne3A_32 : i32
      %lt3A = arith.constant 0 : i32
      %lt3A_34 = arith.cmpi slt, %rem3A_31, %lt3A : i32
      %lt3A_35 = arith.constant 0 : i32
      %lt3A_36 = arith.cmpi slt, %select_n3A_30, %lt3A_35 : i32
      %ne3A_37 = arith.xori %lt3A_34, %lt3A_36 : i1
      %and3A_38 = arith.andi %ne3A_37, %ne3A_33 : i1
      %add3A_39 = arith.addi %rem3A_31, %select_n3A_30 : i32
      %select_n3A_40 = arith.select %and3A_38, %add3A_39, %rem3A_31 : i32
      %mul3A_41 = arith.constant 64 : i32
      %mul3A_42 = arith.muli %select_n3A, %mul3A_41 : i32
      %add3A_43 = arith.addi %mul3A_2, %mul3A_42 : i32
      %eq3A_44 = arith.constant 0 : i32
      %eq3A_45 = arith.cmpi eq, %select_n3A_40, %eq3A_44 : i32
      %convert_element_type3A = arith.extui %eq3A_45 : i1 to i32
      %cond3A = arith.constant 0 : i32
      %cond3A_46 = arith.cmpi ne, %convert_element_type3A, %cond3A : i32
      scf.if %cond3A_46 {
        "tpu.region"() ({
          %run_scoped3A = tpu.sem_alloc : memref<!tpu.dma_semaphore, #tpu.memory_space<semaphore_mem>>
          %dma_start3A_2242 = arith.constant 0 : i32
          %dma_start3A_2243 = tpu.memref_slice %arg3[%add3A_43, %dma_start3A_2242] : memref<16384x50xi32, #tpu.memory_space<hbm>> -> memref<64x50xi32, #tpu.memory_space<hbm>>
          %dma_start3A_2244 = arith.constant 0 : i32
          %dma_start3A_2245 = tpu.memref_slice %arg3[%add3A_43, %dma_start3A_2244] : memref<16384x50xi32, #tpu.memory_space<hbm>> -> memref<64x50xi32, #tpu.memory_space<hbm>>
          tpu.enqueue_dma source(%dma_start3A_2245 : memref<64x50xi32, #tpu.memory_space<hbm>>) target(%arg9 : memref<64x50xi32, #tpu.memory_space<vmem>>) target_semaphore(%run_scoped3A : memref<!tpu.dma_semaphore, #tpu.memory_space<semaphore_mem>>)
          %dma_wait3A_2246 = arith.constant 0 : i32
          %dma_wait3A_2247 = tpu.memref_slice %arg3[%add3A_43, %dma_wait3A_2246] : memref<16384x50xi32, #tpu.memory_space<hbm>> -> memref<64x50xi32, #tpu.memory_space<hbm>>
          %dma_wait3A_2248 = arith.constant 0 : i32
          %dma_wait3A_2249 = tpu.memref_slice %arg3[%add3A_43, %dma_wait3A_2248] : memref<16384x50xi32, #tpu.memory_space<hbm>> -> memref<64x50xi32, #tpu.memory_space<hbm>>
          tpu.wait_dma2 semaphore(%run_scoped3A : memref<!tpu.dma_semaphore, #tpu.memory_space<semaphore_mem>>) src(%dma_wait3A_2249 : memref<64x50xi32, #tpu.memory_space<hbm>>) dst(%arg9 : memref<64x50xi32, #tpu.memory_space<vmem>>)
          tpu.yield
        }) : () -> ()
        "tpu.region"() ({
          %run_scoped3A = tpu.sem_alloc : memref<!tpu.dma_semaphore, #tpu.memory_space<semaphore_mem>>
          %dma_start3A_2242 = arith.constant 0 : i32
          %dma_start3A_2243 = tpu.memref_slice %arg4[%add3A_43, %dma_start3A_2242] : memref<16384x64xf32, #tpu.memory_space<hbm>> -> memref<64x64xf32, #tpu.memory_space<hbm>>
          %dma_start3A_2244 = arith.constant 0 : i32
          %dma_start3A_2245 = tpu.memref_slice %arg4[%add3A_43, %dma_start3A_2244] : memref<16384x64xf32, #tpu.memory_space<hbm>> -> memref<64x64xf32, #tpu.memory_space<hbm>>
          tpu.enqueue_dma source(%dma_start3A_2245 : memref<64x64xf32, #tpu.memory_space<hbm>>) target(%arg10 : memref<64x64xf32, #tpu.memory_space<vmem>>) target_semaphore(%run_scoped3A : memref<!tpu.dma_semaphore, #tpu.memory_space<semaphore_mem>>)
          %dma_wait3A_2246 = arith.constant 0 : i32
          %dma_wait3A_2247 = tpu.memref_slice %arg4[%add3A_43, %dma_wait3A_2246] : memref<16384x64xf32, #tpu.memory_space<hbm>> -> memref<64x64xf32, #tpu.memory_space<hbm>>
          %dma_wait3A_2248 = arith.constant 0 : i32
          %dma_wait3A_2249 = tpu.memref_slice %arg4[%add3A_43, %dma_wait3A_2248] : memref<16384x64xf32, #tpu.memory_space<hbm>> -> memref<64x64xf32, #tpu.memory_space<hbm>>
          tpu.wait_dma2 semaphore(%run_scoped3A : memref<!tpu.dma_semaphore, #tpu.memory_space<semaphore_mem>>) src(%dma_wait3A_2249 : memref<64x64xf32, #tpu.memory_space<hbm>>) dst(%arg10 : memref<64x64xf32, #tpu.memory_space<vmem>>)
          tpu.yield
        }) : () -> ()
        "tpu.region"() ({
          %run_scoped3A = tpu.sem_alloc : memref<!tpu.dma_semaphore, #tpu.memory_space<semaphore_mem>>
          %dma_start3A_2242 = tpu.memref_slice %arg2[%add3A_43] : memref<16384xi32, #tpu.memory_space<hbm>> -> memref<64xi32, #tpu.memory_space<hbm>>
          %dma_start3A_2243 = tpu.memref_slice %arg2[%add3A_43] : memref<16384xi32, #tpu.memory_space<hbm>> -> memref<64xi32, #tpu.memory_space<hbm>>
          tpu.enqueue_dma source(%dma_start3A_2243 : memref<64xi32, #tpu.memory_space<hbm>>) target(%arg12 : memref<64xi32, #tpu.memory_space<vmem>>) target_semaphore(%run_scoped3A : memref<!tpu.dma_semaphore, #tpu.memory_space<semaphore_mem>>)
          %dma_wait3A_2244 = tpu.memref_slice %arg2[%add3A_43] : memref<16384xi32, #tpu.memory_space<hbm>> -> memref<64xi32, #tpu.memory_space<hbm>>
          %dma_wait3A_2245 = tpu.memref_slice %arg2[%add3A_43] : memref<16384xi32, #tpu.memory_space<hbm>> -> memref<64xi32, #tpu.memory_space<hbm>>
          tpu.wait_dma2 semaphore(%run_scoped3A : memref<!tpu.dma_semaphore, #tpu.memory_space<semaphore_mem>>) src(%dma_wait3A_2245 : memref<64xi32, #tpu.memory_space<hbm>>) dst(%arg12 : memref<64xi32, #tpu.memory_space<vmem>>)
          tpu.yield
        }) : () -> ()
        "tpu.region"() ({
          %run_scoped3A = tpu.sem_alloc : memref<!tpu.dma_semaphore, #tpu.memory_space<semaphore_mem>>
          %dma_start3A_2242 = arith.constant 0 : i32
          %dma_start3A_2243 = tpu.memref_slice %arg5[%add3A_43, %dma_start3A_2242] : memref<16384x64xf32, #tpu.memory_space<hbm>> -> memref<64x64xf32, #tpu.memory_space<hbm>>
          %dma_start3A_2244 = arith.constant 0 : i32
          %dma_start3A_2245 = tpu.memref_slice %arg5[%add3A_43, %dma_start3A_2244] : memref<16384x64xf32, #tpu.memory_space<hbm>> -> memref<64x64xf32, #tpu.memory_space<hbm>>
          tpu.enqueue_dma source(%dma_start3A_2245 : memref<64x64xf32, #tpu.memory_space<hbm>>) target(%arg14 : memref<64x64xf32, #tpu.memory_space<vmem>>) target_semaphore(%run_scoped3A : memref<!tpu.dma_semaphore, #tpu.memory_space<semaphore_mem>>)
          %dma_wait3A_2246 = arith.constant 0 : i32
          %dma_wait3A_2247 = tpu.memref_slice %arg5[%add3A_43, %dma_wait3A_2246] : memref<16384x64xf32, #tpu.memory_space<hbm>> -> memref<64x64xf32, #tpu.memory_space<hbm>>
          %dma_wait3A_2248 = arith.constant 0 : i32
          %dma_wait3A_2249 = tpu.memref_slice %arg5[%add3A_43, %dma_wait3A_2248] : memref<16384x64xf32, #tpu.memory_space<hbm>> -> memref<64x64xf32, #tpu.memory_space<hbm>>
          tpu.wait_dma2 semaphore(%run_scoped3A : memref<!tpu.dma_semaphore, #tpu.memory_space<semaphore_mem>>) src(%dma_wait3A_2249 : memref<64x64xf32, #tpu.memory_space<hbm>>) dst(%arg14 : memref<64x64xf32, #tpu.memory_space<vmem>>)
          tpu.yield
        }) : () -> ()
        %dma_start3A = arith.constant 0 : i32
        %dma_start3A_2146 = arith.constant 0 : i32
        %dma_start3A_2147 = tpu.memref_slice %arg6[%dma_start3A, %dma_start3A_2146] : memref<100000x64xf32, #tpu.memory_space<hbm>> -> memref<100000x64xf32, #tpu.memory_space<hbm>>
        tpu.enqueue_indirect_dma source(%dma_start3A_2147 : memref<100000x64xf32, #tpu.memory_space<hbm>>) target(%arg13 : memref<64x64xf32, #tpu.memory_space<vmem>>) offsets(%arg12 : memref<64xi32, #tpu.memory_space<vmem>>) semaphore(%arg17 : memref<!tpu.dma_semaphore, #tpu.memory_space<semaphore_mem>>)
        %dma_wait3A_2148 = arith.constant 0 : i32
        %dma_wait3A_2149 = arith.constant 0 : i32
        %dma_wait3A_2150 = tpu.memref_slice %arg6[%dma_wait3A_2148, %dma_wait3A_2149] : memref<100000x64xf32, #tpu.memory_space<hbm>> -> memref<100000x64xf32, #tpu.memory_space<hbm>>
        tpu.wait_indirect_dma semaphore(%arg17 : memref<!tpu.dma_semaphore, #tpu.memory_space<semaphore_mem>>) src(%dma_wait3A_2150 : memref<100000x64xf32, #tpu.memory_space<hbm>>) dst(%arg13 : memref<64x64xf32, #tpu.memory_space<vmem>>)
        %dma_start3A_2151 = arith.constant 0 : i32
        %dma_start3A_2152 = arith.constant 0 : i32
        %dma_start3A_2153 = arith.constant 0 : i32
        %dma_start3A_2154 = arith.constant 0 : i32
        %dma_start3A_2155 = tpu.memref_slice %arg11[%dma_start3A_2153, %dma_start3A_2154] : memref<400x64xf32, #tpu.memory_space<vmem>> -> memref<50x64xf32, #tpu.memory_space<vmem>>
        %dma_start3A_2156 = arith.constant 0 : i32
        %dma_start3A_2157 = tpu.memref_slice %arg9[%dma_start3A_2151, %dma_start3A_2156] : memref<64x50xi32, #tpu.memory_space<vmem>> -> memref<1x50xi32, #tpu.memory_space<vmem>>
        %dma_start3A_2158 = tpu.memref_squeeze %dma_start3A_2157 : memref<1x50xi32, #tpu.memory_space<vmem>> -> memref<50xi32, #tpu.memory_space<vmem>>
        %dma_start3A_2159 = arith.constant 0 : i32
        %dma_start3A_2160 = arith.constant 0 : i32
        %dma_start3A_2161 = tpu.memref_slice %arg7[%dma_start3A_2159, %dma_start3A_2160] : memref<100000x64xf32, #tpu.memory_space<hbm>> -> memref<100000x64xf32, #tpu.memory_space<hbm>>
        %dma_start3A_2162 = tpu.memref_slice %arg16[%dma_start3A_2152] : memref<8x!tpu.dma_semaphore, #tpu.memory_space<semaphore_mem>> -> memref<1x!tpu.dma_semaphore, #tpu.memory_space<semaphore_mem>>
        %dma_start3A_2163 = tpu.memref_squeeze %dma_start3A_2162 : memref<1x!tpu.dma_semaphore, #tpu.memory_space<semaphore_mem>> -> memref<!tpu.dma_semaphore, #tpu.memory_space<semaphore_mem>>
        tpu.enqueue_indirect_dma source(%dma_start3A_2161 : memref<100000x64xf32, #tpu.memory_space<hbm>>) target(%dma_start3A_2155 : memref<50x64xf32, #tpu.memory_space<vmem>>) offsets(%dma_start3A_2158 : memref<50xi32, #tpu.memory_space<vmem>>) semaphore(%dma_start3A_2163 : memref<!tpu.dma_semaphore, #tpu.memory_space<semaphore_mem>>)
        %dma_start3A_2164 = arith.constant 1 : i32
        %dma_start3A_2165 = arith.constant 1 : i32
        %dma_start3A_2166 = arith.constant 50 : i32
        %dma_start3A_2167 = arith.constant 0 : i32
        %dma_start3A_2168 = tpu.memref_slice %arg11[%dma_start3A_2166, %dma_start3A_2167] : memref<400x64xf32, #tpu.memory_space<vmem>> -> memref<50x64xf32, #tpu.memory_space<vmem>>
        %dma_start3A_2169 = arith.constant 0 : i32
        %dma_start3A_2170 = tpu.memref_slice %arg9[%dma_start3A_2164, %dma_start3A_2169] : memref<64x50xi32, #tpu.memory_space<vmem>> -> memref<1x50xi32, #tpu.memory_space<vmem>>
        %dma_start3A_2171 = tpu.memref_squeeze %dma_start3A_2170 : memref<1x50xi32, #tpu.memory_space<vmem>> -> memref<50xi32, #tpu.memory_space<vmem>>
        %dma_start3A_2172 = arith.constant 0 : i32
        %dma_start3A_2173 = arith.constant 0 : i32
        %dma_start3A_2174 = tpu.memref_slice %arg7[%dma_start3A_2172, %dma_start3A_2173] : memref<100000x64xf32, #tpu.memory_space<hbm>> -> memref<100000x64xf32, #tpu.memory_space<hbm>>
        %dma_start3A_2175 = tpu.memref_slice %arg16[%dma_start3A_2165] : memref<8x!tpu.dma_semaphore, #tpu.memory_space<semaphore_mem>> -> memref<1x!tpu.dma_semaphore, #tpu.memory_space<semaphore_mem>>
        %dma_start3A_2176 = tpu.memref_squeeze %dma_start3A_2175 : memref<1x!tpu.dma_semaphore, #tpu.memory_space<semaphore_mem>> -> memref<!tpu.dma_semaphore, #tpu.memory_space<semaphore_mem>>
        tpu.enqueue_indirect_dma source(%dma_start3A_2174 : memref<100000x64xf32, #tpu.memory_space<hbm>>) target(%dma_start3A_2168 : memref<50x64xf32, #tpu.memory_space<vmem>>) offsets(%dma_start3A_2171 : memref<50xi32, #tpu.memory_space<vmem>>) semaphore(%dma_start3A_2176 : memref<!tpu.dma_semaphore, #tpu.memory_space<semaphore_mem>>)
        %dma_start3A_2177 = arith.constant 2 : i32
        %dma_start3A_2178 = arith.constant 2 : i32
        %dma_start3A_2179 = arith.constant 100 : i32
        %dma_start3A_2180 = arith.constant 0 : i32
        %dma_start3A_2181 = tpu.memref_slice %arg11[%dma_start3A_2179, %dma_start3A_2180] : memref<400x64xf32, #tpu.memory_space<vmem>> -> memref<50x64xf32, #tpu.memory_space<vmem>>
        %dma_start3A_2182 = arith.constant 0 : i32
        %dma_start3A_2183 = tpu.memref_slice %arg9[%dma_start3A_2177, %dma_start3A_2182] : memref<64x50xi32, #tpu.memory_space<vmem>> -> memref<1x50xi32, #tpu.memory_space<vmem>>
        %dma_start3A_2184 = tpu.memref_squeeze %dma_start3A_2183 : memref<1x50xi32, #tpu.memory_space<vmem>> -> memref<50xi32, #tpu.memory_space<vmem>>
        %dma_start3A_2185 = arith.constant 0 : i32
        %dma_start3A_2186 = arith.constant 0 : i32
        %dma_start3A_2187 = tpu.memref_slice %arg7[%dma_start3A_2185, %dma_start3A_2186] : memref<100000x64xf32, #tpu.memory_space<hbm>> -> memref<100000x64xf32, #tpu.memory_space<hbm>>
        %dma_start3A_2188 = tpu.memref_slice %arg16[%dma_start3A_2178] : memref<8x!tpu.dma_semaphore, #tpu.memory_space<semaphore_mem>> -> memref<1x!tpu.dma_semaphore, #tpu.memory_space<semaphore_mem>>
        %dma_start3A_2189 = tpu.memref_squeeze %dma_start3A_2188 : memref<1x!tpu.dma_semaphore, #tpu.memory_space<semaphore_mem>> -> memref<!tpu.dma_semaphore, #tpu.memory_space<semaphore_mem>>
        tpu.enqueue_indirect_dma source(%dma_start3A_2187 : memref<100000x64xf32, #tpu.memory_space<hbm>>) target(%dma_start3A_2181 : memref<50x64xf32, #tpu.memory_space<vmem>>) offsets(%dma_start3A_2184 : memref<50xi32, #tpu.memory_space<vmem>>) semaphore(%dma_start3A_2189 : memref<!tpu.dma_semaphore, #tpu.memory_space<semaphore_mem>>)
        %dma_start3A_2190 = arith.constant 3 : i32
        %dma_start3A_2191 = arith.constant 3 : i32
        %dma_start3A_2192 = arith.constant 150 : i32
        %dma_start3A_2193 = arith.constant 0 : i32
        %dma_start3A_2194 = tpu.memref_slice %arg11[%dma_start3A_2192, %dma_start3A_2193] : memref<400x64xf32, #tpu.memory_space<vmem>> -> memref<50x64xf32, #tpu.memory_space<vmem>>
        %dma_start3A_2195 = arith.constant 0 : i32
        %dma_start3A_2196 = tpu.memref_slice %arg9[%dma_start3A_2190, %dma_start3A_2195] : memref<64x50xi32, #tpu.memory_space<vmem>> -> memref<1x50xi32, #tpu.memory_space<vmem>>
        %dma_start3A_2197 = tpu.memref_squeeze %dma_start3A_2196 : memref<1x50xi32, #tpu.memory_space<vmem>> -> memref<50xi32, #tpu.memory_space<vmem>>
        %dma_start3A_2198 = arith.constant 0 : i32
        %dma_start3A_2199 = arith.constant 0 : i32
        %dma_start3A_2200 = tpu.memref_slice %arg7[%dma_start3A_2198, %dma_start3A_2199] : memref<100000x64xf32, #tpu.memory_space<hbm>> -> memref<100000x64xf32, #tpu.memory_space<hbm>>
        %dma_start3A_2201 = tpu.memref_slice %arg16[%dma_start3A_2191] : memref<8x!tpu.dma_semaphore, #tpu.memory_space<semaphore_mem>> -> memref<1x!tpu.dma_semaphore, #tpu.memory_space<semaphore_mem>>
        %dma_start3A_2202 = tpu.memref_squeeze %dma_start3A_2201 : memref<1x!tpu.dma_semaphore, #tpu.memory_space<semaphore_mem>> -> memref<!tpu.dma_semaphore, #tpu.memory_space<semaphore_mem>>
        tpu.enqueue_indirect_dma source(%dma_start3A_2200 : memref<100000x64xf32, #tpu.memory_space<hbm>>) target(%dma_start3A_2194 : memref<50x64xf32, #tpu.memory_space<vmem>>) offsets(%dma_start3A_2197 : memref<50xi32, #tpu.memory_space<vmem>>) semaphore(%dma_start3A_2202 : memref<!tpu.dma_semaphore, #tpu.memory_space<semaphore_mem>>)
        %dma_start3A_2203 = arith.constant 4 : i32
        %dma_start3A_2204 = arith.constant 4 : i32
        %dma_start3A_2205 = arith.constant 200 : i32
        %dma_start3A_2206 = arith.constant 0 : i32
        %dma_start3A_2207 = tpu.memref_slice %arg11[%dma_start3A_2205, %dma_start3A_2206] : memref<400x64xf32, #tpu.memory_space<vmem>> -> memref<50x64xf32, #tpu.memory_space<vmem>>
        %dma_start3A_2208 = arith.constant 0 : i32
        %dma_start3A_2209 = tpu.memref_slice %arg9[%dma_start3A_2203, %dma_start3A_2208] : memref<64x50xi32, #tpu.memory_space<vmem>> -> memref<1x50xi32, #tpu.memory_space<vmem>>
        %dma_start3A_2210 = tpu.memref_squeeze %dma_start3A_2209 : memref<1x50xi32, #tpu.memory_space<vmem>> -> memref<50xi32, #tpu.memory_space<vmem>>
        %dma_start3A_2211 = arith.constant 0 : i32
        %dma_start3A_2212 = arith.constant 0 : i32
        %dma_start3A_2213 = tpu.memref_slice %arg7[%dma_start3A_2211, %dma_start3A_2212] : memref<100000x64xf32, #tpu.memory_space<hbm>> -> memref<100000x64xf32, #tpu.memory_space<hbm>>
        %dma_start3A_2214 = tpu.memref_slice %arg16[%dma_start3A_2204] : memref<8x!tpu.dma_semaphore, #tpu.memory_space<semaphore_mem>> -> memref<1x!tpu.dma_semaphore, #tpu.memory_space<semaphore_mem>>
        %dma_start3A_2215 = tpu.memref_squeeze %dma_start3A_2214 : memref<1x!tpu.dma_semaphore, #tpu.memory_space<semaphore_mem>> -> memref<!tpu.dma_semaphore, #tpu.memory_space<semaphore_mem>>
        tpu.enqueue_indirect_dma source(%dma_start3A_2213 : memref<100000x64xf32, #tpu.memory_space<hbm>>) target(%dma_start3A_2207 : memref<50x64xf32, #tpu.memory_space<vmem>>) offsets(%dma_start3A_2210 : memref<50xi32, #tpu.memory_space<vmem>>) semaphore(%dma_start3A_2215 : memref<!tpu.dma_semaphore, #tpu.memory_space<semaphore_mem>>)
        %dma_start3A_2216 = arith.constant 5 : i32
        %dma_start3A_2217 = arith.constant 5 : i32
        %dma_start3A_2218 = arith.constant 250 : i32
        %dma_start3A_2219 = arith.constant 0 : i32
        %dma_start3A_2220 = tpu.memref_slice %arg11[%dma_start3A_2218, %dma_start3A_2219] : memref<400x64xf32, #tpu.memory_space<vmem>> -> memref<50x64xf32, #tpu.memory_space<vmem>>
        %dma_start3A_2221 = arith.constant 0 : i32
        %dma_start3A_2222 = tpu.memref_slice %arg9[%dma_start3A_2216, %dma_start3A_2221] : memref<64x50xi32, #tpu.memory_space<vmem>> -> memref<1x50xi32, #tpu.memory_space<vmem>>
        %dma_start3A_2223 = tpu.memref_squeeze %dma_start3A_2222 : memref<1x50xi32, #tpu.memory_space<vmem>> -> memref<50xi32, #tpu.memory_space<vmem>>
        %dma_start3A_2224 = arith.constant 0 : i32
        %dma_start3A_2225 = arith.constant 0 : i32
        %dma_start3A_2226 = tpu.memref_slice %arg7[%dma_start3A_2224, %dma_start3A_2225] : memref<100000x64xf32, #tpu.memory_space<hbm>> -> memref<100000x64xf32, #tpu.memory_space<hbm>>
        %dma_start3A_2227 = tpu.memref_slice %arg16[%dma_start3A_2217] : memref<8x!tpu.dma_semaphore, #tpu.memory_space<semaphore_mem>> -> memref<1x!tpu.dma_semaphore, #tpu.memory_space<semaphore_mem>>
        %dma_start3A_2228 = tpu.memref_squeeze %dma_start3A_2227 : memref<1x!tpu.dma_semaphore, #tpu.memory_space<semaphore_mem>> -> memref<!tpu.dma_semaphore, #tpu.memory_space<semaphore_mem>>
        tpu.enqueue_indirect_dma source(%dma_start3A_2226 : memref<100000x64xf32, #tpu.memory_space<hbm>>) target(%dma_start3A_2220 : memref<50x64xf32, #tpu.memory_space<vmem>>) offsets(%dma_start3A_2223 : memref<50xi32, #tpu.memory_space<vmem>>) semaphore(%dma_start3A_2228 : memref<!tpu.dma_semaphore, #tpu.memory_space<semaphore_mem>>)
        %dma_start3A_2229 = arith.constant 6 : i32
        %dma_start3A_2230 = arith.constant 6 : i32
        %dma_start3A_2231 = arith.constant 300 : i32
        %dma_start3A_2232 = arith.constant 0 : i32
        %dma_start3A_2233 = tpu.memref_slice %arg11[%dma_start3A_2231, %dma_start3A_2232] : memref<400x64xf32, #tpu.memory_space<vmem>> -> memref<50x64xf32, #tpu.memory_space<vmem>>
        %dma_start3A_2234 = arith.constant 0 : i32
        %dma_start3A_2235 = tpu.memref_slice %arg9[%dma_start3A_2229, %dma_start3A_2234] : memref<64x50xi32, #tpu.memory_space<vmem>> -> memref<1x50xi32, #tpu.memory_space<vmem>>
        %dma_start3A_2236 = tpu.memref_squeeze %dma_start3A_2235 : memref<1x50xi32, #tpu.memory_space<vmem>> -> memref<50xi32, #tpu.memory_space<vmem>>
        %dma_start3A_2237 = arith.constant 0 : i32
        %dma_start3A_2238 = arith.constant 0 : i32
        %dma_start3A_2239 = tpu.memref_slice %arg7[%dma_start3A_2237, %dma_start3A_2238] : memref<100000x64xf32, #tpu.memory_space<hbm>> -> memref<100000x64xf32, #tpu.memory_space<hbm>>
        %dma_start3A_2240 = tpu.memref_slice %arg16[%dma_start3A_2230] : memref<8x!tpu.dma_semaphore, #tpu.memory_space<semaphore_mem>> -> memref<1x!tpu.dma_semaphore, #tpu.memory_space<semaphore_mem>>
        %dma_start3A_2241 = tpu.memref_squeeze %dma_start3A_2240 : memref<1x!tpu.dma_semaphore, #tpu.memory_space<semaphore_mem>> -> memref<!tpu.dma_semaphore, #tpu.memory_space<semaphore_mem>>
        tpu.enqueue_indirect_dma source(%dma_start3A_2239 : memref<100000x64xf32, #tpu.memory_space<hbm>>) target(%dma_start3A_2233 : memref<50x64xf32, #tpu.memory_space<vmem>>) offsets(%dma_start3A_2236 : memref<50xi32, #tpu.memory_space<vmem>>) semaphore(%dma_start3A_2241 : memref<!tpu.dma_semaphore, #tpu.memory_space<semaphore_mem>>)
      } else {
      }
      %add3A_47 = arith.constant 7 : i32
      %add3A_48 = arith.addi %select_n3A_40, %add3A_47 : i32
      %lt3A_49 = arith.constant 64 : i32
      %lt3A_50 = arith.cmpi slt, %add3A_48, %lt3A_49 : i32
      %convert_element_type3A_51 = arith.extui %lt3A_50 : i1 to i32
      %cond3A_52 = arith.constant 0 : i32
      %cond3A_53 = arith.cmpi ne, %convert_element_type3A_51, %cond3A_52 : i32
      scf.if %cond3A_53 {
        %jit3A_2146 = arith.constant 8 : i32
        %eq3A_2147 = arith.constant 0 : i32
        %eq3A_2148 = arith.cmpi eq, %jit3A_2146, %eq3A_2147 : i32
        %jit3A_2149 = arith.constant 1 : i32
        %select_n3A_2150 = arith.select %eq3A_2148, %jit3A_2149, %jit3A_2146 : i32
        %rem3A_2151 = arith.remsi %add3A_48, %select_n3A_2150 : i32
        %ne3A_2152 = arith.constant 0 : i32
        %ne3A_2153 = arith.cmpi ne, %rem3A_2151, %ne3A_2152 : i32
        %lt3A_2154 = arith.constant 0 : i32
        %lt3A_2155 = arith.cmpi slt, %rem3A_2151, %lt3A_2154 : i32
        %lt3A_2156 = arith.constant 0 : i32
        %lt3A_2157 = arith.cmpi slt, %select_n3A_2150, %lt3A_2156 : i32
        %ne3A_2158 = arith.xori %lt3A_2155, %lt3A_2157 : i1
        %and3A_2159 = arith.andi %ne3A_2158, %ne3A_2153 : i1
        %add3A_2160 = arith.addi %rem3A_2151, %select_n3A_2150 : i32
        %select_n3A_2161 = arith.select %and3A_2159, %add3A_2160, %rem3A_2151 : i32
        %mul3A_2162 = arith.constant 50 : i32
        %mul3A_2163 = arith.muli %select_n3A_2161, %mul3A_2162 : i32
        %jit3A_2164 = arith.constant 8 : i32
        %eq3A_2165 = arith.constant 0 : i32
        %eq3A_2166 = arith.cmpi eq, %jit3A_2164, %eq3A_2165 : i32
        %jit3A_2167 = arith.constant 1 : i32
        %select_n3A_2168 = arith.select %eq3A_2166, %jit3A_2167, %jit3A_2164 : i32
        %rem3A_2169 = arith.remsi %add3A_48, %select_n3A_2168 : i32
        %ne3A_2170 = arith.constant 0 : i32
        %ne3A_2171 = arith.cmpi ne, %rem3A_2169, %ne3A_2170 : i32
        %lt3A_2172 = arith.constant 0 : i32
        %lt3A_2173 = arith.cmpi slt, %rem3A_2169, %lt3A_2172 : i32
        %lt3A_2174 = arith.constant 0 : i32
        %lt3A_2175 = arith.cmpi slt, %select_n3A_2168, %lt3A_2174 : i32
        %ne3A_2176 = arith.xori %lt3A_2173, %lt3A_2175 : i1
        %and3A_2177 = arith.andi %ne3A_2176, %ne3A_2171 : i1
        %add3A_2178 = arith.addi %rem3A_2169, %select_n3A_2168 : i32
        %select_n3A_2179 = arith.select %and3A_2177, %add3A_2178, %rem3A_2169 : i32
        %dma_start3A = arith.constant 0 : i32
        %dma_start3A_2180 = tpu.memref_slice %arg11[%mul3A_2163, %dma_start3A] : memref<400x64xf32, #tpu.memory_space<vmem>> -> memref<50x64xf32, #tpu.memory_space<vmem>>
        %dma_start3A_2181 = arith.constant 0 : i32
        %dma_start3A_2182 = tpu.memref_slice %arg9[%add3A_48, %dma_start3A_2181] : memref<64x50xi32, #tpu.memory_space<vmem>> -> memref<1x50xi32, #tpu.memory_space<vmem>>
        %dma_start3A_2183 = tpu.memref_squeeze %dma_start3A_2182 : memref<1x50xi32, #tpu.memory_space<vmem>> -> memref<50xi32, #tpu.memory_space<vmem>>
        %dma_start3A_2184 = arith.constant 0 : i32
        %dma_start3A_2185 = arith.constant 0 : i32
        %dma_start3A_2186 = tpu.memref_slice %arg7[%dma_start3A_2184, %dma_start3A_2185] : memref<100000x64xf32, #tpu.memory_space<hbm>> -> memref<100000x64xf32, #tpu.memory_space<hbm>>
        %dma_start3A_2187 = tpu.memref_slice %arg16[%select_n3A_2179] : memref<8x!tpu.dma_semaphore, #tpu.memory_space<semaphore_mem>> -> memref<1x!tpu.dma_semaphore, #tpu.memory_space<semaphore_mem>>
        %dma_start3A_2188 = tpu.memref_squeeze %dma_start3A_2187 : memref<1x!tpu.dma_semaphore, #tpu.memory_space<semaphore_mem>> -> memref<!tpu.dma_semaphore, #tpu.memory_space<semaphore_mem>>
        tpu.enqueue_indirect_dma source(%dma_start3A_2186 : memref<100000x64xf32, #tpu.memory_space<hbm>>) target(%dma_start3A_2180 : memref<50x64xf32, #tpu.memory_space<vmem>>) offsets(%dma_start3A_2183 : memref<50xi32, #tpu.memory_space<vmem>>) semaphore(%dma_start3A_2188 : memref<!tpu.dma_semaphore, #tpu.memory_space<semaphore_mem>>)
      } else {
      }
      %jit3A_54 = arith.constant 8 : i32
      %eq3A_55 = arith.constant 0 : i32
      %eq3A_56 = arith.cmpi eq, %jit3A_54, %eq3A_55 : i32
      %jit3A_57 = arith.constant 1 : i32
      %select_n3A_58 = arith.select %eq3A_56, %jit3A_57, %jit3A_54 : i32
      %rem3A_59 = arith.remsi %select_n3A_40, %select_n3A_58 : i32
      %ne3A_60 = arith.constant 0 : i32
      %ne3A_61 = arith.cmpi ne, %rem3A_59, %ne3A_60 : i32
      %lt3A_62 = arith.constant 0 : i32
      %lt3A_63 = arith.cmpi slt, %rem3A_59, %lt3A_62 : i32
      %lt3A_64 = arith.constant 0 : i32
      %lt3A_65 = arith.cmpi slt, %select_n3A_58, %lt3A_64 : i32
      %ne3A_66 = arith.xori %lt3A_63, %lt3A_65 : i1
      %and3A_67 = arith.andi %ne3A_66, %ne3A_61 : i1
      %add3A_68 = arith.addi %rem3A_59, %select_n3A_58 : i32
      %select_n3A_69 = arith.select %and3A_67, %add3A_68, %rem3A_59 : i32
      %mul3A_70 = arith.constant 50 : i32
      %mul3A_71 = arith.muli %select_n3A_69, %mul3A_70 : i32
      %jit3A_72 = arith.constant 8 : i32
      %eq3A_73 = arith.constant 0 : i32
      %eq3A_74 = arith.cmpi eq, %jit3A_72, %eq3A_73 : i32
      %jit3A_75 = arith.constant 1 : i32
      %select_n3A_76 = arith.select %eq3A_74, %jit3A_75, %jit3A_72 : i32
      %rem3A_77 = arith.remsi %select_n3A_40, %select_n3A_76 : i32
      %ne3A_78 = arith.constant 0 : i32
      %ne3A_79 = arith.cmpi ne, %rem3A_77, %ne3A_78 : i32
      %lt3A_80 = arith.constant 0 : i32
      %lt3A_81 = arith.cmpi slt, %rem3A_77, %lt3A_80 : i32
      %lt3A_82 = arith.constant 0 : i32
      %lt3A_83 = arith.cmpi slt, %select_n3A_76, %lt3A_82 : i32
      %ne3A_84 = arith.xori %lt3A_81, %lt3A_83 : i1
      %and3A_85 = arith.andi %ne3A_84, %ne3A_79 : i1
      %add3A_86 = arith.addi %rem3A_77, %select_n3A_76 : i32
      %select_n3A_87 = arith.select %and3A_85, %add3A_86, %rem3A_77 : i32
      %dma_wait3A = arith.constant 0 : i32
      %dma_wait3A_88 = tpu.memref_slice %arg11[%mul3A_71, %dma_wait3A] : memref<400x64xf32, #tpu.memory_space<vmem>> -> memref<50x64xf32, #tpu.memory_space<vmem>>
      %dma_wait3A_89 = arith.constant 0 : i32
      %dma_wait3A_90 = tpu.memref_slice %arg9[%select_n3A_40, %dma_wait3A_89] : memref<64x50xi32, #tpu.memory_space<vmem>> -> memref<1x50xi32, #tpu.memory_space<vmem>>
      %dma_wait3A_91 = tpu.memref_squeeze %dma_wait3A_90 : memref<1x50xi32, #tpu.memory_space<vmem>> -> memref<50xi32, #tpu.memory_space<vmem>>
      %dma_wait3A_92 = arith.constant 0 : i32
      %dma_wait3A_93 = arith.constant 0 : i32
      %dma_wait3A_94 = tpu.memref_slice %arg7[%dma_wait3A_92, %dma_wait3A_93] : memref<100000x64xf32, #tpu.memory_space<hbm>> -> memref<100000x64xf32, #tpu.memory_space<hbm>>
      %dma_wait3A_95 = tpu.memref_slice %arg16[%select_n3A_87] : memref<8x!tpu.dma_semaphore, #tpu.memory_space<semaphore_mem>> -> memref<1x!tpu.dma_semaphore, #tpu.memory_space<semaphore_mem>>
      %dma_wait3A_96 = tpu.memref_squeeze %dma_wait3A_95 : memref<1x!tpu.dma_semaphore, #tpu.memory_space<semaphore_mem>> -> memref<!tpu.dma_semaphore, #tpu.memory_space<semaphore_mem>>
      tpu.wait_indirect_dma semaphore(%dma_wait3A_96 : memref<!tpu.dma_semaphore, #tpu.memory_space<semaphore_mem>>) src(%dma_wait3A_94 : memref<100000x64xf32, #tpu.memory_space<hbm>>) dst(%dma_wait3A_88 : memref<50x64xf32, #tpu.memory_space<vmem>>)
      %jit3A_97 = arith.constant 8 : i32
      %eq3A_98 = arith.constant 0 : i32
      %eq3A_99 = arith.cmpi eq, %jit3A_97, %eq3A_98 : i32
      %jit3A_100 = arith.constant 1 : i32
      %select_n3A_101 = arith.select %eq3A_99, %jit3A_100, %jit3A_97 : i32
      %rem3A_102 = arith.remsi %select_n3A_40, %select_n3A_101 : i32
      %ne3A_103 = arith.constant 0 : i32
      %ne3A_104 = arith.cmpi ne, %rem3A_102, %ne3A_103 : i32
      %lt3A_105 = arith.constant 0 : i32
      %lt3A_106 = arith.cmpi slt, %rem3A_102, %lt3A_105 : i32
      %lt3A_107 = arith.constant 0 : i32
      %lt3A_108 = arith.cmpi slt, %select_n3A_101, %lt3A_107 : i32
      %ne3A_109 = arith.xori %lt3A_106, %lt3A_108 : i1
      %and3A_110 = arith.andi %ne3A_109, %ne3A_104 : i1
      %add3A_111 = arith.addi %rem3A_102, %select_n3A_101 : i32
      %select_n3A_112 = arith.select %and3A_110, %add3A_111, %rem3A_102 : i32
      %mul3A_113 = arith.constant 50 : i32
      %mul3A_114 = arith.muli %select_n3A_112, %mul3A_113 : i32
      %get3A = arith.index_cast %select_n3A_40 : i32 to index
      %get3A_115 = arith.constant 0 : index
      %get3A_116 = tpu.vector_load %arg13[%get3A, %get3A_115] {strides = array<i32>} : memref<64x64xf32, #tpu.memory_space<vmem>>, vector<1x16xf32>,
      %get3A_117 = vector.shape_cast %get3A_116 : vector<1x16xf32> to vector<16xf32>
      %get3A_118 = arith.index_cast %select_n3A_40 : i32 to index
      %get3A_119 = arith.constant 16 : index
      %get3A_120 = tpu.vector_load %arg13[%get3A_118, %get3A_119] {strides = array<i32>} : memref<64x64xf32, #tpu.memory_space<vmem>>, vector<1x16xf32>,
      %get3A_121 = vector.shape_cast %get3A_120 : vector<1x16xf32> to vector<16xf32>
      %get3A_122 = arith.index_cast %select_n3A_40 : i32 to index
      %get3A_123 = arith.constant 32 : index
      %get3A_124 = tpu.vector_load %arg13[%get3A_122, %get3A_123] {strides = array<i32>} : memref<64x64xf32, #tpu.memory_space<vmem>>, vector<1x16xf32>,
      %get3A_125 = vector.shape_cast %get3A_124 : vector<1x16xf32> to vector<16xf32>
      %get3A_126 = arith.index_cast %select_n3A_40 : i32 to index
      %get3A_127 = arith.constant 48 : index
      %get3A_128 = tpu.vector_load %arg13[%get3A_126, %get3A_127] {strides = array<i32>} : memref<64x64xf32, #tpu.memory_space<vmem>>, vector<1x16xf32>,
      %get3A_129 = vector.shape_cast %get3A_128 : vector<1x16xf32> to vector<16xf32>
      %get3A_130 = arith.index_cast %select_n3A_40 : i32 to index
      %get3A_131 = arith.constant 0 : index
      %get3A_132 = tpu.vector_load %arg10[%get3A_130, %get3A_131] {strides = array<i32>} : memref<64x64xf32, #tpu.memory_space<vmem>>, vector<1x16xf32>,
      %get3A_133 = vector.shape_cast %get3A_132 : vector<1x16xf32> to vector<16xf32>
      %get3A_134 = arith.index_cast %select_n3A_40 : i32 to index
      %get3A_135 = arith.constant 16 : index
      %get3A_136 = tpu.vector_load %arg10[%get3A_134, %get3A_135] {strides = array<i32>} : memref<64x64xf32, #tpu.memory_space<vmem>>, vector<1x16xf32>,
      %get3A_137 = vector.shape_cast %get3A_136 : vector<1x16xf32> to vector<16xf32>
      %get3A_138 = arith.index_cast %select_n3A_40 : i32 to index
      %get3A_139 = arith.constant 32 : index
      %get3A_140 = tpu.vector_load %arg10[%get3A_138, %get3A_139] {strides = array<i32>} : memref<64x64xf32, #tpu.memory_space<vmem>>, vector<1x16xf32>,
      %get3A_141 = vector.shape_cast %get3A_140 : vector<1x16xf32> to vector<16xf32>
      %get3A_142 = arith.index_cast %select_n3A_40 : i32 to index
      %get3A_143 = arith.constant 48 : index
      %get3A_144 = tpu.vector_load %arg10[%get3A_142, %get3A_143] {strides = array<i32>} : memref<64x64xf32, #tpu.memory_space<vmem>>, vector<1x16xf32>,
      %get3A_145 = vector.shape_cast %get3A_144 : vector<1x16xf32> to vector<16xf32>
      %slice3A = vector.extract_strided_slice %get3A_133 {offsets = [0], sizes = [1], strides = [1]} : vector<16xf32> to vector<1xf32>
      %squeeze3A = vector.extract %slice3A[0] : f32 from vector<1xf32>
      %add3A_146 = arith.constant 0 : i32
      %add3A_147 = arith.addi %mul3A_114, %add3A_146 : i32
      %get3A_148 = arith.index_cast %add3A_147 : i32 to index
      %get3A_149 = arith.constant 0 : index
      %get3A_150 = tpu.vector_load %arg11[%get3A_148, %get3A_149] {strides = array<i32>} : memref<400x64xf32, #tpu.memory_space<vmem>>, vector<1x16xf32>,
      %get3A_151 = vector.shape_cast %get3A_150 : vector<1x16xf32> to vector<16xf32>
      %mul3A_152 = vector.broadcast %squeeze3A : f32 to vector<16xf32>
      %mul3A_153 = arith.mulf %mul3A_152, %get3A_151 : vector<16xf32>
      %add3A_154 = arith.addf %get3A_117, %mul3A_153 : vector<16xf32>
      %add3A_155 = arith.constant 0 : i32
      %add3A_156 = arith.addi %mul3A_114, %add3A_155 : i32
      %get3A_157 = arith.index_cast %add3A_156 : i32 to index
      %get3A_158 = arith.constant 16 : index
      %get3A_159 = tpu.vector_load %arg11[%get3A_157, %get3A_158] {strides = array<i32>} : memref<400x64xf32, #tpu.memory_space<vmem>>, vector<1x16xf32>,
      %get3A_160 = vector.shape_cast %get3A_159 : vector<1x16xf32> to vector<16xf32>
      %mul3A_161 = vector.broadcast %squeeze3A : f32 to vector<16xf32>
      %mul3A_162 = arith.mulf %mul3A_161, %get3A_160 : vector<16xf32>
      %add3A_163 = arith.addf %get3A_121, %mul3A_162 : vector<16xf32>
      %add3A_164 = arith.constant 0 : i32
      %add3A_165 = arith.addi %mul3A_114, %add3A_164 : i32
      %get3A_166 = arith.index_cast %add3A_165 : i32 to index
      %get3A_167 = arith.constant 32 : index
      %get3A_168 = tpu.vector_load %arg11[%get3A_166, %get3A_167] {strides = array<i32>} : memref<400x64xf32, #tpu.memory_space<vmem>>, vector<1x16xf32>,
      %get3A_169 = vector.shape_cast %get3A_168 : vector<1x16xf32> to vector<16xf32>
      %mul3A_170 = vector.broadcast %squeeze3A : f32 to vector<16xf32>
      %mul3A_171 = arith.mulf %mul3A_170, %get3A_169 : vector<16xf32>
      %add3A_172 = arith.addf %get3A_125, %mul3A_171 : vector<16xf32>
      %add3A_173 = arith.constant 0 : i32
      %add3A_174 = arith.addi %mul3A_114, %add3A_173 : i32
      %get3A_175 = arith.index_cast %add3A_174 : i32 to index
      %get3A_176 = arith.constant 48 : index
      %get3A_177 = tpu.vector_load %arg11[%get3A_175, %get3A_176] {strides = array<i32>} : memref<400x64xf32, #tpu.memory_space<vmem>>, vector<1x16xf32>,
      %get3A_178 = vector.shape_cast %get3A_177 : vector<1x16xf32> to vector<16xf32>
      %mul3A_179 = vector.broadcast %squeeze3A : f32 to vector<16xf32>
      %mul3A_180 = arith.mulf %mul3A_179, %get3A_178 : vector<16xf32>
      %add3A_181 = arith.addf %get3A_129, %mul3A_180 : vector<16xf32>
      %slice3A_182 = vector.extract_strided_slice %get3A_133 {offsets = [1], sizes = [1], strides = [1]} : vector<16xf32> to vector<1xf32>
      %squeeze3A_183 = vector.extract %slice3A_182[0] : f32 from vector<1xf32>
      %add3A_184 = arith.constant 1 : i32
      %add3A_185 = arith.addi %mul3A_114, %add3A_184 : i32
      %get3A_186 = arith.index_cast %add3A_185 : i32 to index
      %get3A_187 = arith.constant 0 : index
      %get3A_188 = tpu.vector_load %arg11[%get3A_186, %get3A_187] {strides = array<i32>} : memref<400x64xf32, #tpu.memory_space<vmem>>, vector<1x16xf32>,
      %get3A_189 = vector.shape_cast %get3A_188 : vector<1x16xf32> to vector<16xf32>
      %mul3A_190 = vector.broadcast %squeeze3A_183 : f32 to vector<16xf32>
      %mul3A_191 = arith.mulf %mul3A_190, %get3A_189 : vector<16xf32>
      %add3A_192 = arith.addf %add3A_154, %mul3A_191 : vector<16xf32>
      %add3A_193 = arith.constant 1 : i32
      %add3A_194 = arith.addi %mul3A_114, %add3A_193 : i32
      %get3A_195 = arith.index_cast %add3A_194 : i32 to index
      %get3A_196 = arith.constant 16 : index
      %get3A_197 = tpu.vector_load %arg11[%get3A_195, %get3A_196] {strides = array<i32>} : memref<400x64xf32, #tpu.memory_space<vmem>>, vector<1x16xf32>,
      %get3A_198 = vector.shape_cast %get3A_197 : vector<1x16xf32> to vector<16xf32>
      %mul3A_199 = vector.broadcast %squeeze3A_183 : f32 to vector<16xf32>
      %mul3A_200 = arith.mulf %mul3A_199, %get3A_198 : vector<16xf32>
      %add3A_201 = arith.addf %add3A_163, %mul3A_200 : vector<16xf32>
      %add3A_202 = arith.constant 1 : i32
      %add3A_203 = arith.addi %mul3A_114, %add3A_202 : i32
      %get3A_204 = arith.index_cast %add3A_203 : i32 to index
      %get3A_205 = arith.constant 32 : index
      %get3A_206 = tpu.vector_load %arg11[%get3A_204, %get3A_205] {strides = array<i32>} : memref<400x64xf32, #tpu.memory_space<vmem>>, vector<1x16xf32>,
      %get3A_207 = vector.shape_cast %get3A_206 : vector<1x16xf32> to vector<16xf32>
      %mul3A_208 = vector.broadcast %squeeze3A_183 : f32 to vector<16xf32>
      %mul3A_209 = arith.mulf %mul3A_208, %get3A_207 : vector<16xf32>
      %add3A_210 = arith.addf %add3A_172, %mul3A_209 : vector<16xf32>
      %add3A_211 = arith.constant 1 : i32
      %add3A_212 = arith.addi %mul3A_114, %add3A_211 : i32
      %get3A_213 = arith.index_cast %add3A_212 : i32 to index
      %get3A_214 = arith.constant 48 : index
      %get3A_215 = tpu.vector_load %arg11[%get3A_213, %get3A_214] {strides = array<i32>} : memref<400x64xf32, #tpu.memory_space<vmem>>, vector<1x16xf32>,
      %get3A_216 = vector.shape_cast %get3A_215 : vector<1x16xf32> to vector<16xf32>
      %mul3A_217 = vector.broadcast %squeeze3A_183 : f32 to vector<16xf32>
      %mul3A_218 = arith.mulf %mul3A_217, %get3A_216 : vector<16xf32>
      %add3A_219 = arith.addf %add3A_181, %mul3A_218 : vector<16xf32>
      %slice3A_220 = vector.extract_strided_slice %get3A_133 {offsets = [2], sizes = [1], strides = [1]} : vector<16xf32> to vector<1xf32>
      %squeeze3A_221 = vector.extract %slice3A_220[0] : f32 from vector<1xf32>
      %add3A_222 = arith.constant 2 : i32
      %add3A_223 = arith.addi %mul3A_114, %add3A_222 : i32
      %get3A_224 = arith.index_cast %add3A_223 : i32 to index
      %get3A_225 = arith.constant 0 : index
      %get3A_226 = tpu.vector_load %arg11[%get3A_224, %get3A_225] {strides = array<i32>} : memref<400x64xf32, #tpu.memory_space<vmem>>, vector<1x16xf32>,
      %get3A_227 = vector.shape_cast %get3A_226 : vector<1x16xf32> to vector<16xf32>
      %mul3A_228 = vector.broadcast %squeeze3A_221 : f32 to vector<16xf32>
      %mul3A_229 = arith.mulf %mul3A_228, %get3A_227 : vector<16xf32>
      %add3A_230 = arith.addf %add3A_192, %mul3A_229 : vector<16xf32>
      %add3A_231 = arith.constant 2 : i32
      %add3A_232 = arith.addi %mul3A_114, %add3A_231 : i32
      %get3A_233 = arith.index_cast %add3A_232 : i32 to index
      %get3A_234 = arith.constant 16 : index
      %get3A_235 = tpu.vector_load %arg11[%get3A_233, %get3A_234] {strides = array<i32>} : memref<400x64xf32, #tpu.memory_space<vmem>>, vector<1x16xf32>,
      %get3A_236 = vector.shape_cast %get3A_235 : vector<1x16xf32> to vector<16xf32>
      %mul3A_237 = vector.broadcast %squeeze3A_221 : f32 to vector<16xf32>
      %mul3A_238 = arith.mulf %mul3A_237, %get3A_236 : vector<16xf32>
      %add3A_239 = arith.addf %add3A_201, %mul3A_238 : vector<16xf32>
      %add3A_240 = arith.constant 2 : i32
      %add3A_241 = arith.addi %mul3A_114, %add3A_240 : i32
      %get3A_242 = arith.index_cast %add3A_241 : i32 to index
      %get3A_243 = arith.constant 32 : index
      %get3A_244 = tpu.vector_load %arg11[%get3A_242, %get3A_243] {strides = array<i32>} : memref<400x64xf32, #tpu.memory_space<vmem>>, vector<1x16xf32>,
      %get3A_245 = vector.shape_cast %get3A_244 : vector<1x16xf32> to vector<16xf32>
      %mul3A_246 = vector.broadcast %squeeze3A_221 : f32 to vector<16xf32>
      %mul3A_247 = arith.mulf %mul3A_246, %get3A_245 : vector<16xf32>
      %add3A_248 = arith.addf %add3A_210, %mul3A_247 : vector<16xf32>
      %add3A_249 = arith.constant 2 : i32
      %add3A_250 = arith.addi %mul3A_114, %add3A_249 : i32
      %get3A_251 = arith.index_cast %add3A_250 : i32 to index
      %get3A_252 = arith.constant 48 : index
      %get3A_253 = tpu.vector_load %arg11[%get3A_251, %get3A_252] {strides = array<i32>} : memref<400x64xf32, #tpu.memory_space<vmem>>, vector<1x16xf32>,
      %get3A_254 = vector.shape_cast %get3A_253 : vector<1x16xf32> to vector<16xf32>
      %mul3A_255 = vector.broadcast %squeeze3A_221 : f32 to vector<16xf32>
      %mul3A_256 = arith.mulf %mul3A_255, %get3A_254 : vector<16xf32>
      %add3A_257 = arith.addf %add3A_219, %mul3A_256 : vector<16xf32>
      %slice3A_258 = vector.extract_strided_slice %get3A_133 {offsets = [3], sizes = [1], strides = [1]} : vector<16xf32> to vector<1xf32>
      %squeeze3A_259 = vector.extract %slice3A_258[0] : f32 from vector<1xf32>
      %add3A_260 = arith.constant 3 : i32
      %add3A_261 = arith.addi %mul3A_114, %add3A_260 : i32
      %get3A_262 = arith.index_cast %add3A_261 : i32 to index
      %get3A_263 = arith.constant 0 : index
      %get3A_264 = tpu.vector_load %arg11[%get3A_262, %get3A_263] {strides = array<i32>} : memref<400x64xf32, #tpu.memory_space<vmem>>, vector<1x16xf32>,
      %get3A_265 = vector.shape_cast %get3A_264 : vector<1x16xf32> to vector<16xf32>
      %mul3A_266 = vector.broadcast %squeeze3A_259 : f32 to vector<16xf32>
      %mul3A_267 = arith.mulf %mul3A_266, %get3A_265 : vector<16xf32>
      %add3A_268 = arith.addf %add3A_230, %mul3A_267 : vector<16xf32>
      %add3A_269 = arith.constant 3 : i32
      %add3A_270 = arith.addi %mul3A_114, %add3A_269 : i32
      %get3A_271 = arith.index_cast %add3A_270 : i32 to index
      %get3A_272 = arith.constant 16 : index
      %get3A_273 = tpu.vector_load %arg11[%get3A_271, %get3A_272] {strides = array<i32>} : memref<400x64xf32, #tpu.memory_space<vmem>>, vector<1x16xf32>,
      %get3A_274 = vector.shape_cast %get3A_273 : vector<1x16xf32> to vector<16xf32>
      %mul3A_275 = vector.broadcast %squeeze3A_259 : f32 to vector<16xf32>
      %mul3A_276 = arith.mulf %mul3A_275, %get3A_274 : vector<16xf32>
      %add3A_277 = arith.addf %add3A_239, %mul3A_276 : vector<16xf32>
      %add3A_278 = arith.constant 3 : i32
      %add3A_279 = arith.addi %mul3A_114, %add3A_278 : i32
      %get3A_280 = arith.index_cast %add3A_279 : i32 to index
      %get3A_281 = arith.constant 32 : index
      %get3A_282 = tpu.vector_load %arg11[%get3A_280, %get3A_281] {strides = array<i32>} : memref<400x64xf32, #tpu.memory_space<vmem>>, vector<1x16xf32>,
      %get3A_283 = vector.shape_cast %get3A_282 : vector<1x16xf32> to vector<16xf32>
      %mul3A_284 = vector.broadcast %squeeze3A_259 : f32 to vector<16xf32>
      %mul3A_285 = arith.mulf %mul3A_284, %get3A_283 : vector<16xf32>
      %add3A_286 = arith.addf %add3A_248, %mul3A_285 : vector<16xf32>
      %add3A_287 = arith.constant 3 : i32
      %add3A_288 = arith.addi %mul3A_114, %add3A_287 : i32
      %get3A_289 = arith.index_cast %add3A_288 : i32 to index
      %get3A_290 = arith.constant 48 : index
      %get3A_291 = tpu.vector_load %arg11[%get3A_289, %get3A_290] {strides = array<i32>} : memref<400x64xf32, #tpu.memory_space<vmem>>, vector<1x16xf32>,
      %get3A_292 = vector.shape_cast %get3A_291 : vector<1x16xf32> to vector<16xf32>
      %mul3A_293 = vector.broadcast %squeeze3A_259 : f32 to vector<16xf32>
      %mul3A_294 = arith.mulf %mul3A_293, %get3A_292 : vector<16xf32>
      %add3A_295 = arith.addf %add3A_257, %mul3A_294 : vector<16xf32>
      %slice3A_296 = vector.extract_strided_slice %get3A_133 {offsets = [4], sizes = [1], strides = [1]} : vector<16xf32> to vector<1xf32>
      %squeeze3A_297 = vector.extract %slice3A_296[0] : f32 from vector<1xf32>
      %add3A_298 = arith.constant 4 : i32
      %add3A_299 = arith.addi %mul3A_114, %add3A_298 : i32
      %get3A_300 = arith.index_cast %add3A_299 : i32 to index
      %get3A_301 = arith.constant 0 : index
      %get3A_302 = tpu.vector_load %arg11[%get3A_300, %get3A_301] {strides = array<i32>} : memref<400x64xf32, #tpu.memory_space<vmem>>, vector<1x16xf32>,
      %get3A_303 = vector.shape_cast %get3A_302 : vector<1x16xf32> to vector<16xf32>
      %mul3A_304 = vector.broadcast %squeeze3A_297 : f32 to vector<16xf32>
      %mul3A_305 = arith.mulf %mul3A_304, %get3A_303 : vector<16xf32>
      %add3A_306 = arith.addf %add3A_268, %mul3A_305 : vector<16xf32>
      %add3A_307 = arith.constant 4 : i32
      %add3A_308 = arith.addi %mul3A_114, %add3A_307 : i32
      %get3A_309 = arith.index_cast %add3A_308 : i32 to index
      %get3A_310 = arith.constant 16 : index
      %get3A_311 = tpu.vector_load %arg11[%get3A_309, %get3A_310] {strides = array<i32>} : memref<400x64xf32, #tpu.memory_space<vmem>>, vector<1x16xf32>,
      %get3A_312 = vector.shape_cast %get3A_311 : vector<1x16xf32> to vector<16xf32>
      %mul3A_313 = vector.broadcast %squeeze3A_297 : f32 to vector<16xf32>
      %mul3A_314 = arith.mulf %mul3A_313, %get3A_312 : vector<16xf32>
      %add3A_315 = arith.addf %add3A_277, %mul3A_314 : vector<16xf32>
      %add3A_316 = arith.constant 4 : i32
      %add3A_317 = arith.addi %mul3A_114, %add3A_316 : i32
      %get3A_318 = arith.index_cast %add3A_317 : i32 to index
      %get3A_319 = arith.constant 32 : index
      %get3A_320 = tpu.vector_load %arg11[%get3A_318, %get3A_319] {strides = array<i32>} : memref<400x64xf32, #tpu.memory_space<vmem>>, vector<1x16xf32>,
      %get3A_321 = vector.shape_cast %get3A_320 : vector<1x16xf32> to vector<16xf32>
      %mul3A_322 = vector.broadcast %squeeze3A_297 : f32 to vector<16xf32>
      %mul3A_323 = arith.mulf %mul3A_322, %get3A_321 : vector<16xf32>
      %add3A_324 = arith.addf %add3A_286, %mul3A_323 : vector<16xf32>
      %add3A_325 = arith.constant 4 : i32
      %add3A_326 = arith.addi %mul3A_114, %add3A_325 : i32
      %get3A_327 = arith.index_cast %add3A_326 : i32 to index
      %get3A_328 = arith.constant 48 : index
      %get3A_329 = tpu.vector_load %arg11[%get3A_327, %get3A_328] {strides = array<i32>} : memref<400x64xf32, #tpu.memory_space<vmem>>, vector<1x16xf32>,
      %get3A_330 = vector.shape_cast %get3A_329 : vector<1x16xf32> to vector<16xf32>
      %mul3A_331 = vector.broadcast %squeeze3A_297 : f32 to vector<16xf32>
      %mul3A_332 = arith.mulf %mul3A_331, %get3A_330 : vector<16xf32>
      %add3A_333 = arith.addf %add3A_295, %mul3A_332 : vector<16xf32>
      %slice3A_334 = vector.extract_strided_slice %get3A_133 {offsets = [5], sizes = [1], strides = [1]} : vector<16xf32> to vector<1xf32>
      %squeeze3A_335 = vector.extract %slice3A_334[0] : f32 from vector<1xf32>
      %add3A_336 = arith.constant 5 : i32
      %add3A_337 = arith.addi %mul3A_114, %add3A_336 : i32
      %get3A_338 = arith.index_cast %add3A_337 : i32 to index
      %get3A_339 = arith.constant 0 : index
      %get3A_340 = tpu.vector_load %arg11[%get3A_338, %get3A_339] {strides = array<i32>} : memref<400x64xf32, #tpu.memory_space<vmem>>, vector<1x16xf32>,
      %get3A_341 = vector.shape_cast %get3A_340 : vector<1x16xf32> to vector<16xf32>
      %mul3A_342 = vector.broadcast %squeeze3A_335 : f32 to vector<16xf32>
      %mul3A_343 = arith.mulf %mul3A_342, %get3A_341 : vector<16xf32>
      %add3A_344 = arith.addf %add3A_306, %mul3A_343 : vector<16xf32>
      %add3A_345 = arith.constant 5 : i32
      %add3A_346 = arith.addi %mul3A_114, %add3A_345 : i32
      %get3A_347 = arith.index_cast %add3A_346 : i32 to index
      %get3A_348 = arith.constant 16 : index
      %get3A_349 = tpu.vector_load %arg11[%get3A_347, %get3A_348] {strides = array<i32>} : memref<400x64xf32, #tpu.memory_space<vmem>>, vector<1x16xf32>,
      %get3A_350 = vector.shape_cast %get3A_349 : vector<1x16xf32> to vector<16xf32>
      %mul3A_351 = vector.broadcast %squeeze3A_335 : f32 to vector<16xf32>
      %mul3A_352 = arith.mulf %mul3A_351, %get3A_350 : vector<16xf32>
      %add3A_353 = arith.addf %add3A_315, %mul3A_352 : vector<16xf32>
      %add3A_354 = arith.constant 5 : i32
      %add3A_355 = arith.addi %mul3A_114, %add3A_354 : i32
      %get3A_356 = arith.index_cast %add3A_355 : i32 to index
      %get3A_357 = arith.constant 32 : index
      %get3A_358 = tpu.vector_load %arg11[%get3A_356, %get3A_357] {strides = array<i32>} : memref<400x64xf32, #tpu.memory_space<vmem>>, vector<1x16xf32>,
      %get3A_359 = vector.shape_cast %get3A_358 : vector<1x16xf32> to vector<16xf32>
      %mul3A_360 = vector.broadcast %squeeze3A_335 : f32 to vector<16xf32>
      %mul3A_361 = arith.mulf %mul3A_360, %get3A_359 : vector<16xf32>
      %add3A_362 = arith.addf %add3A_324, %mul3A_361 : vector<16xf32>
      %add3A_363 = arith.constant 5 : i32
      %add3A_364 = arith.addi %mul3A_114, %add3A_363 : i32
      %get3A_365 = arith.index_cast %add3A_364 : i32 to index
      %get3A_366 = arith.constant 48 : index
      %get3A_367 = tpu.vector_load %arg11[%get3A_365, %get3A_366] {strides = array<i32>} : memref<400x64xf32, #tpu.memory_space<vmem>>, vector<1x16xf32>,
      %get3A_368 = vector.shape_cast %get3A_367 : vector<1x16xf32> to vector<16xf32>
      %mul3A_369 = vector.broadcast %squeeze3A_335 : f32 to vector<16xf32>
      %mul3A_370 = arith.mulf %mul3A_369, %get3A_368 : vector<16xf32>
      %add3A_371 = arith.addf %add3A_333, %mul3A_370 : vector<16xf32>
      %slice3A_372 = vector.extract_strided_slice %get3A_133 {offsets = [6], sizes = [1], strides = [1]} : vector<16xf32> to vector<1xf32>
      %squeeze3A_373 = vector.extract %slice3A_372[0] : f32 from vector<1xf32>
      %add3A_374 = arith.constant 6 : i32
      %add3A_375 = arith.addi %mul3A_114, %add3A_374 : i32
      %get3A_376 = arith.index_cast %add3A_375 : i32 to index
      %get3A_377 = arith.constant 0 : index
      %get3A_378 = tpu.vector_load %arg11[%get3A_376, %get3A_377] {strides = array<i32>} : memref<400x64xf32, #tpu.memory_space<vmem>>, vector<1x16xf32>,
      %get3A_379 = vector.shape_cast %get3A_378 : vector<1x16xf32> to vector<16xf32>
      %mul3A_380 = vector.broadcast %squeeze3A_373 : f32 to vector<16xf32>
      %mul3A_381 = arith.mulf %mul3A_380, %get3A_379 : vector<16xf32>
      %add3A_382 = arith.addf %add3A_344, %mul3A_381 : vector<16xf32>
      %add3A_383 = arith.constant 6 : i32
      %add3A_384 = arith.addi %mul3A_114, %add3A_383 : i32
      %get3A_385 = arith.index_cast %add3A_384 : i32 to index
      %get3A_386 = arith.constant 16 : index
      %get3A_387 = tpu.vector_load %arg11[%get3A_385, %get3A_386] {strides = array<i32>} : memref<400x64xf32, #tpu.memory_space<vmem>>, vector<1x16xf32>,
      %get3A_388 = vector.shape_cast %get3A_387 : vector<1x16xf32> to vector<16xf32>
      %mul3A_389 = vector.broadcast %squeeze3A_373 : f32 to vector<16xf32>
      %mul3A_390 = arith.mulf %mul3A_389, %get3A_388 : vector<16xf32>
      %add3A_391 = arith.addf %add3A_353, %mul3A_390 : vector<16xf32>
      %add3A_392 = arith.constant 6 : i32
      %add3A_393 = arith.addi %mul3A_114, %add3A_392 : i32
      %get3A_394 = arith.index_cast %add3A_393 : i32 to index
      %get3A_395 = arith.constant 32 : index
      %get3A_396 = tpu.vector_load %arg11[%get3A_394, %get3A_395] {strides = array<i32>} : memref<400x64xf32, #tpu.memory_space<vmem>>, vector<1x16xf32>,
      %get3A_397 = vector.shape_cast %get3A_396 : vector<1x16xf32> to vector<16xf32>
      %mul3A_398 = vector.broadcast %squeeze3A_373 : f32 to vector<16xf32>
      %mul3A_399 = arith.mulf %mul3A_398, %get3A_397 : vector<16xf32>
      %add3A_400 = arith.addf %add3A_362, %mul3A_399 : vector<16xf32>
      %add3A_401 = arith.constant 6 : i32
      %add3A_402 = arith.addi %mul3A_114, %add3A_401 : i32
      %get3A_403 = arith.index_cast %add3A_402 : i32 to index
      %get3A_404 = arith.constant 48 : index
      %get3A_405 = tpu.vector_load %arg11[%get3A_403, %get3A_404] {strides = array<i32>} : memref<400x64xf32, #tpu.memory_space<vmem>>, vector<1x16xf32>,
      %get3A_406 = vector.shape_cast %get3A_405 : vector<1x16xf32> to vector<16xf32>
      %mul3A_407 = vector.broadcast %squeeze3A_373 : f32 to vector<16xf32>
      %mul3A_408 = arith.mulf %mul3A_407, %get3A_406 : vector<16xf32>
      %add3A_409 = arith.addf %add3A_371, %mul3A_408 : vector<16xf32>
      %slice3A_410 = vector.extract_strided_slice %get3A_133 {offsets = [7], sizes = [1], strides = [1]} : vector<16xf32> to vector<1xf32>
      %squeeze3A_411 = vector.extract %slice3A_410[0] : f32 from vector<1xf32>
      %add3A_412 = arith.constant 7 : i32
      %add3A_413 = arith.addi %mul3A_114, %add3A_412 : i32
      %get3A_414 = arith.index_cast %add3A_413 : i32 to index
      %get3A_415 = arith.constant 0 : index
      %get3A_416 = tpu.vector_load %arg11[%get3A_414, %get3A_415] {strides = array<i32>} : memref<400x64xf32, #tpu.memory_space<vmem>>, vector<1x16xf32>,
      %get3A_417 = vector.shape_cast %get3A_416 : vector<1x16xf32> to vector<16xf32>
      %mul3A_418 = vector.broadcast %squeeze3A_411 : f32 to vector<16xf32>
      %mul3A_419 = arith.mulf %mul3A_418, %get3A_417 : vector<16xf32>
      %add3A_420 = arith.addf %add3A_382, %mul3A_419 : vector<16xf32>
      %add3A_421 = arith.constant 7 : i32
      %add3A_422 = arith.addi %mul3A_114, %add3A_421 : i32
      %get3A_423 = arith.index_cast %add3A_422 : i32 to index
      %get3A_424 = arith.constant 16 : index
      %get3A_425 = tpu.vector_load %arg11[%get3A_423, %get3A_424] {strides = array<i32>} : memref<400x64xf32, #tpu.memory_space<vmem>>, vector<1x16xf32>,
      %get3A_426 = vector.shape_cast %get3A_425 : vector<1x16xf32> to vector<16xf32>
      %mul3A_427 = vector.broadcast %squeeze3A_411 : f32 to vector<16xf32>
      %mul3A_428 = arith.mulf %mul3A_427, %get3A_426 : vector<16xf32>
      %add3A_429 = arith.addf %add3A_391, %mul3A_428 : vector<16xf32>
      %add3A_430 = arith.constant 7 : i32
      %add3A_431 = arith.addi %mul3A_114, %add3A_430 : i32
      %get3A_432 = arith.index_cast %add3A_431 : i32 to index
      %get3A_433 = arith.constant 32 : index
      %get3A_434 = tpu.vector_load %arg11[%get3A_432, %get3A_433] {strides = array<i32>} : memref<400x64xf32, #tpu.memory_space<vmem>>, vector<1x16xf32>,
      %get3A_435 = vector.shape_cast %get3A_434 : vector<1x16xf32> to vector<16xf32>
      %mul3A_436 = vector.broadcast %squeeze3A_411 : f32 to vector<16xf32>
      %mul3A_437 = arith.mulf %mul3A_436, %get3A_435 : vector<16xf32>
      %add3A_438 = arith.addf %add3A_400, %mul3A_437 : vector<16xf32>
      %add3A_439 = arith.constant 7 : i32
      %add3A_440 = arith.addi %mul3A_114, %add3A_439 : i32
      %get3A_441 = arith.index_cast %add3A_440 : i32 to index
      %get3A_442 = arith.constant 48 : index
      %get3A_443 = tpu.vector_load %arg11[%get3A_441, %get3A_442] {strides = array<i32>} : memref<400x64xf32, #tpu.memory_space<vmem>>, vector<1x16xf32>,
      %get3A_444 = vector.shape_cast %get3A_443 : vector<1x16xf32> to vector<16xf32>
      %mul3A_445 = vector.broadcast %squeeze3A_411 : f32 to vector<16xf32>
      %mul3A_446 = arith.mulf %mul3A_445, %get3A_444 : vector<16xf32>
      %add3A_447 = arith.addf %add3A_409, %mul3A_446 : vector<16xf32>
      %slice3A_448 = vector.extract_strided_slice %get3A_133 {offsets = [8], sizes = [1], strides = [1]} : vector<16xf32> to vector<1xf32>
      %squeeze3A_449 = vector.extract %slice3A_448[0] : f32 from vector<1xf32>
      %add3A_450 = arith.constant 8 : i32
      %add3A_451 = arith.addi %mul3A_114, %add3A_450 : i32
      %get3A_452 = arith.index_cast %add3A_451 : i32 to index
      %get3A_453 = arith.constant 0 : index
      %get3A_454 = tpu.vector_load %arg11[%get3A_452, %get3A_453] {strides = array<i32>} : memref<400x64xf32, #tpu.memory_space<vmem>>, vector<1x16xf32>,
      %get3A_455 = vector.shape_cast %get3A_454 : vector<1x16xf32> to vector<16xf32>
      %mul3A_456 = vector.broadcast %squeeze3A_449 : f32 to vector<16xf32>
      %mul3A_457 = arith.mulf %mul3A_456, %get3A_455 : vector<16xf32>
      %add3A_458 = arith.addf %add3A_420, %mul3A_457 : vector<16xf32>
      %add3A_459 = arith.constant 8 : i32
      %add3A_460 = arith.addi %mul3A_114, %add3A_459 : i32
      %get3A_461 = arith.index_cast %add3A_460 : i32 to index
      %get3A_462 = arith.constant 16 : index
      %get3A_463 = tpu.vector_load %arg11[%get3A_461, %get3A_462] {strides = array<i32>} : memref<400x64xf32, #tpu.memory_space<vmem>>, vector<1x16xf32>,
      %get3A_464 = vector.shape_cast %get3A_463 : vector<1x16xf32> to vector<16xf32>
      %mul3A_465 = vector.broadcast %squeeze3A_449 : f32 to vector<16xf32>
      %mul3A_466 = arith.mulf %mul3A_465, %get3A_464 : vector<16xf32>
      %add3A_467 = arith.addf %add3A_429, %mul3A_466 : vector<16xf32>
      %add3A_468 = arith.constant 8 : i32
      %add3A_469 = arith.addi %mul3A_114, %add3A_468 : i32
      %get3A_470 = arith.index_cast %add3A_469 : i32 to index
      %get3A_471 = arith.constant 32 : index
      %get3A_472 = tpu.vector_load %arg11[%get3A_470, %get3A_471] {strides = array<i32>} : memref<400x64xf32, #tpu.memory_space<vmem>>, vector<1x16xf32>,
      %get3A_473 = vector.shape_cast %get3A_472 : vector<1x16xf32> to vector<16xf32>
      %mul3A_474 = vector.broadcast %squeeze3A_449 : f32 to vector<16xf32>
      %mul3A_475 = arith.mulf %mul3A_474, %get3A_473 : vector<16xf32>
      %add3A_476 = arith.addf %add3A_438, %mul3A_475 : vector<16xf32>
      %add3A_477 = arith.constant 8 : i32
      %add3A_478 = arith.addi %mul3A_114, %add3A_477 : i32
      %get3A_479 = arith.index_cast %add3A_478 : i32 to index
      %get3A_480 = arith.constant 48 : index
      %get3A_481 = tpu.vector_load %arg11[%get3A_479, %get3A_480] {strides = array<i32>} : memref<400x64xf32, #tpu.memory_space<vmem>>, vector<1x16xf32>,
      %get3A_482 = vector.shape_cast %get3A_481 : vector<1x16xf32> to vector<16xf32>
      %mul3A_483 = vector.broadcast %squeeze3A_449 : f32 to vector<16xf32>
      %mul3A_484 = arith.mulf %mul3A_483, %get3A_482 : vector<16xf32>
      %add3A_485 = arith.addf %add3A_447, %mul3A_484 : vector<16xf32>
      %slice3A_486 = vector.extract_strided_slice %get3A_133 {offsets = [9], sizes = [1], strides = [1]} : vector<16xf32> to vector<1xf32>
      %squeeze3A_487 = vector.extract %slice3A_486[0] : f32 from vector<1xf32>
      %add3A_488 = arith.constant 9 : i32
      %add3A_489 = arith.addi %mul3A_114, %add3A_488 : i32
      %get3A_490 = arith.index_cast %add3A_489 : i32 to index
      %get3A_491 = arith.constant 0 : index
      %get3A_492 = tpu.vector_load %arg11[%get3A_490, %get3A_491] {strides = array<i32>} : memref<400x64xf32, #tpu.memory_space<vmem>>, vector<1x16xf32>,
      %get3A_493 = vector.shape_cast %get3A_492 : vector<1x16xf32> to vector<16xf32>
      %mul3A_494 = vector.broadcast %squeeze3A_487 : f32 to vector<16xf32>
      %mul3A_495 = arith.mulf %mul3A_494, %get3A_493 : vector<16xf32>
      %add3A_496 = arith.addf %add3A_458, %mul3A_495 : vector<16xf32>
      %add3A_497 = arith.constant 9 : i32
      %add3A_498 = arith.addi %mul3A_114, %add3A_497 : i32
      %get3A_499 = arith.index_cast %add3A_498 : i32 to index
      %get3A_500 = arith.constant 16 : index
      %get3A_501 = tpu.vector_load %arg11[%get3A_499, %get3A_500] {strides = array<i32>} : memref<400x64xf32, #tpu.memory_space<vmem>>, vector<1x16xf32>,
      %get3A_502 = vector.shape_cast %get3A_501 : vector<1x16xf32> to vector<16xf32>
      %mul3A_503 = vector.broadcast %squeeze3A_487 : f32 to vector<16xf32>
      %mul3A_504 = arith.mulf %mul3A_503, %get3A_502 : vector<16xf32>
      %add3A_505 = arith.addf %add3A_467, %mul3A_504 : vector<16xf32>
      %add3A_506 = arith.constant 9 : i32
      %add3A_507 = arith.addi %mul3A_114, %add3A_506 : i32
      %get3A_508 = arith.index_cast %add3A_507 : i32 to index
      %get3A_509 = arith.constant 32 : index
      %get3A_510 = tpu.vector_load %arg11[%get3A_508, %get3A_509] {strides = array<i32>} : memref<400x64xf32, #tpu.memory_space<vmem>>, vector<1x16xf32>,
      %get3A_511 = vector.shape_cast %get3A_510 : vector<1x16xf32> to vector<16xf32>
      %mul3A_512 = vector.broadcast %squeeze3A_487 : f32 to vector<16xf32>
      %mul3A_513 = arith.mulf %mul3A_512, %get3A_511 : vector<16xf32>
      %add3A_514 = arith.addf %add3A_476, %mul3A_513 : vector<16xf32>
      %add3A_515 = arith.constant 9 : i32
      %add3A_516 = arith.addi %mul3A_114, %add3A_515 : i32
      %get3A_517 = arith.index_cast %add3A_516 : i32 to index
      %get3A_518 = arith.constant 48 : index
      %get3A_519 = tpu.vector_load %arg11[%get3A_517, %get3A_518] {strides = array<i32>} : memref<400x64xf32, #tpu.memory_space<vmem>>, vector<1x16xf32>,
      %get3A_520 = vector.shape_cast %get3A_519 : vector<1x16xf32> to vector<16xf32>
      %mul3A_521 = vector.broadcast %squeeze3A_487 : f32 to vector<16xf32>
      %mul3A_522 = arith.mulf %mul3A_521, %get3A_520 : vector<16xf32>
      %add3A_523 = arith.addf %add3A_485, %mul3A_522 : vector<16xf32>
      %slice3A_524 = vector.extract_strided_slice %get3A_133 {offsets = [10], sizes = [1], strides = [1]} : vector<16xf32> to vector<1xf32>
      %squeeze3A_525 = vector.extract %slice3A_524[0] : f32 from vector<1xf32>
      %add3A_526 = arith.constant 10 : i32
      %add3A_527 = arith.addi %mul3A_114, %add3A_526 : i32
      %get3A_528 = arith.index_cast %add3A_527 : i32 to index
      %get3A_529 = arith.constant 0 : index
      %get3A_530 = tpu.vector_load %arg11[%get3A_528, %get3A_529] {strides = array<i32>} : memref<400x64xf32, #tpu.memory_space<vmem>>, vector<1x16xf32>,
      %get3A_531 = vector.shape_cast %get3A_530 : vector<1x16xf32> to vector<16xf32>
      %mul3A_532 = vector.broadcast %squeeze3A_525 : f32 to vector<16xf32>
      %mul3A_533 = arith.mulf %mul3A_532, %get3A_531 : vector<16xf32>
      %add3A_534 = arith.addf %add3A_496, %mul3A_533 : vector<16xf32>
      %add3A_535 = arith.constant 10 : i32
      %add3A_536 = arith.addi %mul3A_114, %add3A_535 : i32
      %get3A_537 = arith.index_cast %add3A_536 : i32 to index
      %get3A_538 = arith.constant 16 : index
      %get3A_539 = tpu.vector_load %arg11[%get3A_537, %get3A_538] {strides = array<i32>} : memref<400x64xf32, #tpu.memory_space<vmem>>, vector<1x16xf32>,
      %get3A_540 = vector.shape_cast %get3A_539 : vector<1x16xf32> to vector<16xf32>
      %mul3A_541 = vector.broadcast %squeeze3A_525 : f32 to vector<16xf32>
      %mul3A_542 = arith.mulf %mul3A_541, %get3A_540 : vector<16xf32>
      %add3A_543 = arith.addf %add3A_505, %mul3A_542 : vector<16xf32>
      %add3A_544 = arith.constant 10 : i32
      %add3A_545 = arith.addi %mul3A_114, %add3A_544 : i32
      %get3A_546 = arith.index_cast %add3A_545 : i32 to index
      %get3A_547 = arith.constant 32 : index
      %get3A_548 = tpu.vector_load %arg11[%get3A_546, %get3A_547] {strides = array<i32>} : memref<400x64xf32, #tpu.memory_space<vmem>>, vector<1x16xf32>,
      %get3A_549 = vector.shape_cast %get3A_548 : vector<1x16xf32> to vector<16xf32>
      %mul3A_550 = vector.broadcast %squeeze3A_525 : f32 to vector<16xf32>
      %mul3A_551 = arith.mulf %mul3A_550, %get3A_549 : vector<16xf32>
      %add3A_552 = arith.addf %add3A_514, %mul3A_551 : vector<16xf32>
      %add3A_553 = arith.constant 10 : i32
      %add3A_554 = arith.addi %mul3A_114, %add3A_553 : i32
      %get3A_555 = arith.index_cast %add3A_554 : i32 to index
      %get3A_556 = arith.constant 48 : index
      %get3A_557 = tpu.vector_load %arg11[%get3A_555, %get3A_556] {strides = array<i32>} : memref<400x64xf32, #tpu.memory_space<vmem>>, vector<1x16xf32>,
      %get3A_558 = vector.shape_cast %get3A_557 : vector<1x16xf32> to vector<16xf32>
      %mul3A_559 = vector.broadcast %squeeze3A_525 : f32 to vector<16xf32>
      %mul3A_560 = arith.mulf %mul3A_559, %get3A_558 : vector<16xf32>
      %add3A_561 = arith.addf %add3A_523, %mul3A_560 : vector<16xf32>
      %slice3A_562 = vector.extract_strided_slice %get3A_133 {offsets = [11], sizes = [1], strides = [1]} : vector<16xf32> to vector<1xf32>
      %squeeze3A_563 = vector.extract %slice3A_562[0] : f32 from vector<1xf32>
      %add3A_564 = arith.constant 11 : i32
      %add3A_565 = arith.addi %mul3A_114, %add3A_564 : i32
      %get3A_566 = arith.index_cast %add3A_565 : i32 to index
      %get3A_567 = arith.constant 0 : index
      %get3A_568 = tpu.vector_load %arg11[%get3A_566, %get3A_567] {strides = array<i32>} : memref<400x64xf32, #tpu.memory_space<vmem>>, vector<1x16xf32>,
      %get3A_569 = vector.shape_cast %get3A_568 : vector<1x16xf32> to vector<16xf32>
      %mul3A_570 = vector.broadcast %squeeze3A_563 : f32 to vector<16xf32>
      %mul3A_571 = arith.mulf %mul3A_570, %get3A_569 : vector<16xf32>
      %add3A_572 = arith.addf %add3A_534, %mul3A_571 : vector<16xf32>
      %add3A_573 = arith.constant 11 : i32
      %add3A_574 = arith.addi %mul3A_114, %add3A_573 : i32
      %get3A_575 = arith.index_cast %add3A_574 : i32 to index
      %get3A_576 = arith.constant 16 : index
      %get3A_577 = tpu.vector_load %arg11[%get3A_575, %get3A_576] {strides = array<i32>} : memref<400x64xf32, #tpu.memory_space<vmem>>, vector<1x16xf32>,
      %get3A_578 = vector.shape_cast %get3A_577 : vector<1x16xf32> to vector<16xf32>
      %mul3A_579 = vector.broadcast %squeeze3A_563 : f32 to vector<16xf32>
      %mul3A_580 = arith.mulf %mul3A_579, %get3A_578 : vector<16xf32>
      %add3A_581 = arith.addf %add3A_543, %mul3A_580 : vector<16xf32>
      %add3A_582 = arith.constant 11 : i32
      %add3A_583 = arith.addi %mul3A_114, %add3A_582 : i32
      %get3A_584 = arith.index_cast %add3A_583 : i32 to index
      %get3A_585 = arith.constant 32 : index
      %get3A_586 = tpu.vector_load %arg11[%get3A_584, %get3A_585] {strides = array<i32>} : memref<400x64xf32, #tpu.memory_space<vmem>>, vector<1x16xf32>,
      %get3A_587 = vector.shape_cast %get3A_586 : vector<1x16xf32> to vector<16xf32>
      %mul3A_588 = vector.broadcast %squeeze3A_563 : f32 to vector<16xf32>
      %mul3A_589 = arith.mulf %mul3A_588, %get3A_587 : vector<16xf32>
      %add3A_590 = arith.addf %add3A_552, %mul3A_589 : vector<16xf32>
      %add3A_591 = arith.constant 11 : i32
      %add3A_592 = arith.addi %mul3A_114, %add3A_591 : i32
      %get3A_593 = arith.index_cast %add3A_592 : i32 to index
      %get3A_594 = arith.constant 48 : index
      %get3A_595 = tpu.vector_load %arg11[%get3A_593, %get3A_594] {strides = array<i32>} : memref<400x64xf32, #tpu.memory_space<vmem>>, vector<1x16xf32>,
      %get3A_596 = vector.shape_cast %get3A_595 : vector<1x16xf32> to vector<16xf32>
      %mul3A_597 = vector.broadcast %squeeze3A_563 : f32 to vector<16xf32>
      %mul3A_598 = arith.mulf %mul3A_597, %get3A_596 : vector<16xf32>
      %add3A_599 = arith.addf %add3A_561, %mul3A_598 : vector<16xf32>
      %slice3A_600 = vector.extract_strided_slice %get3A_133 {offsets = [12], sizes = [1], strides = [1]} : vector<16xf32> to vector<1xf32>
      %squeeze3A_601 = vector.extract %slice3A_600[0] : f32 from vector<1xf32>
      %add3A_602 = arith.constant 12 : i32
      %add3A_603 = arith.addi %mul3A_114, %add3A_602 : i32
      %get3A_604 = arith.index_cast %add3A_603 : i32 to index
      %get3A_605 = arith.constant 0 : index
      %get3A_606 = tpu.vector_load %arg11[%get3A_604, %get3A_605] {strides = array<i32>} : memref<400x64xf32, #tpu.memory_space<vmem>>, vector<1x16xf32>,
      %get3A_607 = vector.shape_cast %get3A_606 : vector<1x16xf32> to vector<16xf32>
      %mul3A_608 = vector.broadcast %squeeze3A_601 : f32 to vector<16xf32>
      %mul3A_609 = arith.mulf %mul3A_608, %get3A_607 : vector<16xf32>
      %add3A_610 = arith.addf %add3A_572, %mul3A_609 : vector<16xf32>
      %add3A_611 = arith.constant 12 : i32
      %add3A_612 = arith.addi %mul3A_114, %add3A_611 : i32
      %get3A_613 = arith.index_cast %add3A_612 : i32 to index
      %get3A_614 = arith.constant 16 : index
      %get3A_615 = tpu.vector_load %arg11[%get3A_613, %get3A_614] {strides = array<i32>} : memref<400x64xf32, #tpu.memory_space<vmem>>, vector<1x16xf32>,
      %get3A_616 = vector.shape_cast %get3A_615 : vector<1x16xf32> to vector<16xf32>
      %mul3A_617 = vector.broadcast %squeeze3A_601 : f32 to vector<16xf32>
      %mul3A_618 = arith.mulf %mul3A_617, %get3A_616 : vector<16xf32>
      %add3A_619 = arith.addf %add3A_581, %mul3A_618 : vector<16xf32>
      %add3A_620 = arith.constant 12 : i32
      %add3A_621 = arith.addi %mul3A_114, %add3A_620 : i32
      %get3A_622 = arith.index_cast %add3A_621 : i32 to index
      %get3A_623 = arith.constant 32 : index
      %get3A_624 = tpu.vector_load %arg11[%get3A_622, %get3A_623] {strides = array<i32>} : memref<400x64xf32, #tpu.memory_space<vmem>>, vector<1x16xf32>,
      %get3A_625 = vector.shape_cast %get3A_624 : vector<1x16xf32> to vector<16xf32>
      %mul3A_626 = vector.broadcast %squeeze3A_601 : f32 to vector<16xf32>
      %mul3A_627 = arith.mulf %mul3A_626, %get3A_625 : vector<16xf32>
      %add3A_628 = arith.addf %add3A_590, %mul3A_627 : vector<16xf32>
      %add3A_629 = arith.constant 12 : i32
      %add3A_630 = arith.addi %mul3A_114, %add3A_629 : i32
      %get3A_631 = arith.index_cast %add3A_630 : i32 to index
      %get3A_632 = arith.constant 48 : index
      %get3A_633 = tpu.vector_load %arg11[%get3A_631, %get3A_632] {strides = array<i32>} : memref<400x64xf32, #tpu.memory_space<vmem>>, vector<1x16xf32>,
      %get3A_634 = vector.shape_cast %get3A_633 : vector<1x16xf32> to vector<16xf32>
      %mul3A_635 = vector.broadcast %squeeze3A_601 : f32 to vector<16xf32>
      %mul3A_636 = arith.mulf %mul3A_635, %get3A_634 : vector<16xf32>
      %add3A_637 = arith.addf %add3A_599, %mul3A_636 : vector<16xf32>
      %slice3A_638 = vector.extract_strided_slice %get3A_133 {offsets = [13], sizes = [1], strides = [1]} : vector<16xf32> to vector<1xf32>
      %squeeze3A_639 = vector.extract %slice3A_638[0] : f32 from vector<1xf32>
      %add3A_640 = arith.constant 13 : i32
      %add3A_641 = arith.addi %mul3A_114, %add3A_640 : i32
      %get3A_642 = arith.index_cast %add3A_641 : i32 to index
      %get3A_643 = arith.constant 0 : index
      %get3A_644 = tpu.vector_load %arg11[%get3A_642, %get3A_643] {strides = array<i32>} : memref<400x64xf32, #tpu.memory_space<vmem>>, vector<1x16xf32>,
      %get3A_645 = vector.shape_cast %get3A_644 : vector<1x16xf32> to vector<16xf32>
      %mul3A_646 = vector.broadcast %squeeze3A_639 : f32 to vector<16xf32>
      %mul3A_647 = arith.mulf %mul3A_646, %get3A_645 : vector<16xf32>
      %add3A_648 = arith.addf %add3A_610, %mul3A_647 : vector<16xf32>
      %add3A_649 = arith.constant 13 : i32
      %add3A_650 = arith.addi %mul3A_114, %add3A_649 : i32
      %get3A_651 = arith.index_cast %add3A_650 : i32 to index
      %get3A_652 = arith.constant 16 : index
      %get3A_653 = tpu.vector_load %arg11[%get3A_651, %get3A_652] {strides = array<i32>} : memref<400x64xf32, #tpu.memory_space<vmem>>, vector<1x16xf32>,
      %get3A_654 = vector.shape_cast %get3A_653 : vector<1x16xf32> to vector<16xf32>
      %mul3A_655 = vector.broadcast %squeeze3A_639 : f32 to vector<16xf32>
      %mul3A_656 = arith.mulf %mul3A_655, %get3A_654 : vector<16xf32>
      %add3A_657 = arith.addf %add3A_619, %mul3A_656 : vector<16xf32>
      %add3A_658 = arith.constant 13 : i32
      %add3A_659 = arith.addi %mul3A_114, %add3A_658 : i32
      %get3A_660 = arith.index_cast %add3A_659 : i32 to index
      %get3A_661 = arith.constant 32 : index
      %get3A_662 = tpu.vector_load %arg11[%get3A_660, %get3A_661] {strides = array<i32>} : memref<400x64xf32, #tpu.memory_space<vmem>>, vector<1x16xf32>,
      %get3A_663 = vector.shape_cast %get3A_662 : vector<1x16xf32> to vector<16xf32>
      %mul3A_664 = vector.broadcast %squeeze3A_639 : f32 to vector<16xf32>
      %mul3A_665 = arith.mulf %mul3A_664, %get3A_663 : vector<16xf32>
      %add3A_666 = arith.addf %add3A_628, %mul3A_665 : vector<16xf32>
      %add3A_667 = arith.constant 13 : i32
      %add3A_668 = arith.addi %mul3A_114, %add3A_667 : i32
      %get3A_669 = arith.index_cast %add3A_668 : i32 to index
      %get3A_670 = arith.constant 48 : index
      %get3A_671 = tpu.vector_load %arg11[%get3A_669, %get3A_670] {strides = array<i32>} : memref<400x64xf32, #tpu.memory_space<vmem>>, vector<1x16xf32>,
      %get3A_672 = vector.shape_cast %get3A_671 : vector<1x16xf32> to vector<16xf32>
      %mul3A_673 = vector.broadcast %squeeze3A_639 : f32 to vector<16xf32>
      %mul3A_674 = arith.mulf %mul3A_673, %get3A_672 : vector<16xf32>
      %add3A_675 = arith.addf %add3A_637, %mul3A_674 : vector<16xf32>
      %slice3A_676 = vector.extract_strided_slice %get3A_133 {offsets = [14], sizes = [1], strides = [1]} : vector<16xf32> to vector<1xf32>
      %squeeze3A_677 = vector.extract %slice3A_676[0] : f32 from vector<1xf32>
      %add3A_678 = arith.constant 14 : i32
      %add3A_679 = arith.addi %mul3A_114, %add3A_678 : i32
      %get3A_680 = arith.index_cast %add3A_679 : i32 to index
      %get3A_681 = arith.constant 0 : index
      %get3A_682 = tpu.vector_load %arg11[%get3A_680, %get3A_681] {strides = array<i32>} : memref<400x64xf32, #tpu.memory_space<vmem>>, vector<1x16xf32>,
      %get3A_683 = vector.shape_cast %get3A_682 : vector<1x16xf32> to vector<16xf32>
      %mul3A_684 = vector.broadcast %squeeze3A_677 : f32 to vector<16xf32>
      %mul3A_685 = arith.mulf %mul3A_684, %get3A_683 : vector<16xf32>
      %add3A_686 = arith.addf %add3A_648, %mul3A_685 : vector<16xf32>
      %add3A_687 = arith.constant 14 : i32
      %add3A_688 = arith.addi %mul3A_114, %add3A_687 : i32
      %get3A_689 = arith.index_cast %add3A_688 : i32 to index
      %get3A_690 = arith.constant 16 : index
      %get3A_691 = tpu.vector_load %arg11[%get3A_689, %get3A_690] {strides = array<i32>} : memref<400x64xf32, #tpu.memory_space<vmem>>, vector<1x16xf32>,
      %get3A_692 = vector.shape_cast %get3A_691 : vector<1x16xf32> to vector<16xf32>
      %mul3A_693 = vector.broadcast %squeeze3A_677 : f32 to vector<16xf32>
      %mul3A_694 = arith.mulf %mul3A_693, %get3A_692 : vector<16xf32>
      %add3A_695 = arith.addf %add3A_657, %mul3A_694 : vector<16xf32>
      %add3A_696 = arith.constant 14 : i32
      %add3A_697 = arith.addi %mul3A_114, %add3A_696 : i32
      %get3A_698 = arith.index_cast %add3A_697 : i32 to index
      %get3A_699 = arith.constant 32 : index
      %get3A_700 = tpu.vector_load %arg11[%get3A_698, %get3A_699] {strides = array<i32>} : memref<400x64xf32, #tpu.memory_space<vmem>>, vector<1x16xf32>,
      %get3A_701 = vector.shape_cast %get3A_700 : vector<1x16xf32> to vector<16xf32>
      %mul3A_702 = vector.broadcast %squeeze3A_677 : f32 to vector<16xf32>
      %mul3A_703 = arith.mulf %mul3A_702, %get3A_701 : vector<16xf32>
      %add3A_704 = arith.addf %add3A_666, %mul3A_703 : vector<16xf32>
      %add3A_705 = arith.constant 14 : i32
      %add3A_706 = arith.addi %mul3A_114, %add3A_705 : i32
      %get3A_707 = arith.index_cast %add3A_706 : i32 to index
      %get3A_708 = arith.constant 48 : index
      %get3A_709 = tpu.vector_load %arg11[%get3A_707, %get3A_708] {strides = array<i32>} : memref<400x64xf32, #tpu.memory_space<vmem>>, vector<1x16xf32>,
      %get3A_710 = vector.shape_cast %get3A_709 : vector<1x16xf32> to vector<16xf32>
      %mul3A_711 = vector.broadcast %squeeze3A_677 : f32 to vector<16xf32>
      %mul3A_712 = arith.mulf %mul3A_711, %get3A_710 : vector<16xf32>
      %add3A_713 = arith.addf %add3A_675, %mul3A_712 : vector<16xf32>
      %slice3A_714 = vector.extract_strided_slice %get3A_133 {offsets = [15], sizes = [1], strides = [1]} : vector<16xf32> to vector<1xf32>
      %squeeze3A_715 = vector.extract %slice3A_714[0] : f32 from vector<1xf32>
      %add3A_716 = arith.constant 15 : i32
      %add3A_717 = arith.addi %mul3A_114, %add3A_716 : i32
      %get3A_718 = arith.index_cast %add3A_717 : i32 to index
      %get3A_719 = arith.constant 0 : index
      %get3A_720 = tpu.vector_load %arg11[%get3A_718, %get3A_719] {strides = array<i32>} : memref<400x64xf32, #tpu.memory_space<vmem>>, vector<1x16xf32>,
      %get3A_721 = vector.shape_cast %get3A_720 : vector<1x16xf32> to vector<16xf32>
      %mul3A_722 = vector.broadcast %squeeze3A_715 : f32 to vector<16xf32>
      %mul3A_723 = arith.mulf %mul3A_722, %get3A_721 : vector<16xf32>
      %add3A_724 = arith.addf %add3A_686, %mul3A_723 : vector<16xf32>
      %add3A_725 = arith.constant 15 : i32
      %add3A_726 = arith.addi %mul3A_114, %add3A_725 : i32
      %get3A_727 = arith.index_cast %add3A_726 : i32 to index
      %get3A_728 = arith.constant 16 : index
      %get3A_729 = tpu.vector_load %arg11[%get3A_727, %get3A_728] {strides = array<i32>} : memref<400x64xf32, #tpu.memory_space<vmem>>, vector<1x16xf32>,
      %get3A_730 = vector.shape_cast %get3A_729 : vector<1x16xf32> to vector<16xf32>
      %mul3A_731 = vector.broadcast %squeeze3A_715 : f32 to vector<16xf32>
      %mul3A_732 = arith.mulf %mul3A_731, %get3A_730 : vector<16xf32>
      %add3A_733 = arith.addf %add3A_695, %mul3A_732 : vector<16xf32>
      %add3A_734 = arith.constant 15 : i32
      %add3A_735 = arith.addi %mul3A_114, %add3A_734 : i32
      %get3A_736 = arith.index_cast %add3A_735 : i32 to index
      %get3A_737 = arith.constant 32 : index
      %get3A_738 = tpu.vector_load %arg11[%get3A_736, %get3A_737] {strides = array<i32>} : memref<400x64xf32, #tpu.memory_space<vmem>>, vector<1x16xf32>,
      %get3A_739 = vector.shape_cast %get3A_738 : vector<1x16xf32> to vector<16xf32>
      %mul3A_740 = vector.broadcast %squeeze3A_715 : f32 to vector<16xf32>
      %mul3A_741 = arith.mulf %mul3A_740, %get3A_739 : vector<16xf32>
      %add3A_742 = arith.addf %add3A_704, %mul3A_741 : vector<16xf32>
      %add3A_743 = arith.constant 15 : i32
      %add3A_744 = arith.addi %mul3A_114, %add3A_743 : i32
      %get3A_745 = arith.index_cast %add3A_744 : i32 to index
      %get3A_746 = arith.constant 48 : index
      %get3A_747 = tpu.vector_load %arg11[%get3A_745, %get3A_746] {strides = array<i32>} : memref<400x64xf32, #tpu.memory_space<vmem>>, vector<1x16xf32>,
      %get3A_748 = vector.shape_cast %get3A_747 : vector<1x16xf32> to vector<16xf32>
      %mul3A_749 = vector.broadcast %squeeze3A_715 : f32 to vector<16xf32>
      %mul3A_750 = arith.mulf %mul3A_749, %get3A_748 : vector<16xf32>
      %add3A_751 = arith.addf %add3A_713, %mul3A_750 : vector<16xf32>
      %slice3A_752 = vector.extract_strided_slice %get3A_137 {offsets = [0], sizes = [1], strides = [1]} : vector<16xf32> to vector<1xf32>
      %squeeze3A_753 = vector.extract %slice3A_752[0] : f32 from vector<1xf32>
      %add3A_754 = arith.constant 16 : i32
      %add3A_755 = arith.addi %mul3A_114, %add3A_754 : i32
      %get3A_756 = arith.index_cast %add3A_755 : i32 to index
      %get3A_757 = arith.constant 0 : index
      %get3A_758 = tpu.vector_load %arg11[%get3A_756, %get3A_757] {strides = array<i32>} : memref<400x64xf32, #tpu.memory_space<vmem>>, vector<1x16xf32>,
      %get3A_759 = vector.shape_cast %get3A_758 : vector<1x16xf32> to vector<16xf32>
      %mul3A_760 = vector.broadcast %squeeze3A_753 : f32 to vector<16xf32>
      %mul3A_761 = arith.mulf %mul3A_760, %get3A_759 : vector<16xf32>
      %add3A_762 = arith.addf %add3A_724, %mul3A_761 : vector<16xf32>
      %add3A_763 = arith.constant 16 : i32
      %add3A_764 = arith.addi %mul3A_114, %add3A_763 : i32
      %get3A_765 = arith.index_cast %add3A_764 : i32 to index
      %get3A_766 = arith.constant 16 : index
      %get3A_767 = tpu.vector_load %arg11[%get3A_765, %get3A_766] {strides = array<i32>} : memref<400x64xf32, #tpu.memory_space<vmem>>, vector<1x16xf32>,
      %get3A_768 = vector.shape_cast %get3A_767 : vector<1x16xf32> to vector<16xf32>
      %mul3A_769 = vector.broadcast %squeeze3A_753 : f32 to vector<16xf32>
      %mul3A_770 = arith.mulf %mul3A_769, %get3A_768 : vector<16xf32>
      %add3A_771 = arith.addf %add3A_733, %mul3A_770 : vector<16xf32>
      %add3A_772 = arith.constant 16 : i32
      %add3A_773 = arith.addi %mul3A_114, %add3A_772 : i32
      %get3A_774 = arith.index_cast %add3A_773 : i32 to index
      %get3A_775 = arith.constant 32 : index
      %get3A_776 = tpu.vector_load %arg11[%get3A_774, %get3A_775] {strides = array<i32>} : memref<400x64xf32, #tpu.memory_space<vmem>>, vector<1x16xf32>,
      %get3A_777 = vector.shape_cast %get3A_776 : vector<1x16xf32> to vector<16xf32>
      %mul3A_778 = vector.broadcast %squeeze3A_753 : f32 to vector<16xf32>
      %mul3A_779 = arith.mulf %mul3A_778, %get3A_777 : vector<16xf32>
      %add3A_780 = arith.addf %add3A_742, %mul3A_779 : vector<16xf32>
      %add3A_781 = arith.constant 16 : i32
      %add3A_782 = arith.addi %mul3A_114, %add3A_781 : i32
      %get3A_783 = arith.index_cast %add3A_782 : i32 to index
      %get3A_784 = arith.constant 48 : index
      %get3A_785 = tpu.vector_load %arg11[%get3A_783, %get3A_784] {strides = array<i32>} : memref<400x64xf32, #tpu.memory_space<vmem>>, vector<1x16xf32>,
      %get3A_786 = vector.shape_cast %get3A_785 : vector<1x16xf32> to vector<16xf32>
      %mul3A_787 = vector.broadcast %squeeze3A_753 : f32 to vector<16xf32>
      %mul3A_788 = arith.mulf %mul3A_787, %get3A_786 : vector<16xf32>
      %add3A_789 = arith.addf %add3A_751, %mul3A_788 : vector<16xf32>
      %slice3A_790 = vector.extract_strided_slice %get3A_137 {offsets = [1], sizes = [1], strides = [1]} : vector<16xf32> to vector<1xf32>
      %squeeze3A_791 = vector.extract %slice3A_790[0] : f32 from vector<1xf32>
      %add3A_792 = arith.constant 17 : i32
      %add3A_793 = arith.addi %mul3A_114, %add3A_792 : i32
      %get3A_794 = arith.index_cast %add3A_793 : i32 to index
      %get3A_795 = arith.constant 0 : index
      %get3A_796 = tpu.vector_load %arg11[%get3A_794, %get3A_795] {strides = array<i32>} : memref<400x64xf32, #tpu.memory_space<vmem>>, vector<1x16xf32>,
      %get3A_797 = vector.shape_cast %get3A_796 : vector<1x16xf32> to vector<16xf32>
      %mul3A_798 = vector.broadcast %squeeze3A_791 : f32 to vector<16xf32>
      %mul3A_799 = arith.mulf %mul3A_798, %get3A_797 : vector<16xf32>
      %add3A_800 = arith.addf %add3A_762, %mul3A_799 : vector<16xf32>
      %add3A_801 = arith.constant 17 : i32
      %add3A_802 = arith.addi %mul3A_114, %add3A_801 : i32
      %get3A_803 = arith.index_cast %add3A_802 : i32 to index
      %get3A_804 = arith.constant 16 : index
      %get3A_805 = tpu.vector_load %arg11[%get3A_803, %get3A_804] {strides = array<i32>} : memref<400x64xf32, #tpu.memory_space<vmem>>, vector<1x16xf32>,
      %get3A_806 = vector.shape_cast %get3A_805 : vector<1x16xf32> to vector<16xf32>
      %mul3A_807 = vector.broadcast %squeeze3A_791 : f32 to vector<16xf32>
      %mul3A_808 = arith.mulf %mul3A_807, %get3A_806 : vector<16xf32>
      %add3A_809 = arith.addf %add3A_771, %mul3A_808 : vector<16xf32>
      %add3A_810 = arith.constant 17 : i32
      %add3A_811 = arith.addi %mul3A_114, %add3A_810 : i32
      %get3A_812 = arith.index_cast %add3A_811 : i32 to index
      %get3A_813 = arith.constant 32 : index
      %get3A_814 = tpu.vector_load %arg11[%get3A_812, %get3A_813] {strides = array<i32>} : memref<400x64xf32, #tpu.memory_space<vmem>>, vector<1x16xf32>,
      %get3A_815 = vector.shape_cast %get3A_814 : vector<1x16xf32> to vector<16xf32>
      %mul3A_816 = vector.broadcast %squeeze3A_791 : f32 to vector<16xf32>
      %mul3A_817 = arith.mulf %mul3A_816, %get3A_815 : vector<16xf32>
      %add3A_818 = arith.addf %add3A_780, %mul3A_817 : vector<16xf32>
      %add3A_819 = arith.constant 17 : i32
      %add3A_820 = arith.addi %mul3A_114, %add3A_819 : i32
      %get3A_821 = arith.index_cast %add3A_820 : i32 to index
      %get3A_822 = arith.constant 48 : index
      %get3A_823 = tpu.vector_load %arg11[%get3A_821, %get3A_822] {strides = array<i32>} : memref<400x64xf32, #tpu.memory_space<vmem>>, vector<1x16xf32>,
      %get3A_824 = vector.shape_cast %get3A_823 : vector<1x16xf32> to vector<16xf32>
      %mul3A_825 = vector.broadcast %squeeze3A_791 : f32 to vector<16xf32>
      %mul3A_826 = arith.mulf %mul3A_825, %get3A_824 : vector<16xf32>
      %add3A_827 = arith.addf %add3A_789, %mul3A_826 : vector<16xf32>
      %slice3A_828 = vector.extract_strided_slice %get3A_137 {offsets = [2], sizes = [1], strides = [1]} : vector<16xf32> to vector<1xf32>
      %squeeze3A_829 = vector.extract %slice3A_828[0] : f32 from vector<1xf32>
      %add3A_830 = arith.constant 18 : i32
      %add3A_831 = arith.addi %mul3A_114, %add3A_830 : i32
      %get3A_832 = arith.index_cast %add3A_831 : i32 to index
      %get3A_833 = arith.constant 0 : index
      %get3A_834 = tpu.vector_load %arg11[%get3A_832, %get3A_833] {strides = array<i32>} : memref<400x64xf32, #tpu.memory_space<vmem>>, vector<1x16xf32>,
      %get3A_835 = vector.shape_cast %get3A_834 : vector<1x16xf32> to vector<16xf32>
      %mul3A_836 = vector.broadcast %squeeze3A_829 : f32 to vector<16xf32>
      %mul3A_837 = arith.mulf %mul3A_836, %get3A_835 : vector<16xf32>
      %add3A_838 = arith.addf %add3A_800, %mul3A_837 : vector<16xf32>
      %add3A_839 = arith.constant 18 : i32
      %add3A_840 = arith.addi %mul3A_114, %add3A_839 : i32
      %get3A_841 = arith.index_cast %add3A_840 : i32 to index
      %get3A_842 = arith.constant 16 : index
      %get3A_843 = tpu.vector_load %arg11[%get3A_841, %get3A_842] {strides = array<i32>} : memref<400x64xf32, #tpu.memory_space<vmem>>, vector<1x16xf32>,
      %get3A_844 = vector.shape_cast %get3A_843 : vector<1x16xf32> to vector<16xf32>
      %mul3A_845 = vector.broadcast %squeeze3A_829 : f32 to vector<16xf32>
      %mul3A_846 = arith.mulf %mul3A_845, %get3A_844 : vector<16xf32>
      %add3A_847 = arith.addf %add3A_809, %mul3A_846 : vector<16xf32>
      %add3A_848 = arith.constant 18 : i32
      %add3A_849 = arith.addi %mul3A_114, %add3A_848 : i32
      %get3A_850 = arith.index_cast %add3A_849 : i32 to index
      %get3A_851 = arith.constant 32 : index
      %get3A_852 = tpu.vector_load %arg11[%get3A_850, %get3A_851] {strides = array<i32>} : memref<400x64xf32, #tpu.memory_space<vmem>>, vector<1x16xf32>,
      %get3A_853 = vector.shape_cast %get3A_852 : vector<1x16xf32> to vector<16xf32>
      %mul3A_854 = vector.broadcast %squeeze3A_829 : f32 to vector<16xf32>
      %mul3A_855 = arith.mulf %mul3A_854, %get3A_853 : vector<16xf32>
      %add3A_856 = arith.addf %add3A_818, %mul3A_855 : vector<16xf32>
      %add3A_857 = arith.constant 18 : i32
      %add3A_858 = arith.addi %mul3A_114, %add3A_857 : i32
      %get3A_859 = arith.index_cast %add3A_858 : i32 to index
      %get3A_860 = arith.constant 48 : index
      %get3A_861 = tpu.vector_load %arg11[%get3A_859, %get3A_860] {strides = array<i32>} : memref<400x64xf32, #tpu.memory_space<vmem>>, vector<1x16xf32>,
      %get3A_862 = vector.shape_cast %get3A_861 : vector<1x16xf32> to vector<16xf32>
      %mul3A_863 = vector.broadcast %squeeze3A_829 : f32 to vector<16xf32>
      %mul3A_864 = arith.mulf %mul3A_863, %get3A_862 : vector<16xf32>
      %add3A_865 = arith.addf %add3A_827, %mul3A_864 : vector<16xf32>
      %slice3A_866 = vector.extract_strided_slice %get3A_137 {offsets = [3], sizes = [1], strides = [1]} : vector<16xf32> to vector<1xf32>
      %squeeze3A_867 = vector.extract %slice3A_866[0] : f32 from vector<1xf32>
      %add3A_868 = arith.constant 19 : i32
      %add3A_869 = arith.addi %mul3A_114, %add3A_868 : i32
      %get3A_870 = arith.index_cast %add3A_869 : i32 to index
      %get3A_871 = arith.constant 0 : index
      %get3A_872 = tpu.vector_load %arg11[%get3A_870, %get3A_871] {strides = array<i32>} : memref<400x64xf32, #tpu.memory_space<vmem>>, vector<1x16xf32>,
      %get3A_873 = vector.shape_cast %get3A_872 : vector<1x16xf32> to vector<16xf32>
      %mul3A_874 = vector.broadcast %squeeze3A_867 : f32 to vector<16xf32>
      %mul3A_875 = arith.mulf %mul3A_874, %get3A_873 : vector<16xf32>
      %add3A_876 = arith.addf %add3A_838, %mul3A_875 : vector<16xf32>
      %add3A_877 = arith.constant 19 : i32
      %add3A_878 = arith.addi %mul3A_114, %add3A_877 : i32
      %get3A_879 = arith.index_cast %add3A_878 : i32 to index
      %get3A_880 = arith.constant 16 : index
      %get3A_881 = tpu.vector_load %arg11[%get3A_879, %get3A_880] {strides = array<i32>} : memref<400x64xf32, #tpu.memory_space<vmem>>, vector<1x16xf32>,
      %get3A_882 = vector.shape_cast %get3A_881 : vector<1x16xf32> to vector<16xf32>
      %mul3A_883 = vector.broadcast %squeeze3A_867 : f32 to vector<16xf32>
      %mul3A_884 = arith.mulf %mul3A_883, %get3A_882 : vector<16xf32>
      %add3A_885 = arith.addf %add3A_847, %mul3A_884 : vector<16xf32>
      %add3A_886 = arith.constant 19 : i32
      %add3A_887 = arith.addi %mul3A_114, %add3A_886 : i32
      %get3A_888 = arith.index_cast %add3A_887 : i32 to index
      %get3A_889 = arith.constant 32 : index
      %get3A_890 = tpu.vector_load %arg11[%get3A_888, %get3A_889] {strides = array<i32>} : memref<400x64xf32, #tpu.memory_space<vmem>>, vector<1x16xf32>,
      %get3A_891 = vector.shape_cast %get3A_890 : vector<1x16xf32> to vector<16xf32>
      %mul3A_892 = vector.broadcast %squeeze3A_867 : f32 to vector<16xf32>
      %mul3A_893 = arith.mulf %mul3A_892, %get3A_891 : vector<16xf32>
      %add3A_894 = arith.addf %add3A_856, %mul3A_893 : vector<16xf32>
      %add3A_895 = arith.constant 19 : i32
      %add3A_896 = arith.addi %mul3A_114, %add3A_895 : i32
      %get3A_897 = arith.index_cast %add3A_896 : i32 to index
      %get3A_898 = arith.constant 48 : index
      %get3A_899 = tpu.vector_load %arg11[%get3A_897, %get3A_898] {strides = array<i32>} : memref<400x64xf32, #tpu.memory_space<vmem>>, vector<1x16xf32>,
      %get3A_900 = vector.shape_cast %get3A_899 : vector<1x16xf32> to vector<16xf32>
      %mul3A_901 = vector.broadcast %squeeze3A_867 : f32 to vector<16xf32>
      %mul3A_902 = arith.mulf %mul3A_901, %get3A_900 : vector<16xf32>
      %add3A_903 = arith.addf %add3A_865, %mul3A_902 : vector<16xf32>
      %slice3A_904 = vector.extract_strided_slice %get3A_137 {offsets = [4], sizes = [1], strides = [1]} : vector<16xf32> to vector<1xf32>
      %squeeze3A_905 = vector.extract %slice3A_904[0] : f32 from vector<1xf32>
      %add3A_906 = arith.constant 20 : i32
      %add3A_907 = arith.addi %mul3A_114, %add3A_906 : i32
      %get3A_908 = arith.index_cast %add3A_907 : i32 to index
      %get3A_909 = arith.constant 0 : index
      %get3A_910 = tpu.vector_load %arg11[%get3A_908, %get3A_909] {strides = array<i32>} : memref<400x64xf32, #tpu.memory_space<vmem>>, vector<1x16xf32>,
      %get3A_911 = vector.shape_cast %get3A_910 : vector<1x16xf32> to vector<16xf32>
      %mul3A_912 = vector.broadcast %squeeze3A_905 : f32 to vector<16xf32>
      %mul3A_913 = arith.mulf %mul3A_912, %get3A_911 : vector<16xf32>
      %add3A_914 = arith.addf %add3A_876, %mul3A_913 : vector<16xf32>
      %add3A_915 = arith.constant 20 : i32
      %add3A_916 = arith.addi %mul3A_114, %add3A_915 : i32
      %get3A_917 = arith.index_cast %add3A_916 : i32 to index
      %get3A_918 = arith.constant 16 : index
      %get3A_919 = tpu.vector_load %arg11[%get3A_917, %get3A_918] {strides = array<i32>} : memref<400x64xf32, #tpu.memory_space<vmem>>, vector<1x16xf32>,
      %get3A_920 = vector.shape_cast %get3A_919 : vector<1x16xf32> to vector<16xf32>
      %mul3A_921 = vector.broadcast %squeeze3A_905 : f32 to vector<16xf32>
      %mul3A_922 = arith.mulf %mul3A_921, %get3A_920 : vector<16xf32>
      %add3A_923 = arith.addf %add3A_885, %mul3A_922 : vector<16xf32>
      %add3A_924 = arith.constant 20 : i32
      %add3A_925 = arith.addi %mul3A_114, %add3A_924 : i32
      %get3A_926 = arith.index_cast %add3A_925 : i32 to index
      %get3A_927 = arith.constant 32 : index
      %get3A_928 = tpu.vector_load %arg11[%get3A_926, %get3A_927] {strides = array<i32>} : memref<400x64xf32, #tpu.memory_space<vmem>>, vector<1x16xf32>,
      %get3A_929 = vector.shape_cast %get3A_928 : vector<1x16xf32> to vector<16xf32>
      %mul3A_930 = vector.broadcast %squeeze3A_905 : f32 to vector<16xf32>
      %mul3A_931 = arith.mulf %mul3A_930, %get3A_929 : vector<16xf32>
      %add3A_932 = arith.addf %add3A_894, %mul3A_931 : vector<16xf32>
      %add3A_933 = arith.constant 20 : i32
      %add3A_934 = arith.addi %mul3A_114, %add3A_933 : i32
      %get3A_935 = arith.index_cast %add3A_934 : i32 to index
      %get3A_936 = arith.constant 48 : index
      %get3A_937 = tpu.vector_load %arg11[%get3A_935, %get3A_936] {strides = array<i32>} : memref<400x64xf32, #tpu.memory_space<vmem>>, vector<1x16xf32>,
      %get3A_938 = vector.shape_cast %get3A_937 : vector<1x16xf32> to vector<16xf32>
      %mul3A_939 = vector.broadcast %squeeze3A_905 : f32 to vector<16xf32>
      %mul3A_940 = arith.mulf %mul3A_939, %get3A_938 : vector<16xf32>
      %add3A_941 = arith.addf %add3A_903, %mul3A_940 : vector<16xf32>
      %slice3A_942 = vector.extract_strided_slice %get3A_137 {offsets = [5], sizes = [1], strides = [1]} : vector<16xf32> to vector<1xf32>
      %squeeze3A_943 = vector.extract %slice3A_942[0] : f32 from vector<1xf32>
      %add3A_944 = arith.constant 21 : i32
      %add3A_945 = arith.addi %mul3A_114, %add3A_944 : i32
      %get3A_946 = arith.index_cast %add3A_945 : i32 to index
      %get3A_947 = arith.constant 0 : index
      %get3A_948 = tpu.vector_load %arg11[%get3A_946, %get3A_947] {strides = array<i32>} : memref<400x64xf32, #tpu.memory_space<vmem>>, vector<1x16xf32>,
      %get3A_949 = vector.shape_cast %get3A_948 : vector<1x16xf32> to vector<16xf32>
      %mul3A_950 = vector.broadcast %squeeze3A_943 : f32 to vector<16xf32>
      %mul3A_951 = arith.mulf %mul3A_950, %get3A_949 : vector<16xf32>
      %add3A_952 = arith.addf %add3A_914, %mul3A_951 : vector<16xf32>
      %add3A_953 = arith.constant 21 : i32
      %add3A_954 = arith.addi %mul3A_114, %add3A_953 : i32
      %get3A_955 = arith.index_cast %add3A_954 : i32 to index
      %get3A_956 = arith.constant 16 : index
      %get3A_957 = tpu.vector_load %arg11[%get3A_955, %get3A_956] {strides = array<i32>} : memref<400x64xf32, #tpu.memory_space<vmem>>, vector<1x16xf32>,
      %get3A_958 = vector.shape_cast %get3A_957 : vector<1x16xf32> to vector<16xf32>
      %mul3A_959 = vector.broadcast %squeeze3A_943 : f32 to vector<16xf32>
      %mul3A_960 = arith.mulf %mul3A_959, %get3A_958 : vector<16xf32>
      %add3A_961 = arith.addf %add3A_923, %mul3A_960 : vector<16xf32>
      %add3A_962 = arith.constant 21 : i32
      %add3A_963 = arith.addi %mul3A_114, %add3A_962 : i32
      %get3A_964 = arith.index_cast %add3A_963 : i32 to index
      %get3A_965 = arith.constant 32 : index
      %get3A_966 = tpu.vector_load %arg11[%get3A_964, %get3A_965] {strides = array<i32>} : memref<400x64xf32, #tpu.memory_space<vmem>>, vector<1x16xf32>,
      %get3A_967 = vector.shape_cast %get3A_966 : vector<1x16xf32> to vector<16xf32>
      %mul3A_968 = vector.broadcast %squeeze3A_943 : f32 to vector<16xf32>
      %mul3A_969 = arith.mulf %mul3A_968, %get3A_967 : vector<16xf32>
      %add3A_970 = arith.addf %add3A_932, %mul3A_969 : vector<16xf32>
      %add3A_971 = arith.constant 21 : i32
      %add3A_972 = arith.addi %mul3A_114, %add3A_971 : i32
      %get3A_973 = arith.index_cast %add3A_972 : i32 to index
      %get3A_974 = arith.constant 48 : index
      %get3A_975 = tpu.vector_load %arg11[%get3A_973, %get3A_974] {strides = array<i32>} : memref<400x64xf32, #tpu.memory_space<vmem>>, vector<1x16xf32>,
      %get3A_976 = vector.shape_cast %get3A_975 : vector<1x16xf32> to vector<16xf32>
      %mul3A_977 = vector.broadcast %squeeze3A_943 : f32 to vector<16xf32>
      %mul3A_978 = arith.mulf %mul3A_977, %get3A_976 : vector<16xf32>
      %add3A_979 = arith.addf %add3A_941, %mul3A_978 : vector<16xf32>
      %slice3A_980 = vector.extract_strided_slice %get3A_137 {offsets = [6], sizes = [1], strides = [1]} : vector<16xf32> to vector<1xf32>
      %squeeze3A_981 = vector.extract %slice3A_980[0] : f32 from vector<1xf32>
      %add3A_982 = arith.constant 22 : i32
      %add3A_983 = arith.addi %mul3A_114, %add3A_982 : i32
      %get3A_984 = arith.index_cast %add3A_983 : i32 to index
      %get3A_985 = arith.constant 0 : index
      %get3A_986 = tpu.vector_load %arg11[%get3A_984, %get3A_985] {strides = array<i32>} : memref<400x64xf32, #tpu.memory_space<vmem>>, vector<1x16xf32>,
      %get3A_987 = vector.shape_cast %get3A_986 : vector<1x16xf32> to vector<16xf32>
      %mul3A_988 = vector.broadcast %squeeze3A_981 : f32 to vector<16xf32>
      %mul3A_989 = arith.mulf %mul3A_988, %get3A_987 : vector<16xf32>
      %add3A_990 = arith.addf %add3A_952, %mul3A_989 : vector<16xf32>
      %add3A_991 = arith.constant 22 : i32
      %add3A_992 = arith.addi %mul3A_114, %add3A_991 : i32
      %get3A_993 = arith.index_cast %add3A_992 : i32 to index
      %get3A_994 = arith.constant 16 : index
      %get3A_995 = tpu.vector_load %arg11[%get3A_993, %get3A_994] {strides = array<i32>} : memref<400x64xf32, #tpu.memory_space<vmem>>, vector<1x16xf32>,
      %get3A_996 = vector.shape_cast %get3A_995 : vector<1x16xf32> to vector<16xf32>
      %mul3A_997 = vector.broadcast %squeeze3A_981 : f32 to vector<16xf32>
      %mul3A_998 = arith.mulf %mul3A_997, %get3A_996 : vector<16xf32>
      %add3A_999 = arith.addf %add3A_961, %mul3A_998 : vector<16xf32>
      %add3A_1000 = arith.constant 22 : i32
      %add3A_1001 = arith.addi %mul3A_114, %add3A_1000 : i32
      %get3A_1002 = arith.index_cast %add3A_1001 : i32 to index
      %get3A_1003 = arith.constant 32 : index
      %get3A_1004 = tpu.vector_load %arg11[%get3A_1002, %get3A_1003] {strides = array<i32>} : memref<400x64xf32, #tpu.memory_space<vmem>>, vector<1x16xf32>,
      %get3A_1005 = vector.shape_cast %get3A_1004 : vector<1x16xf32> to vector<16xf32>
      %mul3A_1006 = vector.broadcast %squeeze3A_981 : f32 to vector<16xf32>
      %mul3A_1007 = arith.mulf %mul3A_1006, %get3A_1005 : vector<16xf32>
      %add3A_1008 = arith.addf %add3A_970, %mul3A_1007 : vector<16xf32>
      %add3A_1009 = arith.constant 22 : i32
      %add3A_1010 = arith.addi %mul3A_114, %add3A_1009 : i32
      %get3A_1011 = arith.index_cast %add3A_1010 : i32 to index
      %get3A_1012 = arith.constant 48 : index
      %get3A_1013 = tpu.vector_load %arg11[%get3A_1011, %get3A_1012] {strides = array<i32>} : memref<400x64xf32, #tpu.memory_space<vmem>>, vector<1x16xf32>,
      %get3A_1014 = vector.shape_cast %get3A_1013 : vector<1x16xf32> to vector<16xf32>
      %mul3A_1015 = vector.broadcast %squeeze3A_981 : f32 to vector<16xf32>
      %mul3A_1016 = arith.mulf %mul3A_1015, %get3A_1014 : vector<16xf32>
      %add3A_1017 = arith.addf %add3A_979, %mul3A_1016 : vector<16xf32>
      %slice3A_1018 = vector.extract_strided_slice %get3A_137 {offsets = [7], sizes = [1], strides = [1]} : vector<16xf32> to vector<1xf32>
      %squeeze3A_1019 = vector.extract %slice3A_1018[0] : f32 from vector<1xf32>
      %add3A_1020 = arith.constant 23 : i32
      %add3A_1021 = arith.addi %mul3A_114, %add3A_1020 : i32
      %get3A_1022 = arith.index_cast %add3A_1021 : i32 to index
      %get3A_1023 = arith.constant 0 : index
      %get3A_1024 = tpu.vector_load %arg11[%get3A_1022, %get3A_1023] {strides = array<i32>} : memref<400x64xf32, #tpu.memory_space<vmem>>, vector<1x16xf32>,
      %get3A_1025 = vector.shape_cast %get3A_1024 : vector<1x16xf32> to vector<16xf32>
      %mul3A_1026 = vector.broadcast %squeeze3A_1019 : f32 to vector<16xf32>
      %mul3A_1027 = arith.mulf %mul3A_1026, %get3A_1025 : vector<16xf32>
      %add3A_1028 = arith.addf %add3A_990, %mul3A_1027 : vector<16xf32>
      %add3A_1029 = arith.constant 23 : i32
      %add3A_1030 = arith.addi %mul3A_114, %add3A_1029 : i32
      %get3A_1031 = arith.index_cast %add3A_1030 : i32 to index
      %get3A_1032 = arith.constant 16 : index
      %get3A_1033 = tpu.vector_load %arg11[%get3A_1031, %get3A_1032] {strides = array<i32>} : memref<400x64xf32, #tpu.memory_space<vmem>>, vector<1x16xf32>,
      %get3A_1034 = vector.shape_cast %get3A_1033 : vector<1x16xf32> to vector<16xf32>
      %mul3A_1035 = vector.broadcast %squeeze3A_1019 : f32 to vector<16xf32>
      %mul3A_1036 = arith.mulf %mul3A_1035, %get3A_1034 : vector<16xf32>
      %add3A_1037 = arith.addf %add3A_999, %mul3A_1036 : vector<16xf32>
      %add3A_1038 = arith.constant 23 : i32
      %add3A_1039 = arith.addi %mul3A_114, %add3A_1038 : i32
      %get3A_1040 = arith.index_cast %add3A_1039 : i32 to index
      %get3A_1041 = arith.constant 32 : index
      %get3A_1042 = tpu.vector_load %arg11[%get3A_1040, %get3A_1041] {strides = array<i32>} : memref<400x64xf32, #tpu.memory_space<vmem>>, vector<1x16xf32>,
      %get3A_1043 = vector.shape_cast %get3A_1042 : vector<1x16xf32> to vector<16xf32>
      %mul3A_1044 = vector.broadcast %squeeze3A_1019 : f32 to vector<16xf32>
      %mul3A_1045 = arith.mulf %mul3A_1044, %get3A_1043 : vector<16xf32>
      %add3A_1046 = arith.addf %add3A_1008, %mul3A_1045 : vector<16xf32>
      %add3A_1047 = arith.constant 23 : i32
      %add3A_1048 = arith.addi %mul3A_114, %add3A_1047 : i32
      %get3A_1049 = arith.index_cast %add3A_1048 : i32 to index
      %get3A_1050 = arith.constant 48 : index
      %get3A_1051 = tpu.vector_load %arg11[%get3A_1049, %get3A_1050] {strides = array<i32>} : memref<400x64xf32, #tpu.memory_space<vmem>>, vector<1x16xf32>,
      %get3A_1052 = vector.shape_cast %get3A_1051 : vector<1x16xf32> to vector<16xf32>
      %mul3A_1053 = vector.broadcast %squeeze3A_1019 : f32 to vector<16xf32>
      %mul3A_1054 = arith.mulf %mul3A_1053, %get3A_1052 : vector<16xf32>
      %add3A_1055 = arith.addf %add3A_1017, %mul3A_1054 : vector<16xf32>
      %slice3A_1056 = vector.extract_strided_slice %get3A_137 {offsets = [8], sizes = [1], strides = [1]} : vector<16xf32> to vector<1xf32>
      %squeeze3A_1057 = vector.extract %slice3A_1056[0] : f32 from vector<1xf32>
      %add3A_1058 = arith.constant 24 : i32
      %add3A_1059 = arith.addi %mul3A_114, %add3A_1058 : i32
      %get3A_1060 = arith.index_cast %add3A_1059 : i32 to index
      %get3A_1061 = arith.constant 0 : index
      %get3A_1062 = tpu.vector_load %arg11[%get3A_1060, %get3A_1061] {strides = array<i32>} : memref<400x64xf32, #tpu.memory_space<vmem>>, vector<1x16xf32>,
      %get3A_1063 = vector.shape_cast %get3A_1062 : vector<1x16xf32> to vector<16xf32>
      %mul3A_1064 = vector.broadcast %squeeze3A_1057 : f32 to vector<16xf32>
      %mul3A_1065 = arith.mulf %mul3A_1064, %get3A_1063 : vector<16xf32>
      %add3A_1066 = arith.addf %add3A_1028, %mul3A_1065 : vector<16xf32>
      %add3A_1067 = arith.constant 24 : i32
      %add3A_1068 = arith.addi %mul3A_114, %add3A_1067 : i32
      %get3A_1069 = arith.index_cast %add3A_1068 : i32 to index
      %get3A_1070 = arith.constant 16 : index
      %get3A_1071 = tpu.vector_load %arg11[%get3A_1069, %get3A_1070] {strides = array<i32>} : memref<400x64xf32, #tpu.memory_space<vmem>>, vector<1x16xf32>,
      %get3A_1072 = vector.shape_cast %get3A_1071 : vector<1x16xf32> to vector<16xf32>
      %mul3A_1073 = vector.broadcast %squeeze3A_1057 : f32 to vector<16xf32>
      %mul3A_1074 = arith.mulf %mul3A_1073, %get3A_1072 : vector<16xf32>
      %add3A_1075 = arith.addf %add3A_1037, %mul3A_1074 : vector<16xf32>
      %add3A_1076 = arith.constant 24 : i32
      %add3A_1077 = arith.addi %mul3A_114, %add3A_1076 : i32
      %get3A_1078 = arith.index_cast %add3A_1077 : i32 to index
      %get3A_1079 = arith.constant 32 : index
      %get3A_1080 = tpu.vector_load %arg11[%get3A_1078, %get3A_1079] {strides = array<i32>} : memref<400x64xf32, #tpu.memory_space<vmem>>, vector<1x16xf32>,
      %get3A_1081 = vector.shape_cast %get3A_1080 : vector<1x16xf32> to vector<16xf32>
      %mul3A_1082 = vector.broadcast %squeeze3A_1057 : f32 to vector<16xf32>
      %mul3A_1083 = arith.mulf %mul3A_1082, %get3A_1081 : vector<16xf32>
      %add3A_1084 = arith.addf %add3A_1046, %mul3A_1083 : vector<16xf32>
      %add3A_1085 = arith.constant 24 : i32
      %add3A_1086 = arith.addi %mul3A_114, %add3A_1085 : i32
      %get3A_1087 = arith.index_cast %add3A_1086 : i32 to index
      %get3A_1088 = arith.constant 48 : index
      %get3A_1089 = tpu.vector_load %arg11[%get3A_1087, %get3A_1088] {strides = array<i32>} : memref<400x64xf32, #tpu.memory_space<vmem>>, vector<1x16xf32>,
      %get3A_1090 = vector.shape_cast %get3A_1089 : vector<1x16xf32> to vector<16xf32>
      %mul3A_1091 = vector.broadcast %squeeze3A_1057 : f32 to vector<16xf32>
      %mul3A_1092 = arith.mulf %mul3A_1091, %get3A_1090 : vector<16xf32>
      %add3A_1093 = arith.addf %add3A_1055, %mul3A_1092 : vector<16xf32>
      %slice3A_1094 = vector.extract_strided_slice %get3A_137 {offsets = [9], sizes = [1], strides = [1]} : vector<16xf32> to vector<1xf32>
      %squeeze3A_1095 = vector.extract %slice3A_1094[0] : f32 from vector<1xf32>
      %add3A_1096 = arith.constant 25 : i32
      %add3A_1097 = arith.addi %mul3A_114, %add3A_1096 : i32
      %get3A_1098 = arith.index_cast %add3A_1097 : i32 to index
      %get3A_1099 = arith.constant 0 : index
      %get3A_1100 = tpu.vector_load %arg11[%get3A_1098, %get3A_1099] {strides = array<i32>} : memref<400x64xf32, #tpu.memory_space<vmem>>, vector<1x16xf32>,
      %get3A_1101 = vector.shape_cast %get3A_1100 : vector<1x16xf32> to vector<16xf32>
      %mul3A_1102 = vector.broadcast %squeeze3A_1095 : f32 to vector<16xf32>
      %mul3A_1103 = arith.mulf %mul3A_1102, %get3A_1101 : vector<16xf32>
      %add3A_1104 = arith.addf %add3A_1066, %mul3A_1103 : vector<16xf32>
      %add3A_1105 = arith.constant 25 : i32
      %add3A_1106 = arith.addi %mul3A_114, %add3A_1105 : i32
      %get3A_1107 = arith.index_cast %add3A_1106 : i32 to index
      %get3A_1108 = arith.constant 16 : index
      %get3A_1109 = tpu.vector_load %arg11[%get3A_1107, %get3A_1108] {strides = array<i32>} : memref<400x64xf32, #tpu.memory_space<vmem>>, vector<1x16xf32>,
      %get3A_1110 = vector.shape_cast %get3A_1109 : vector<1x16xf32> to vector<16xf32>
      %mul3A_1111 = vector.broadcast %squeeze3A_1095 : f32 to vector<16xf32>
      %mul3A_1112 = arith.mulf %mul3A_1111, %get3A_1110 : vector<16xf32>
      %add3A_1113 = arith.addf %add3A_1075, %mul3A_1112 : vector<16xf32>
      %add3A_1114 = arith.constant 25 : i32
      %add3A_1115 = arith.addi %mul3A_114, %add3A_1114 : i32
      %get3A_1116 = arith.index_cast %add3A_1115 : i32 to index
      %get3A_1117 = arith.constant 32 : index
      %get3A_1118 = tpu.vector_load %arg11[%get3A_1116, %get3A_1117] {strides = array<i32>} : memref<400x64xf32, #tpu.memory_space<vmem>>, vector<1x16xf32>,
      %get3A_1119 = vector.shape_cast %get3A_1118 : vector<1x16xf32> to vector<16xf32>
      %mul3A_1120 = vector.broadcast %squeeze3A_1095 : f32 to vector<16xf32>
      %mul3A_1121 = arith.mulf %mul3A_1120, %get3A_1119 : vector<16xf32>
      %add3A_1122 = arith.addf %add3A_1084, %mul3A_1121 : vector<16xf32>
      %add3A_1123 = arith.constant 25 : i32
      %add3A_1124 = arith.addi %mul3A_114, %add3A_1123 : i32
      %get3A_1125 = arith.index_cast %add3A_1124 : i32 to index
      %get3A_1126 = arith.constant 48 : index
      %get3A_1127 = tpu.vector_load %arg11[%get3A_1125, %get3A_1126] {strides = array<i32>} : memref<400x64xf32, #tpu.memory_space<vmem>>, vector<1x16xf32>,
      %get3A_1128 = vector.shape_cast %get3A_1127 : vector<1x16xf32> to vector<16xf32>
      %mul3A_1129 = vector.broadcast %squeeze3A_1095 : f32 to vector<16xf32>
      %mul3A_1130 = arith.mulf %mul3A_1129, %get3A_1128 : vector<16xf32>
      %add3A_1131 = arith.addf %add3A_1093, %mul3A_1130 : vector<16xf32>
      %slice3A_1132 = vector.extract_strided_slice %get3A_137 {offsets = [10], sizes = [1], strides = [1]} : vector<16xf32> to vector<1xf32>
      %squeeze3A_1133 = vector.extract %slice3A_1132[0] : f32 from vector<1xf32>
      %add3A_1134 = arith.constant 26 : i32
      %add3A_1135 = arith.addi %mul3A_114, %add3A_1134 : i32
      %get3A_1136 = arith.index_cast %add3A_1135 : i32 to index
      %get3A_1137 = arith.constant 0 : index
      %get3A_1138 = tpu.vector_load %arg11[%get3A_1136, %get3A_1137] {strides = array<i32>} : memref<400x64xf32, #tpu.memory_space<vmem>>, vector<1x16xf32>,
      %get3A_1139 = vector.shape_cast %get3A_1138 : vector<1x16xf32> to vector<16xf32>
      %mul3A_1140 = vector.broadcast %squeeze3A_1133 : f32 to vector<16xf32>
      %mul3A_1141 = arith.mulf %mul3A_1140, %get3A_1139 : vector<16xf32>
      %add3A_1142 = arith.addf %add3A_1104, %mul3A_1141 : vector<16xf32>
      %add3A_1143 = arith.constant 26 : i32
      %add3A_1144 = arith.addi %mul3A_114, %add3A_1143 : i32
      %get3A_1145 = arith.index_cast %add3A_1144 : i32 to index
      %get3A_1146 = arith.constant 16 : index
      %get3A_1147 = tpu.vector_load %arg11[%get3A_1145, %get3A_1146] {strides = array<i32>} : memref<400x64xf32, #tpu.memory_space<vmem>>, vector<1x16xf32>,
      %get3A_1148 = vector.shape_cast %get3A_1147 : vector<1x16xf32> to vector<16xf32>
      %mul3A_1149 = vector.broadcast %squeeze3A_1133 : f32 to vector<16xf32>
      %mul3A_1150 = arith.mulf %mul3A_1149, %get3A_1148 : vector<16xf32>
      %add3A_1151 = arith.addf %add3A_1113, %mul3A_1150 : vector<16xf32>
      %add3A_1152 = arith.constant 26 : i32
      %add3A_1153 = arith.addi %mul3A_114, %add3A_1152 : i32
      %get3A_1154 = arith.index_cast %add3A_1153 : i32 to index
      %get3A_1155 = arith.constant 32 : index
      %get3A_1156 = tpu.vector_load %arg11[%get3A_1154, %get3A_1155] {strides = array<i32>} : memref<400x64xf32, #tpu.memory_space<vmem>>, vector<1x16xf32>,
      %get3A_1157 = vector.shape_cast %get3A_1156 : vector<1x16xf32> to vector<16xf32>
      %mul3A_1158 = vector.broadcast %squeeze3A_1133 : f32 to vector<16xf32>
      %mul3A_1159 = arith.mulf %mul3A_1158, %get3A_1157 : vector<16xf32>
      %add3A_1160 = arith.addf %add3A_1122, %mul3A_1159 : vector<16xf32>
      %add3A_1161 = arith.constant 26 : i32
      %add3A_1162 = arith.addi %mul3A_114, %add3A_1161 : i32
      %get3A_1163 = arith.index_cast %add3A_1162 : i32 to index
      %get3A_1164 = arith.constant 48 : index
      %get3A_1165 = tpu.vector_load %arg11[%get3A_1163, %get3A_1164] {strides = array<i32>} : memref<400x64xf32, #tpu.memory_space<vmem>>, vector<1x16xf32>,
      %get3A_1166 = vector.shape_cast %get3A_1165 : vector<1x16xf32> to vector<16xf32>
      %mul3A_1167 = vector.broadcast %squeeze3A_1133 : f32 to vector<16xf32>
      %mul3A_1168 = arith.mulf %mul3A_1167, %get3A_1166 : vector<16xf32>
      %add3A_1169 = arith.addf %add3A_1131, %mul3A_1168 : vector<16xf32>
      %slice3A_1170 = vector.extract_strided_slice %get3A_137 {offsets = [11], sizes = [1], strides = [1]} : vector<16xf32> to vector<1xf32>
      %squeeze3A_1171 = vector.extract %slice3A_1170[0] : f32 from vector<1xf32>
      %add3A_1172 = arith.constant 27 : i32
      %add3A_1173 = arith.addi %mul3A_114, %add3A_1172 : i32
      %get3A_1174 = arith.index_cast %add3A_1173 : i32 to index
      %get3A_1175 = arith.constant 0 : index
      %get3A_1176 = tpu.vector_load %arg11[%get3A_1174, %get3A_1175] {strides = array<i32>} : memref<400x64xf32, #tpu.memory_space<vmem>>, vector<1x16xf32>,
      %get3A_1177 = vector.shape_cast %get3A_1176 : vector<1x16xf32> to vector<16xf32>
      %mul3A_1178 = vector.broadcast %squeeze3A_1171 : f32 to vector<16xf32>
      %mul3A_1179 = arith.mulf %mul3A_1178, %get3A_1177 : vector<16xf32>
      %add3A_1180 = arith.addf %add3A_1142, %mul3A_1179 : vector<16xf32>
      %add3A_1181 = arith.constant 27 : i32
      %add3A_1182 = arith.addi %mul3A_114, %add3A_1181 : i32
      %get3A_1183 = arith.index_cast %add3A_1182 : i32 to index
      %get3A_1184 = arith.constant 16 : index
      %get3A_1185 = tpu.vector_load %arg11[%get3A_1183, %get3A_1184] {strides = array<i32>} : memref<400x64xf32, #tpu.memory_space<vmem>>, vector<1x16xf32>,
      %get3A_1186 = vector.shape_cast %get3A_1185 : vector<1x16xf32> to vector<16xf32>
      %mul3A_1187 = vector.broadcast %squeeze3A_1171 : f32 to vector<16xf32>
      %mul3A_1188 = arith.mulf %mul3A_1187, %get3A_1186 : vector<16xf32>
      %add3A_1189 = arith.addf %add3A_1151, %mul3A_1188 : vector<16xf32>
      %add3A_1190 = arith.constant 27 : i32
      %add3A_1191 = arith.addi %mul3A_114, %add3A_1190 : i32
      %get3A_1192 = arith.index_cast %add3A_1191 : i32 to index
      %get3A_1193 = arith.constant 32 : index
      %get3A_1194 = tpu.vector_load %arg11[%get3A_1192, %get3A_1193] {strides = array<i32>} : memref<400x64xf32, #tpu.memory_space<vmem>>, vector<1x16xf32>,
      %get3A_1195 = vector.shape_cast %get3A_1194 : vector<1x16xf32> to vector<16xf32>
      %mul3A_1196 = vector.broadcast %squeeze3A_1171 : f32 to vector<16xf32>
      %mul3A_1197 = arith.mulf %mul3A_1196, %get3A_1195 : vector<16xf32>
      %add3A_1198 = arith.addf %add3A_1160, %mul3A_1197 : vector<16xf32>
      %add3A_1199 = arith.constant 27 : i32
      %add3A_1200 = arith.addi %mul3A_114, %add3A_1199 : i32
      %get3A_1201 = arith.index_cast %add3A_1200 : i32 to index
      %get3A_1202 = arith.constant 48 : index
      %get3A_1203 = tpu.vector_load %arg11[%get3A_1201, %get3A_1202] {strides = array<i32>} : memref<400x64xf32, #tpu.memory_space<vmem>>, vector<1x16xf32>,
      %get3A_1204 = vector.shape_cast %get3A_1203 : vector<1x16xf32> to vector<16xf32>
      %mul3A_1205 = vector.broadcast %squeeze3A_1171 : f32 to vector<16xf32>
      %mul3A_1206 = arith.mulf %mul3A_1205, %get3A_1204 : vector<16xf32>
      %add3A_1207 = arith.addf %add3A_1169, %mul3A_1206 : vector<16xf32>
      %slice3A_1208 = vector.extract_strided_slice %get3A_137 {offsets = [12], sizes = [1], strides = [1]} : vector<16xf32> to vector<1xf32>
      %squeeze3A_1209 = vector.extract %slice3A_1208[0] : f32 from vector<1xf32>
      %add3A_1210 = arith.constant 28 : i32
      %add3A_1211 = arith.addi %mul3A_114, %add3A_1210 : i32
      %get3A_1212 = arith.index_cast %add3A_1211 : i32 to index
      %get3A_1213 = arith.constant 0 : index
      %get3A_1214 = tpu.vector_load %arg11[%get3A_1212, %get3A_1213] {strides = array<i32>} : memref<400x64xf32, #tpu.memory_space<vmem>>, vector<1x16xf32>,
      %get3A_1215 = vector.shape_cast %get3A_1214 : vector<1x16xf32> to vector<16xf32>
      %mul3A_1216 = vector.broadcast %squeeze3A_1209 : f32 to vector<16xf32>
      %mul3A_1217 = arith.mulf %mul3A_1216, %get3A_1215 : vector<16xf32>
      %add3A_1218 = arith.addf %add3A_1180, %mul3A_1217 : vector<16xf32>
      %add3A_1219 = arith.constant 28 : i32
      %add3A_1220 = arith.addi %mul3A_114, %add3A_1219 : i32
      %get3A_1221 = arith.index_cast %add3A_1220 : i32 to index
      %get3A_1222 = arith.constant 16 : index
      %get3A_1223 = tpu.vector_load %arg11[%get3A_1221, %get3A_1222] {strides = array<i32>} : memref<400x64xf32, #tpu.memory_space<vmem>>, vector<1x16xf32>,
      %get3A_1224 = vector.shape_cast %get3A_1223 : vector<1x16xf32> to vector<16xf32>
      %mul3A_1225 = vector.broadcast %squeeze3A_1209 : f32 to vector<16xf32>
      %mul3A_1226 = arith.mulf %mul3A_1225, %get3A_1224 : vector<16xf32>
      %add3A_1227 = arith.addf %add3A_1189, %mul3A_1226 : vector<16xf32>
      %add3A_1228 = arith.constant 28 : i32
      %add3A_1229 = arith.addi %mul3A_114, %add3A_1228 : i32
      %get3A_1230 = arith.index_cast %add3A_1229 : i32 to index
      %get3A_1231 = arith.constant 32 : index
      %get3A_1232 = tpu.vector_load %arg11[%get3A_1230, %get3A_1231] {strides = array<i32>} : memref<400x64xf32, #tpu.memory_space<vmem>>, vector<1x16xf32>,
      %get3A_1233 = vector.shape_cast %get3A_1232 : vector<1x16xf32> to vector<16xf32>
      %mul3A_1234 = vector.broadcast %squeeze3A_1209 : f32 to vector<16xf32>
      %mul3A_1235 = arith.mulf %mul3A_1234, %get3A_1233 : vector<16xf32>
      %add3A_1236 = arith.addf %add3A_1198, %mul3A_1235 : vector<16xf32>
      %add3A_1237 = arith.constant 28 : i32
      %add3A_1238 = arith.addi %mul3A_114, %add3A_1237 : i32
      %get3A_1239 = arith.index_cast %add3A_1238 : i32 to index
      %get3A_1240 = arith.constant 48 : index
      %get3A_1241 = tpu.vector_load %arg11[%get3A_1239, %get3A_1240] {strides = array<i32>} : memref<400x64xf32, #tpu.memory_space<vmem>>, vector<1x16xf32>,
      %get3A_1242 = vector.shape_cast %get3A_1241 : vector<1x16xf32> to vector<16xf32>
      %mul3A_1243 = vector.broadcast %squeeze3A_1209 : f32 to vector<16xf32>
      %mul3A_1244 = arith.mulf %mul3A_1243, %get3A_1242 : vector<16xf32>
      %add3A_1245 = arith.addf %add3A_1207, %mul3A_1244 : vector<16xf32>
      %slice3A_1246 = vector.extract_strided_slice %get3A_137 {offsets = [13], sizes = [1], strides = [1]} : vector<16xf32> to vector<1xf32>
      %squeeze3A_1247 = vector.extract %slice3A_1246[0] : f32 from vector<1xf32>
      %add3A_1248 = arith.constant 29 : i32
      %add3A_1249 = arith.addi %mul3A_114, %add3A_1248 : i32
      %get3A_1250 = arith.index_cast %add3A_1249 : i32 to index
      %get3A_1251 = arith.constant 0 : index
      %get3A_1252 = tpu.vector_load %arg11[%get3A_1250, %get3A_1251] {strides = array<i32>} : memref<400x64xf32, #tpu.memory_space<vmem>>, vector<1x16xf32>,
      %get3A_1253 = vector.shape_cast %get3A_1252 : vector<1x16xf32> to vector<16xf32>
      %mul3A_1254 = vector.broadcast %squeeze3A_1247 : f32 to vector<16xf32>
      %mul3A_1255 = arith.mulf %mul3A_1254, %get3A_1253 : vector<16xf32>
      %add3A_1256 = arith.addf %add3A_1218, %mul3A_1255 : vector<16xf32>
      %add3A_1257 = arith.constant 29 : i32
      %add3A_1258 = arith.addi %mul3A_114, %add3A_1257 : i32
      %get3A_1259 = arith.index_cast %add3A_1258 : i32 to index
      %get3A_1260 = arith.constant 16 : index
      %get3A_1261 = tpu.vector_load %arg11[%get3A_1259, %get3A_1260] {strides = array<i32>} : memref<400x64xf32, #tpu.memory_space<vmem>>, vector<1x16xf32>,
      %get3A_1262 = vector.shape_cast %get3A_1261 : vector<1x16xf32> to vector<16xf32>
      %mul3A_1263 = vector.broadcast %squeeze3A_1247 : f32 to vector<16xf32>
      %mul3A_1264 = arith.mulf %mul3A_1263, %get3A_1262 : vector<16xf32>
      %add3A_1265 = arith.addf %add3A_1227, %mul3A_1264 : vector<16xf32>
      %add3A_1266 = arith.constant 29 : i32
      %add3A_1267 = arith.addi %mul3A_114, %add3A_1266 : i32
      %get3A_1268 = arith.index_cast %add3A_1267 : i32 to index
      %get3A_1269 = arith.constant 32 : index
      %get3A_1270 = tpu.vector_load %arg11[%get3A_1268, %get3A_1269] {strides = array<i32>} : memref<400x64xf32, #tpu.memory_space<vmem>>, vector<1x16xf32>,
      %get3A_1271 = vector.shape_cast %get3A_1270 : vector<1x16xf32> to vector<16xf32>
      %mul3A_1272 = vector.broadcast %squeeze3A_1247 : f32 to vector<16xf32>
      %mul3A_1273 = arith.mulf %mul3A_1272, %get3A_1271 : vector<16xf32>
      %add3A_1274 = arith.addf %add3A_1236, %mul3A_1273 : vector<16xf32>
      %add3A_1275 = arith.constant 29 : i32
      %add3A_1276 = arith.addi %mul3A_114, %add3A_1275 : i32
      %get3A_1277 = arith.index_cast %add3A_1276 : i32 to index
      %get3A_1278 = arith.constant 48 : index
      %get3A_1279 = tpu.vector_load %arg11[%get3A_1277, %get3A_1278] {strides = array<i32>} : memref<400x64xf32, #tpu.memory_space<vmem>>, vector<1x16xf32>,
      %get3A_1280 = vector.shape_cast %get3A_1279 : vector<1x16xf32> to vector<16xf32>
      %mul3A_1281 = vector.broadcast %squeeze3A_1247 : f32 to vector<16xf32>
      %mul3A_1282 = arith.mulf %mul3A_1281, %get3A_1280 : vector<16xf32>
      %add3A_1283 = arith.addf %add3A_1245, %mul3A_1282 : vector<16xf32>
      %slice3A_1284 = vector.extract_strided_slice %get3A_137 {offsets = [14], sizes = [1], strides = [1]} : vector<16xf32> to vector<1xf32>
      %squeeze3A_1285 = vector.extract %slice3A_1284[0] : f32 from vector<1xf32>
      %add3A_1286 = arith.constant 30 : i32
      %add3A_1287 = arith.addi %mul3A_114, %add3A_1286 : i32
      %get3A_1288 = arith.index_cast %add3A_1287 : i32 to index
      %get3A_1289 = arith.constant 0 : index
      %get3A_1290 = tpu.vector_load %arg11[%get3A_1288, %get3A_1289] {strides = array<i32>} : memref<400x64xf32, #tpu.memory_space<vmem>>, vector<1x16xf32>,
      %get3A_1291 = vector.shape_cast %get3A_1290 : vector<1x16xf32> to vector<16xf32>
      %mul3A_1292 = vector.broadcast %squeeze3A_1285 : f32 to vector<16xf32>
      %mul3A_1293 = arith.mulf %mul3A_1292, %get3A_1291 : vector<16xf32>
      %add3A_1294 = arith.addf %add3A_1256, %mul3A_1293 : vector<16xf32>
      %add3A_1295 = arith.constant 30 : i32
      %add3A_1296 = arith.addi %mul3A_114, %add3A_1295 : i32
      %get3A_1297 = arith.index_cast %add3A_1296 : i32 to index
      %get3A_1298 = arith.constant 16 : index
      %get3A_1299 = tpu.vector_load %arg11[%get3A_1297, %get3A_1298] {strides = array<i32>} : memref<400x64xf32, #tpu.memory_space<vmem>>, vector<1x16xf32>,
      %get3A_1300 = vector.shape_cast %get3A_1299 : vector<1x16xf32> to vector<16xf32>
      %mul3A_1301 = vector.broadcast %squeeze3A_1285 : f32 to vector<16xf32>
      %mul3A_1302 = arith.mulf %mul3A_1301, %get3A_1300 : vector<16xf32>
      %add3A_1303 = arith.addf %add3A_1265, %mul3A_1302 : vector<16xf32>
      %add3A_1304 = arith.constant 30 : i32
      %add3A_1305 = arith.addi %mul3A_114, %add3A_1304 : i32
      %get3A_1306 = arith.index_cast %add3A_1305 : i32 to index
      %get3A_1307 = arith.constant 32 : index
      %get3A_1308 = tpu.vector_load %arg11[%get3A_1306, %get3A_1307] {strides = array<i32>} : memref<400x64xf32, #tpu.memory_space<vmem>>, vector<1x16xf32>,
      %get3A_1309 = vector.shape_cast %get3A_1308 : vector<1x16xf32> to vector<16xf32>
      %mul3A_1310 = vector.broadcast %squeeze3A_1285 : f32 to vector<16xf32>
      %mul3A_1311 = arith.mulf %mul3A_1310, %get3A_1309 : vector<16xf32>
      %add3A_1312 = arith.addf %add3A_1274, %mul3A_1311 : vector<16xf32>
      %add3A_1313 = arith.constant 30 : i32
      %add3A_1314 = arith.addi %mul3A_114, %add3A_1313 : i32
      %get3A_1315 = arith.index_cast %add3A_1314 : i32 to index
      %get3A_1316 = arith.constant 48 : index
      %get3A_1317 = tpu.vector_load %arg11[%get3A_1315, %get3A_1316] {strides = array<i32>} : memref<400x64xf32, #tpu.memory_space<vmem>>, vector<1x16xf32>,
      %get3A_1318 = vector.shape_cast %get3A_1317 : vector<1x16xf32> to vector<16xf32>
      %mul3A_1319 = vector.broadcast %squeeze3A_1285 : f32 to vector<16xf32>
      %mul3A_1320 = arith.mulf %mul3A_1319, %get3A_1318 : vector<16xf32>
      %add3A_1321 = arith.addf %add3A_1283, %mul3A_1320 : vector<16xf32>
      %slice3A_1322 = vector.extract_strided_slice %get3A_137 {offsets = [15], sizes = [1], strides = [1]} : vector<16xf32> to vector<1xf32>
      %squeeze3A_1323 = vector.extract %slice3A_1322[0] : f32 from vector<1xf32>
      %add3A_1324 = arith.constant 31 : i32
      %add3A_1325 = arith.addi %mul3A_114, %add3A_1324 : i32
      %get3A_1326 = arith.index_cast %add3A_1325 : i32 to index
      %get3A_1327 = arith.constant 0 : index
      %get3A_1328 = tpu.vector_load %arg11[%get3A_1326, %get3A_1327] {strides = array<i32>} : memref<400x64xf32, #tpu.memory_space<vmem>>, vector<1x16xf32>,
      %get3A_1329 = vector.shape_cast %get3A_1328 : vector<1x16xf32> to vector<16xf32>
      %mul3A_1330 = vector.broadcast %squeeze3A_1323 : f32 to vector<16xf32>
      %mul3A_1331 = arith.mulf %mul3A_1330, %get3A_1329 : vector<16xf32>
      %add3A_1332 = arith.addf %add3A_1294, %mul3A_1331 : vector<16xf32>
      %add3A_1333 = arith.constant 31 : i32
      %add3A_1334 = arith.addi %mul3A_114, %add3A_1333 : i32
      %get3A_1335 = arith.index_cast %add3A_1334 : i32 to index
      %get3A_1336 = arith.constant 16 : index
      %get3A_1337 = tpu.vector_load %arg11[%get3A_1335, %get3A_1336] {strides = array<i32>} : memref<400x64xf32, #tpu.memory_space<vmem>>, vector<1x16xf32>,
      %get3A_1338 = vector.shape_cast %get3A_1337 : vector<1x16xf32> to vector<16xf32>
      %mul3A_1339 = vector.broadcast %squeeze3A_1323 : f32 to vector<16xf32>
      %mul3A_1340 = arith.mulf %mul3A_1339, %get3A_1338 : vector<16xf32>
      %add3A_1341 = arith.addf %add3A_1303, %mul3A_1340 : vector<16xf32>
      %add3A_1342 = arith.constant 31 : i32
      %add3A_1343 = arith.addi %mul3A_114, %add3A_1342 : i32
      %get3A_1344 = arith.index_cast %add3A_1343 : i32 to index
      %get3A_1345 = arith.constant 32 : index
      %get3A_1346 = tpu.vector_load %arg11[%get3A_1344, %get3A_1345] {strides = array<i32>} : memref<400x64xf32, #tpu.memory_space<vmem>>, vector<1x16xf32>,
      %get3A_1347 = vector.shape_cast %get3A_1346 : vector<1x16xf32> to vector<16xf32>
      %mul3A_1348 = vector.broadcast %squeeze3A_1323 : f32 to vector<16xf32>
      %mul3A_1349 = arith.mulf %mul3A_1348, %get3A_1347 : vector<16xf32>
      %add3A_1350 = arith.addf %add3A_1312, %mul3A_1349 : vector<16xf32>
      %add3A_1351 = arith.constant 31 : i32
      %add3A_1352 = arith.addi %mul3A_114, %add3A_1351 : i32
      %get3A_1353 = arith.index_cast %add3A_1352 : i32 to index
      %get3A_1354 = arith.constant 48 : index
      %get3A_1355 = tpu.vector_load %arg11[%get3A_1353, %get3A_1354] {strides = array<i32>} : memref<400x64xf32, #tpu.memory_space<vmem>>, vector<1x16xf32>,
      %get3A_1356 = vector.shape_cast %get3A_1355 : vector<1x16xf32> to vector<16xf32>
      %mul3A_1357 = vector.broadcast %squeeze3A_1323 : f32 to vector<16xf32>
      %mul3A_1358 = arith.mulf %mul3A_1357, %get3A_1356 : vector<16xf32>
      %add3A_1359 = arith.addf %add3A_1321, %mul3A_1358 : vector<16xf32>
      %slice3A_1360 = vector.extract_strided_slice %get3A_141 {offsets = [0], sizes = [1], strides = [1]} : vector<16xf32> to vector<1xf32>
      %squeeze3A_1361 = vector.extract %slice3A_1360[0] : f32 from vector<1xf32>
      %add3A_1362 = arith.constant 32 : i32
      %add3A_1363 = arith.addi %mul3A_114, %add3A_1362 : i32
      %get3A_1364 = arith.index_cast %add3A_1363 : i32 to index
      %get3A_1365 = arith.constant 0 : index
      %get3A_1366 = tpu.vector_load %arg11[%get3A_1364, %get3A_1365] {strides = array<i32>} : memref<400x64xf32, #tpu.memory_space<vmem>>, vector<1x16xf32>,
      %get3A_1367 = vector.shape_cast %get3A_1366 : vector<1x16xf32> to vector<16xf32>
      %mul3A_1368 = vector.broadcast %squeeze3A_1361 : f32 to vector<16xf32>
      %mul3A_1369 = arith.mulf %mul3A_1368, %get3A_1367 : vector<16xf32>
      %add3A_1370 = arith.addf %add3A_1332, %mul3A_1369 : vector<16xf32>
      %add3A_1371 = arith.constant 32 : i32
      %add3A_1372 = arith.addi %mul3A_114, %add3A_1371 : i32
      %get3A_1373 = arith.index_cast %add3A_1372 : i32 to index
      %get3A_1374 = arith.constant 16 : index
      %get3A_1375 = tpu.vector_load %arg11[%get3A_1373, %get3A_1374] {strides = array<i32>} : memref<400x64xf32, #tpu.memory_space<vmem>>, vector<1x16xf32>,
      %get3A_1376 = vector.shape_cast %get3A_1375 : vector<1x16xf32> to vector<16xf32>
      %mul3A_1377 = vector.broadcast %squeeze3A_1361 : f32 to vector<16xf32>
      %mul3A_1378 = arith.mulf %mul3A_1377, %get3A_1376 : vector<16xf32>
      %add3A_1379 = arith.addf %add3A_1341, %mul3A_1378 : vector<16xf32>
      %add3A_1380 = arith.constant 32 : i32
      %add3A_1381 = arith.addi %mul3A_114, %add3A_1380 : i32
      %get3A_1382 = arith.index_cast %add3A_1381 : i32 to index
      %get3A_1383 = arith.constant 32 : index
      %get3A_1384 = tpu.vector_load %arg11[%get3A_1382, %get3A_1383] {strides = array<i32>} : memref<400x64xf32, #tpu.memory_space<vmem>>, vector<1x16xf32>,
      %get3A_1385 = vector.shape_cast %get3A_1384 : vector<1x16xf32> to vector<16xf32>
      %mul3A_1386 = vector.broadcast %squeeze3A_1361 : f32 to vector<16xf32>
      %mul3A_1387 = arith.mulf %mul3A_1386, %get3A_1385 : vector<16xf32>
      %add3A_1388 = arith.addf %add3A_1350, %mul3A_1387 : vector<16xf32>
      %add3A_1389 = arith.constant 32 : i32
      %add3A_1390 = arith.addi %mul3A_114, %add3A_1389 : i32
      %get3A_1391 = arith.index_cast %add3A_1390 : i32 to index
      %get3A_1392 = arith.constant 48 : index
      %get3A_1393 = tpu.vector_load %arg11[%get3A_1391, %get3A_1392] {strides = array<i32>} : memref<400x64xf32, #tpu.memory_space<vmem>>, vector<1x16xf32>,
      %get3A_1394 = vector.shape_cast %get3A_1393 : vector<1x16xf32> to vector<16xf32>
      %mul3A_1395 = vector.broadcast %squeeze3A_1361 : f32 to vector<16xf32>
      %mul3A_1396 = arith.mulf %mul3A_1395, %get3A_1394 : vector<16xf32>
      %add3A_1397 = arith.addf %add3A_1359, %mul3A_1396 : vector<16xf32>
      %slice3A_1398 = vector.extract_strided_slice %get3A_141 {offsets = [1], sizes = [1], strides = [1]} : vector<16xf32> to vector<1xf32>
      %squeeze3A_1399 = vector.extract %slice3A_1398[0] : f32 from vector<1xf32>
      %add3A_1400 = arith.constant 33 : i32
      %add3A_1401 = arith.addi %mul3A_114, %add3A_1400 : i32
      %get3A_1402 = arith.index_cast %add3A_1401 : i32 to index
      %get3A_1403 = arith.constant 0 : index
      %get3A_1404 = tpu.vector_load %arg11[%get3A_1402, %get3A_1403] {strides = array<i32>} : memref<400x64xf32, #tpu.memory_space<vmem>>, vector<1x16xf32>,
      %get3A_1405 = vector.shape_cast %get3A_1404 : vector<1x16xf32> to vector<16xf32>
      %mul3A_1406 = vector.broadcast %squeeze3A_1399 : f32 to vector<16xf32>
      %mul3A_1407 = arith.mulf %mul3A_1406, %get3A_1405 : vector<16xf32>
      %add3A_1408 = arith.addf %add3A_1370, %mul3A_1407 : vector<16xf32>
      %add3A_1409 = arith.constant 33 : i32
      %add3A_1410 = arith.addi %mul3A_114, %add3A_1409 : i32
      %get3A_1411 = arith.index_cast %add3A_1410 : i32 to index
      %get3A_1412 = arith.constant 16 : index
      %get3A_1413 = tpu.vector_load %arg11[%get3A_1411, %get3A_1412] {strides = array<i32>} : memref<400x64xf32, #tpu.memory_space<vmem>>, vector<1x16xf32>,
      %get3A_1414 = vector.shape_cast %get3A_1413 : vector<1x16xf32> to vector<16xf32>
      %mul3A_1415 = vector.broadcast %squeeze3A_1399 : f32 to vector<16xf32>
      %mul3A_1416 = arith.mulf %mul3A_1415, %get3A_1414 : vector<16xf32>
      %add3A_1417 = arith.addf %add3A_1379, %mul3A_1416 : vector<16xf32>
      %add3A_1418 = arith.constant 33 : i32
      %add3A_1419 = arith.addi %mul3A_114, %add3A_1418 : i32
      %get3A_1420 = arith.index_cast %add3A_1419 : i32 to index
      %get3A_1421 = arith.constant 32 : index
      %get3A_1422 = tpu.vector_load %arg11[%get3A_1420, %get3A_1421] {strides = array<i32>} : memref<400x64xf32, #tpu.memory_space<vmem>>, vector<1x16xf32>,
      %get3A_1423 = vector.shape_cast %get3A_1422 : vector<1x16xf32> to vector<16xf32>
      %mul3A_1424 = vector.broadcast %squeeze3A_1399 : f32 to vector<16xf32>
      %mul3A_1425 = arith.mulf %mul3A_1424, %get3A_1423 : vector<16xf32>
      %add3A_1426 = arith.addf %add3A_1388, %mul3A_1425 : vector<16xf32>
      %add3A_1427 = arith.constant 33 : i32
      %add3A_1428 = arith.addi %mul3A_114, %add3A_1427 : i32
      %get3A_1429 = arith.index_cast %add3A_1428 : i32 to index
      %get3A_1430 = arith.constant 48 : index
      %get3A_1431 = tpu.vector_load %arg11[%get3A_1429, %get3A_1430] {strides = array<i32>} : memref<400x64xf32, #tpu.memory_space<vmem>>, vector<1x16xf32>,
      %get3A_1432 = vector.shape_cast %get3A_1431 : vector<1x16xf32> to vector<16xf32>
      %mul3A_1433 = vector.broadcast %squeeze3A_1399 : f32 to vector<16xf32>
      %mul3A_1434 = arith.mulf %mul3A_1433, %get3A_1432 : vector<16xf32>
      %add3A_1435 = arith.addf %add3A_1397, %mul3A_1434 : vector<16xf32>
      %slice3A_1436 = vector.extract_strided_slice %get3A_141 {offsets = [2], sizes = [1], strides = [1]} : vector<16xf32> to vector<1xf32>
      %squeeze3A_1437 = vector.extract %slice3A_1436[0] : f32 from vector<1xf32>
      %add3A_1438 = arith.constant 34 : i32
      %add3A_1439 = arith.addi %mul3A_114, %add3A_1438 : i32
      %get3A_1440 = arith.index_cast %add3A_1439 : i32 to index
      %get3A_1441 = arith.constant 0 : index
      %get3A_1442 = tpu.vector_load %arg11[%get3A_1440, %get3A_1441] {strides = array<i32>} : memref<400x64xf32, #tpu.memory_space<vmem>>, vector<1x16xf32>,
      %get3A_1443 = vector.shape_cast %get3A_1442 : vector<1x16xf32> to vector<16xf32>
      %mul3A_1444 = vector.broadcast %squeeze3A_1437 : f32 to vector<16xf32>
      %mul3A_1445 = arith.mulf %mul3A_1444, %get3A_1443 : vector<16xf32>
      %add3A_1446 = arith.addf %add3A_1408, %mul3A_1445 : vector<16xf32>
      %add3A_1447 = arith.constant 34 : i32
      %add3A_1448 = arith.addi %mul3A_114, %add3A_1447 : i32
      %get3A_1449 = arith.index_cast %add3A_1448 : i32 to index
      %get3A_1450 = arith.constant 16 : index
      %get3A_1451 = tpu.vector_load %arg11[%get3A_1449, %get3A_1450] {strides = array<i32>} : memref<400x64xf32, #tpu.memory_space<vmem>>, vector<1x16xf32>,
      %get3A_1452 = vector.shape_cast %get3A_1451 : vector<1x16xf32> to vector<16xf32>
      %mul3A_1453 = vector.broadcast %squeeze3A_1437 : f32 to vector<16xf32>
      %mul3A_1454 = arith.mulf %mul3A_1453, %get3A_1452 : vector<16xf32>
      %add3A_1455 = arith.addf %add3A_1417, %mul3A_1454 : vector<16xf32>
      %add3A_1456 = arith.constant 34 : i32
      %add3A_1457 = arith.addi %mul3A_114, %add3A_1456 : i32
      %get3A_1458 = arith.index_cast %add3A_1457 : i32 to index
      %get3A_1459 = arith.constant 32 : index
      %get3A_1460 = tpu.vector_load %arg11[%get3A_1458, %get3A_1459] {strides = array<i32>} : memref<400x64xf32, #tpu.memory_space<vmem>>, vector<1x16xf32>,
      %get3A_1461 = vector.shape_cast %get3A_1460 : vector<1x16xf32> to vector<16xf32>
      %mul3A_1462 = vector.broadcast %squeeze3A_1437 : f32 to vector<16xf32>
      %mul3A_1463 = arith.mulf %mul3A_1462, %get3A_1461 : vector<16xf32>
      %add3A_1464 = arith.addf %add3A_1426, %mul3A_1463 : vector<16xf32>
      %add3A_1465 = arith.constant 34 : i32
      %add3A_1466 = arith.addi %mul3A_114, %add3A_1465 : i32
      %get3A_1467 = arith.index_cast %add3A_1466 : i32 to index
      %get3A_1468 = arith.constant 48 : index
      %get3A_1469 = tpu.vector_load %arg11[%get3A_1467, %get3A_1468] {strides = array<i32>} : memref<400x64xf32, #tpu.memory_space<vmem>>, vector<1x16xf32>,
      %get3A_1470 = vector.shape_cast %get3A_1469 : vector<1x16xf32> to vector<16xf32>
      %mul3A_1471 = vector.broadcast %squeeze3A_1437 : f32 to vector<16xf32>
      %mul3A_1472 = arith.mulf %mul3A_1471, %get3A_1470 : vector<16xf32>
      %add3A_1473 = arith.addf %add3A_1435, %mul3A_1472 : vector<16xf32>
      %slice3A_1474 = vector.extract_strided_slice %get3A_141 {offsets = [3], sizes = [1], strides = [1]} : vector<16xf32> to vector<1xf32>
      %squeeze3A_1475 = vector.extract %slice3A_1474[0] : f32 from vector<1xf32>
      %add3A_1476 = arith.constant 35 : i32
      %add3A_1477 = arith.addi %mul3A_114, %add3A_1476 : i32
      %get3A_1478 = arith.index_cast %add3A_1477 : i32 to index
      %get3A_1479 = arith.constant 0 : index
      %get3A_1480 = tpu.vector_load %arg11[%get3A_1478, %get3A_1479] {strides = array<i32>} : memref<400x64xf32, #tpu.memory_space<vmem>>, vector<1x16xf32>,
      %get3A_1481 = vector.shape_cast %get3A_1480 : vector<1x16xf32> to vector<16xf32>
      %mul3A_1482 = vector.broadcast %squeeze3A_1475 : f32 to vector<16xf32>
      %mul3A_1483 = arith.mulf %mul3A_1482, %get3A_1481 : vector<16xf32>
      %add3A_1484 = arith.addf %add3A_1446, %mul3A_1483 : vector<16xf32>
      %add3A_1485 = arith.constant 35 : i32
      %add3A_1486 = arith.addi %mul3A_114, %add3A_1485 : i32
      %get3A_1487 = arith.index_cast %add3A_1486 : i32 to index
      %get3A_1488 = arith.constant 16 : index
      %get3A_1489 = tpu.vector_load %arg11[%get3A_1487, %get3A_1488] {strides = array<i32>} : memref<400x64xf32, #tpu.memory_space<vmem>>, vector<1x16xf32>,
      %get3A_1490 = vector.shape_cast %get3A_1489 : vector<1x16xf32> to vector<16xf32>
      %mul3A_1491 = vector.broadcast %squeeze3A_1475 : f32 to vector<16xf32>
      %mul3A_1492 = arith.mulf %mul3A_1491, %get3A_1490 : vector<16xf32>
      %add3A_1493 = arith.addf %add3A_1455, %mul3A_1492 : vector<16xf32>
      %add3A_1494 = arith.constant 35 : i32
      %add3A_1495 = arith.addi %mul3A_114, %add3A_1494 : i32
      %get3A_1496 = arith.index_cast %add3A_1495 : i32 to index
      %get3A_1497 = arith.constant 32 : index
      %get3A_1498 = tpu.vector_load %arg11[%get3A_1496, %get3A_1497] {strides = array<i32>} : memref<400x64xf32, #tpu.memory_space<vmem>>, vector<1x16xf32>,
      %get3A_1499 = vector.shape_cast %get3A_1498 : vector<1x16xf32> to vector<16xf32>
      %mul3A_1500 = vector.broadcast %squeeze3A_1475 : f32 to vector<16xf32>
      %mul3A_1501 = arith.mulf %mul3A_1500, %get3A_1499 : vector<16xf32>
      %add3A_1502 = arith.addf %add3A_1464, %mul3A_1501 : vector<16xf32>
      %add3A_1503 = arith.constant 35 : i32
      %add3A_1504 = arith.addi %mul3A_114, %add3A_1503 : i32
      %get3A_1505 = arith.index_cast %add3A_1504 : i32 to index
      %get3A_1506 = arith.constant 48 : index
      %get3A_1507 = tpu.vector_load %arg11[%get3A_1505, %get3A_1506] {strides = array<i32>} : memref<400x64xf32, #tpu.memory_space<vmem>>, vector<1x16xf32>,
      %get3A_1508 = vector.shape_cast %get3A_1507 : vector<1x16xf32> to vector<16xf32>
      %mul3A_1509 = vector.broadcast %squeeze3A_1475 : f32 to vector<16xf32>
      %mul3A_1510 = arith.mulf %mul3A_1509, %get3A_1508 : vector<16xf32>
      %add3A_1511 = arith.addf %add3A_1473, %mul3A_1510 : vector<16xf32>
      %slice3A_1512 = vector.extract_strided_slice %get3A_141 {offsets = [4], sizes = [1], strides = [1]} : vector<16xf32> to vector<1xf32>
      %squeeze3A_1513 = vector.extract %slice3A_1512[0] : f32 from vector<1xf32>
      %add3A_1514 = arith.constant 36 : i32
      %add3A_1515 = arith.addi %mul3A_114, %add3A_1514 : i32
      %get3A_1516 = arith.index_cast %add3A_1515 : i32 to index
      %get3A_1517 = arith.constant 0 : index
      %get3A_1518 = tpu.vector_load %arg11[%get3A_1516, %get3A_1517] {strides = array<i32>} : memref<400x64xf32, #tpu.memory_space<vmem>>, vector<1x16xf32>,
      %get3A_1519 = vector.shape_cast %get3A_1518 : vector<1x16xf32> to vector<16xf32>
      %mul3A_1520 = vector.broadcast %squeeze3A_1513 : f32 to vector<16xf32>
      %mul3A_1521 = arith.mulf %mul3A_1520, %get3A_1519 : vector<16xf32>
      %add3A_1522 = arith.addf %add3A_1484, %mul3A_1521 : vector<16xf32>
      %add3A_1523 = arith.constant 36 : i32
      %add3A_1524 = arith.addi %mul3A_114, %add3A_1523 : i32
      %get3A_1525 = arith.index_cast %add3A_1524 : i32 to index
      %get3A_1526 = arith.constant 16 : index
      %get3A_1527 = tpu.vector_load %arg11[%get3A_1525, %get3A_1526] {strides = array<i32>} : memref<400x64xf32, #tpu.memory_space<vmem>>, vector<1x16xf32>,
      %get3A_1528 = vector.shape_cast %get3A_1527 : vector<1x16xf32> to vector<16xf32>
      %mul3A_1529 = vector.broadcast %squeeze3A_1513 : f32 to vector<16xf32>
      %mul3A_1530 = arith.mulf %mul3A_1529, %get3A_1528 : vector<16xf32>
      %add3A_1531 = arith.addf %add3A_1493, %mul3A_1530 : vector<16xf32>
      %add3A_1532 = arith.constant 36 : i32
      %add3A_1533 = arith.addi %mul3A_114, %add3A_1532 : i32
      %get3A_1534 = arith.index_cast %add3A_1533 : i32 to index
      %get3A_1535 = arith.constant 32 : index
      %get3A_1536 = tpu.vector_load %arg11[%get3A_1534, %get3A_1535] {strides = array<i32>} : memref<400x64xf32, #tpu.memory_space<vmem>>, vector<1x16xf32>,
      %get3A_1537 = vector.shape_cast %get3A_1536 : vector<1x16xf32> to vector<16xf32>
      %mul3A_1538 = vector.broadcast %squeeze3A_1513 : f32 to vector<16xf32>
      %mul3A_1539 = arith.mulf %mul3A_1538, %get3A_1537 : vector<16xf32>
      %add3A_1540 = arith.addf %add3A_1502, %mul3A_1539 : vector<16xf32>
      %add3A_1541 = arith.constant 36 : i32
      %add3A_1542 = arith.addi %mul3A_114, %add3A_1541 : i32
      %get3A_1543 = arith.index_cast %add3A_1542 : i32 to index
      %get3A_1544 = arith.constant 48 : index
      %get3A_1545 = tpu.vector_load %arg11[%get3A_1543, %get3A_1544] {strides = array<i32>} : memref<400x64xf32, #tpu.memory_space<vmem>>, vector<1x16xf32>,
      %get3A_1546 = vector.shape_cast %get3A_1545 : vector<1x16xf32> to vector<16xf32>
      %mul3A_1547 = vector.broadcast %squeeze3A_1513 : f32 to vector<16xf32>
      %mul3A_1548 = arith.mulf %mul3A_1547, %get3A_1546 : vector<16xf32>
      %add3A_1549 = arith.addf %add3A_1511, %mul3A_1548 : vector<16xf32>
      %slice3A_1550 = vector.extract_strided_slice %get3A_141 {offsets = [5], sizes = [1], strides = [1]} : vector<16xf32> to vector<1xf32>
      %squeeze3A_1551 = vector.extract %slice3A_1550[0] : f32 from vector<1xf32>
      %add3A_1552 = arith.constant 37 : i32
      %add3A_1553 = arith.addi %mul3A_114, %add3A_1552 : i32
      %get3A_1554 = arith.index_cast %add3A_1553 : i32 to index
      %get3A_1555 = arith.constant 0 : index
      %get3A_1556 = tpu.vector_load %arg11[%get3A_1554, %get3A_1555] {strides = array<i32>} : memref<400x64xf32, #tpu.memory_space<vmem>>, vector<1x16xf32>,
      %get3A_1557 = vector.shape_cast %get3A_1556 : vector<1x16xf32> to vector<16xf32>
      %mul3A_1558 = vector.broadcast %squeeze3A_1551 : f32 to vector<16xf32>
      %mul3A_1559 = arith.mulf %mul3A_1558, %get3A_1557 : vector<16xf32>
      %add3A_1560 = arith.addf %add3A_1522, %mul3A_1559 : vector<16xf32>
      %add3A_1561 = arith.constant 37 : i32
      %add3A_1562 = arith.addi %mul3A_114, %add3A_1561 : i32
      %get3A_1563 = arith.index_cast %add3A_1562 : i32 to index
      %get3A_1564 = arith.constant 16 : index
      %get3A_1565 = tpu.vector_load %arg11[%get3A_1563, %get3A_1564] {strides = array<i32>} : memref<400x64xf32, #tpu.memory_space<vmem>>, vector<1x16xf32>,
      %get3A_1566 = vector.shape_cast %get3A_1565 : vector<1x16xf32> to vector<16xf32>
      %mul3A_1567 = vector.broadcast %squeeze3A_1551 : f32 to vector<16xf32>
      %mul3A_1568 = arith.mulf %mul3A_1567, %get3A_1566 : vector<16xf32>
      %add3A_1569 = arith.addf %add3A_1531, %mul3A_1568 : vector<16xf32>
      %add3A_1570 = arith.constant 37 : i32
      %add3A_1571 = arith.addi %mul3A_114, %add3A_1570 : i32
      %get3A_1572 = arith.index_cast %add3A_1571 : i32 to index
      %get3A_1573 = arith.constant 32 : index
      %get3A_1574 = tpu.vector_load %arg11[%get3A_1572, %get3A_1573] {strides = array<i32>} : memref<400x64xf32, #tpu.memory_space<vmem>>, vector<1x16xf32>,
      %get3A_1575 = vector.shape_cast %get3A_1574 : vector<1x16xf32> to vector<16xf32>
      %mul3A_1576 = vector.broadcast %squeeze3A_1551 : f32 to vector<16xf32>
      %mul3A_1577 = arith.mulf %mul3A_1576, %get3A_1575 : vector<16xf32>
      %add3A_1578 = arith.addf %add3A_1540, %mul3A_1577 : vector<16xf32>
      %add3A_1579 = arith.constant 37 : i32
      %add3A_1580 = arith.addi %mul3A_114, %add3A_1579 : i32
      %get3A_1581 = arith.index_cast %add3A_1580 : i32 to index
      %get3A_1582 = arith.constant 48 : index
      %get3A_1583 = tpu.vector_load %arg11[%get3A_1581, %get3A_1582] {strides = array<i32>} : memref<400x64xf32, #tpu.memory_space<vmem>>, vector<1x16xf32>,
      %get3A_1584 = vector.shape_cast %get3A_1583 : vector<1x16xf32> to vector<16xf32>
      %mul3A_1585 = vector.broadcast %squeeze3A_1551 : f32 to vector<16xf32>
      %mul3A_1586 = arith.mulf %mul3A_1585, %get3A_1584 : vector<16xf32>
      %add3A_1587 = arith.addf %add3A_1549, %mul3A_1586 : vector<16xf32>
      %slice3A_1588 = vector.extract_strided_slice %get3A_141 {offsets = [6], sizes = [1], strides = [1]} : vector<16xf32> to vector<1xf32>
      %squeeze3A_1589 = vector.extract %slice3A_1588[0] : f32 from vector<1xf32>
      %add3A_1590 = arith.constant 38 : i32
      %add3A_1591 = arith.addi %mul3A_114, %add3A_1590 : i32
      %get3A_1592 = arith.index_cast %add3A_1591 : i32 to index
      %get3A_1593 = arith.constant 0 : index
      %get3A_1594 = tpu.vector_load %arg11[%get3A_1592, %get3A_1593] {strides = array<i32>} : memref<400x64xf32, #tpu.memory_space<vmem>>, vector<1x16xf32>,
      %get3A_1595 = vector.shape_cast %get3A_1594 : vector<1x16xf32> to vector<16xf32>
      %mul3A_1596 = vector.broadcast %squeeze3A_1589 : f32 to vector<16xf32>
      %mul3A_1597 = arith.mulf %mul3A_1596, %get3A_1595 : vector<16xf32>
      %add3A_1598 = arith.addf %add3A_1560, %mul3A_1597 : vector<16xf32>
      %add3A_1599 = arith.constant 38 : i32
      %add3A_1600 = arith.addi %mul3A_114, %add3A_1599 : i32
      %get3A_1601 = arith.index_cast %add3A_1600 : i32 to index
      %get3A_1602 = arith.constant 16 : index
      %get3A_1603 = tpu.vector_load %arg11[%get3A_1601, %get3A_1602] {strides = array<i32>} : memref<400x64xf32, #tpu.memory_space<vmem>>, vector<1x16xf32>,
      %get3A_1604 = vector.shape_cast %get3A_1603 : vector<1x16xf32> to vector<16xf32>
      %mul3A_1605 = vector.broadcast %squeeze3A_1589 : f32 to vector<16xf32>
      %mul3A_1606 = arith.mulf %mul3A_1605, %get3A_1604 : vector<16xf32>
      %add3A_1607 = arith.addf %add3A_1569, %mul3A_1606 : vector<16xf32>
      %add3A_1608 = arith.constant 38 : i32
      %add3A_1609 = arith.addi %mul3A_114, %add3A_1608 : i32
      %get3A_1610 = arith.index_cast %add3A_1609 : i32 to index
      %get3A_1611 = arith.constant 32 : index
      %get3A_1612 = tpu.vector_load %arg11[%get3A_1610, %get3A_1611] {strides = array<i32>} : memref<400x64xf32, #tpu.memory_space<vmem>>, vector<1x16xf32>,
      %get3A_1613 = vector.shape_cast %get3A_1612 : vector<1x16xf32> to vector<16xf32>
      %mul3A_1614 = vector.broadcast %squeeze3A_1589 : f32 to vector<16xf32>
      %mul3A_1615 = arith.mulf %mul3A_1614, %get3A_1613 : vector<16xf32>
      %add3A_1616 = arith.addf %add3A_1578, %mul3A_1615 : vector<16xf32>
      %add3A_1617 = arith.constant 38 : i32
      %add3A_1618 = arith.addi %mul3A_114, %add3A_1617 : i32
      %get3A_1619 = arith.index_cast %add3A_1618 : i32 to index
      %get3A_1620 = arith.constant 48 : index
      %get3A_1621 = tpu.vector_load %arg11[%get3A_1619, %get3A_1620] {strides = array<i32>} : memref<400x64xf32, #tpu.memory_space<vmem>>, vector<1x16xf32>,
      %get3A_1622 = vector.shape_cast %get3A_1621 : vector<1x16xf32> to vector<16xf32>
      %mul3A_1623 = vector.broadcast %squeeze3A_1589 : f32 to vector<16xf32>
      %mul3A_1624 = arith.mulf %mul3A_1623, %get3A_1622 : vector<16xf32>
      %add3A_1625 = arith.addf %add3A_1587, %mul3A_1624 : vector<16xf32>
      %slice3A_1626 = vector.extract_strided_slice %get3A_141 {offsets = [7], sizes = [1], strides = [1]} : vector<16xf32> to vector<1xf32>
      %squeeze3A_1627 = vector.extract %slice3A_1626[0] : f32 from vector<1xf32>
      %add3A_1628 = arith.constant 39 : i32
      %add3A_1629 = arith.addi %mul3A_114, %add3A_1628 : i32
      %get3A_1630 = arith.index_cast %add3A_1629 : i32 to index
      %get3A_1631 = arith.constant 0 : index
      %get3A_1632 = tpu.vector_load %arg11[%get3A_1630, %get3A_1631] {strides = array<i32>} : memref<400x64xf32, #tpu.memory_space<vmem>>, vector<1x16xf32>,
      %get3A_1633 = vector.shape_cast %get3A_1632 : vector<1x16xf32> to vector<16xf32>
      %mul3A_1634 = vector.broadcast %squeeze3A_1627 : f32 to vector<16xf32>
      %mul3A_1635 = arith.mulf %mul3A_1634, %get3A_1633 : vector<16xf32>
      %add3A_1636 = arith.addf %add3A_1598, %mul3A_1635 : vector<16xf32>
      %add3A_1637 = arith.constant 39 : i32
      %add3A_1638 = arith.addi %mul3A_114, %add3A_1637 : i32
      %get3A_1639 = arith.index_cast %add3A_1638 : i32 to index
      %get3A_1640 = arith.constant 16 : index
      %get3A_1641 = tpu.vector_load %arg11[%get3A_1639, %get3A_1640] {strides = array<i32>} : memref<400x64xf32, #tpu.memory_space<vmem>>, vector<1x16xf32>,
      %get3A_1642 = vector.shape_cast %get3A_1641 : vector<1x16xf32> to vector<16xf32>
      %mul3A_1643 = vector.broadcast %squeeze3A_1627 : f32 to vector<16xf32>
      %mul3A_1644 = arith.mulf %mul3A_1643, %get3A_1642 : vector<16xf32>
      %add3A_1645 = arith.addf %add3A_1607, %mul3A_1644 : vector<16xf32>
      %add3A_1646 = arith.constant 39 : i32
      %add3A_1647 = arith.addi %mul3A_114, %add3A_1646 : i32
      %get3A_1648 = arith.index_cast %add3A_1647 : i32 to index
      %get3A_1649 = arith.constant 32 : index
      %get3A_1650 = tpu.vector_load %arg11[%get3A_1648, %get3A_1649] {strides = array<i32>} : memref<400x64xf32, #tpu.memory_space<vmem>>, vector<1x16xf32>,
      %get3A_1651 = vector.shape_cast %get3A_1650 : vector<1x16xf32> to vector<16xf32>
      %mul3A_1652 = vector.broadcast %squeeze3A_1627 : f32 to vector<16xf32>
      %mul3A_1653 = arith.mulf %mul3A_1652, %get3A_1651 : vector<16xf32>
      %add3A_1654 = arith.addf %add3A_1616, %mul3A_1653 : vector<16xf32>
      %add3A_1655 = arith.constant 39 : i32
      %add3A_1656 = arith.addi %mul3A_114, %add3A_1655 : i32
      %get3A_1657 = arith.index_cast %add3A_1656 : i32 to index
      %get3A_1658 = arith.constant 48 : index
      %get3A_1659 = tpu.vector_load %arg11[%get3A_1657, %get3A_1658] {strides = array<i32>} : memref<400x64xf32, #tpu.memory_space<vmem>>, vector<1x16xf32>,
      %get3A_1660 = vector.shape_cast %get3A_1659 : vector<1x16xf32> to vector<16xf32>
      %mul3A_1661 = vector.broadcast %squeeze3A_1627 : f32 to vector<16xf32>
      %mul3A_1662 = arith.mulf %mul3A_1661, %get3A_1660 : vector<16xf32>
      %add3A_1663 = arith.addf %add3A_1625, %mul3A_1662 : vector<16xf32>
      %slice3A_1664 = vector.extract_strided_slice %get3A_141 {offsets = [8], sizes = [1], strides = [1]} : vector<16xf32> to vector<1xf32>
      %squeeze3A_1665 = vector.extract %slice3A_1664[0] : f32 from vector<1xf32>
      %add3A_1666 = arith.constant 40 : i32
      %add3A_1667 = arith.addi %mul3A_114, %add3A_1666 : i32
      %get3A_1668 = arith.index_cast %add3A_1667 : i32 to index
      %get3A_1669 = arith.constant 0 : index
      %get3A_1670 = tpu.vector_load %arg11[%get3A_1668, %get3A_1669] {strides = array<i32>} : memref<400x64xf32, #tpu.memory_space<vmem>>, vector<1x16xf32>,
      %get3A_1671 = vector.shape_cast %get3A_1670 : vector<1x16xf32> to vector<16xf32>
      %mul3A_1672 = vector.broadcast %squeeze3A_1665 : f32 to vector<16xf32>
      %mul3A_1673 = arith.mulf %mul3A_1672, %get3A_1671 : vector<16xf32>
      %add3A_1674 = arith.addf %add3A_1636, %mul3A_1673 : vector<16xf32>
      %add3A_1675 = arith.constant 40 : i32
      %add3A_1676 = arith.addi %mul3A_114, %add3A_1675 : i32
      %get3A_1677 = arith.index_cast %add3A_1676 : i32 to index
      %get3A_1678 = arith.constant 16 : index
      %get3A_1679 = tpu.vector_load %arg11[%get3A_1677, %get3A_1678] {strides = array<i32>} : memref<400x64xf32, #tpu.memory_space<vmem>>, vector<1x16xf32>,
      %get3A_1680 = vector.shape_cast %get3A_1679 : vector<1x16xf32> to vector<16xf32>
      %mul3A_1681 = vector.broadcast %squeeze3A_1665 : f32 to vector<16xf32>
      %mul3A_1682 = arith.mulf %mul3A_1681, %get3A_1680 : vector<16xf32>
      %add3A_1683 = arith.addf %add3A_1645, %mul3A_1682 : vector<16xf32>
      %add3A_1684 = arith.constant 40 : i32
      %add3A_1685 = arith.addi %mul3A_114, %add3A_1684 : i32
      %get3A_1686 = arith.index_cast %add3A_1685 : i32 to index
      %get3A_1687 = arith.constant 32 : index
      %get3A_1688 = tpu.vector_load %arg11[%get3A_1686, %get3A_1687] {strides = array<i32>} : memref<400x64xf32, #tpu.memory_space<vmem>>, vector<1x16xf32>,
      %get3A_1689 = vector.shape_cast %get3A_1688 : vector<1x16xf32> to vector<16xf32>
      %mul3A_1690 = vector.broadcast %squeeze3A_1665 : f32 to vector<16xf32>
      %mul3A_1691 = arith.mulf %mul3A_1690, %get3A_1689 : vector<16xf32>
      %add3A_1692 = arith.addf %add3A_1654, %mul3A_1691 : vector<16xf32>
      %add3A_1693 = arith.constant 40 : i32
      %add3A_1694 = arith.addi %mul3A_114, %add3A_1693 : i32
      %get3A_1695 = arith.index_cast %add3A_1694 : i32 to index
      %get3A_1696 = arith.constant 48 : index
      %get3A_1697 = tpu.vector_load %arg11[%get3A_1695, %get3A_1696] {strides = array<i32>} : memref<400x64xf32, #tpu.memory_space<vmem>>, vector<1x16xf32>,
      %get3A_1698 = vector.shape_cast %get3A_1697 : vector<1x16xf32> to vector<16xf32>
      %mul3A_1699 = vector.broadcast %squeeze3A_1665 : f32 to vector<16xf32>
      %mul3A_1700 = arith.mulf %mul3A_1699, %get3A_1698 : vector<16xf32>
      %add3A_1701 = arith.addf %add3A_1663, %mul3A_1700 : vector<16xf32>
      %slice3A_1702 = vector.extract_strided_slice %get3A_141 {offsets = [9], sizes = [1], strides = [1]} : vector<16xf32> to vector<1xf32>
      %squeeze3A_1703 = vector.extract %slice3A_1702[0] : f32 from vector<1xf32>
      %add3A_1704 = arith.constant 41 : i32
      %add3A_1705 = arith.addi %mul3A_114, %add3A_1704 : i32
      %get3A_1706 = arith.index_cast %add3A_1705 : i32 to index
      %get3A_1707 = arith.constant 0 : index
      %get3A_1708 = tpu.vector_load %arg11[%get3A_1706, %get3A_1707] {strides = array<i32>} : memref<400x64xf32, #tpu.memory_space<vmem>>, vector<1x16xf32>,
      %get3A_1709 = vector.shape_cast %get3A_1708 : vector<1x16xf32> to vector<16xf32>
      %mul3A_1710 = vector.broadcast %squeeze3A_1703 : f32 to vector<16xf32>
      %mul3A_1711 = arith.mulf %mul3A_1710, %get3A_1709 : vector<16xf32>
      %add3A_1712 = arith.addf %add3A_1674, %mul3A_1711 : vector<16xf32>
      %add3A_1713 = arith.constant 41 : i32
      %add3A_1714 = arith.addi %mul3A_114, %add3A_1713 : i32
      %get3A_1715 = arith.index_cast %add3A_1714 : i32 to index
      %get3A_1716 = arith.constant 16 : index
      %get3A_1717 = tpu.vector_load %arg11[%get3A_1715, %get3A_1716] {strides = array<i32>} : memref<400x64xf32, #tpu.memory_space<vmem>>, vector<1x16xf32>,
      %get3A_1718 = vector.shape_cast %get3A_1717 : vector<1x16xf32> to vector<16xf32>
      %mul3A_1719 = vector.broadcast %squeeze3A_1703 : f32 to vector<16xf32>
      %mul3A_1720 = arith.mulf %mul3A_1719, %get3A_1718 : vector<16xf32>
      %add3A_1721 = arith.addf %add3A_1683, %mul3A_1720 : vector<16xf32>
      %add3A_1722 = arith.constant 41 : i32
      %add3A_1723 = arith.addi %mul3A_114, %add3A_1722 : i32
      %get3A_1724 = arith.index_cast %add3A_1723 : i32 to index
      %get3A_1725 = arith.constant 32 : index
      %get3A_1726 = tpu.vector_load %arg11[%get3A_1724, %get3A_1725] {strides = array<i32>} : memref<400x64xf32, #tpu.memory_space<vmem>>, vector<1x16xf32>,
      %get3A_1727 = vector.shape_cast %get3A_1726 : vector<1x16xf32> to vector<16xf32>
      %mul3A_1728 = vector.broadcast %squeeze3A_1703 : f32 to vector<16xf32>
      %mul3A_1729 = arith.mulf %mul3A_1728, %get3A_1727 : vector<16xf32>
      %add3A_1730 = arith.addf %add3A_1692, %mul3A_1729 : vector<16xf32>
      %add3A_1731 = arith.constant 41 : i32
      %add3A_1732 = arith.addi %mul3A_114, %add3A_1731 : i32
      %get3A_1733 = arith.index_cast %add3A_1732 : i32 to index
      %get3A_1734 = arith.constant 48 : index
      %get3A_1735 = tpu.vector_load %arg11[%get3A_1733, %get3A_1734] {strides = array<i32>} : memref<400x64xf32, #tpu.memory_space<vmem>>, vector<1x16xf32>,
      %get3A_1736 = vector.shape_cast %get3A_1735 : vector<1x16xf32> to vector<16xf32>
      %mul3A_1737 = vector.broadcast %squeeze3A_1703 : f32 to vector<16xf32>
      %mul3A_1738 = arith.mulf %mul3A_1737, %get3A_1736 : vector<16xf32>
      %add3A_1739 = arith.addf %add3A_1701, %mul3A_1738 : vector<16xf32>
      %slice3A_1740 = vector.extract_strided_slice %get3A_141 {offsets = [10], sizes = [1], strides = [1]} : vector<16xf32> to vector<1xf32>
      %squeeze3A_1741 = vector.extract %slice3A_1740[0] : f32 from vector<1xf32>
      %add3A_1742 = arith.constant 42 : i32
      %add3A_1743 = arith.addi %mul3A_114, %add3A_1742 : i32
      %get3A_1744 = arith.index_cast %add3A_1743 : i32 to index
      %get3A_1745 = arith.constant 0 : index
      %get3A_1746 = tpu.vector_load %arg11[%get3A_1744, %get3A_1745] {strides = array<i32>} : memref<400x64xf32, #tpu.memory_space<vmem>>, vector<1x16xf32>,
      %get3A_1747 = vector.shape_cast %get3A_1746 : vector<1x16xf32> to vector<16xf32>
      %mul3A_1748 = vector.broadcast %squeeze3A_1741 : f32 to vector<16xf32>
      %mul3A_1749 = arith.mulf %mul3A_1748, %get3A_1747 : vector<16xf32>
      %add3A_1750 = arith.addf %add3A_1712, %mul3A_1749 : vector<16xf32>
      %add3A_1751 = arith.constant 42 : i32
      %add3A_1752 = arith.addi %mul3A_114, %add3A_1751 : i32
      %get3A_1753 = arith.index_cast %add3A_1752 : i32 to index
      %get3A_1754 = arith.constant 16 : index
      %get3A_1755 = tpu.vector_load %arg11[%get3A_1753, %get3A_1754] {strides = array<i32>} : memref<400x64xf32, #tpu.memory_space<vmem>>, vector<1x16xf32>,
      %get3A_1756 = vector.shape_cast %get3A_1755 : vector<1x16xf32> to vector<16xf32>
      %mul3A_1757 = vector.broadcast %squeeze3A_1741 : f32 to vector<16xf32>
      %mul3A_1758 = arith.mulf %mul3A_1757, %get3A_1756 : vector<16xf32>
      %add3A_1759 = arith.addf %add3A_1721, %mul3A_1758 : vector<16xf32>
      %add3A_1760 = arith.constant 42 : i32
      %add3A_1761 = arith.addi %mul3A_114, %add3A_1760 : i32
      %get3A_1762 = arith.index_cast %add3A_1761 : i32 to index
      %get3A_1763 = arith.constant 32 : index
      %get3A_1764 = tpu.vector_load %arg11[%get3A_1762, %get3A_1763] {strides = array<i32>} : memref<400x64xf32, #tpu.memory_space<vmem>>, vector<1x16xf32>,
      %get3A_1765 = vector.shape_cast %get3A_1764 : vector<1x16xf32> to vector<16xf32>
      %mul3A_1766 = vector.broadcast %squeeze3A_1741 : f32 to vector<16xf32>
      %mul3A_1767 = arith.mulf %mul3A_1766, %get3A_1765 : vector<16xf32>
      %add3A_1768 = arith.addf %add3A_1730, %mul3A_1767 : vector<16xf32>
      %add3A_1769 = arith.constant 42 : i32
      %add3A_1770 = arith.addi %mul3A_114, %add3A_1769 : i32
      %get3A_1771 = arith.index_cast %add3A_1770 : i32 to index
      %get3A_1772 = arith.constant 48 : index
      %get3A_1773 = tpu.vector_load %arg11[%get3A_1771, %get3A_1772] {strides = array<i32>} : memref<400x64xf32, #tpu.memory_space<vmem>>, vector<1x16xf32>,
      %get3A_1774 = vector.shape_cast %get3A_1773 : vector<1x16xf32> to vector<16xf32>
      %mul3A_1775 = vector.broadcast %squeeze3A_1741 : f32 to vector<16xf32>
      %mul3A_1776 = arith.mulf %mul3A_1775, %get3A_1774 : vector<16xf32>
      %add3A_1777 = arith.addf %add3A_1739, %mul3A_1776 : vector<16xf32>
      %slice3A_1778 = vector.extract_strided_slice %get3A_141 {offsets = [11], sizes = [1], strides = [1]} : vector<16xf32> to vector<1xf32>
      %squeeze3A_1779 = vector.extract %slice3A_1778[0] : f32 from vector<1xf32>
      %add3A_1780 = arith.constant 43 : i32
      %add3A_1781 = arith.addi %mul3A_114, %add3A_1780 : i32
      %get3A_1782 = arith.index_cast %add3A_1781 : i32 to index
      %get3A_1783 = arith.constant 0 : index
      %get3A_1784 = tpu.vector_load %arg11[%get3A_1782, %get3A_1783] {strides = array<i32>} : memref<400x64xf32, #tpu.memory_space<vmem>>, vector<1x16xf32>,
      %get3A_1785 = vector.shape_cast %get3A_1784 : vector<1x16xf32> to vector<16xf32>
      %mul3A_1786 = vector.broadcast %squeeze3A_1779 : f32 to vector<16xf32>
      %mul3A_1787 = arith.mulf %mul3A_1786, %get3A_1785 : vector<16xf32>
      %add3A_1788 = arith.addf %add3A_1750, %mul3A_1787 : vector<16xf32>
      %add3A_1789 = arith.constant 43 : i32
      %add3A_1790 = arith.addi %mul3A_114, %add3A_1789 : i32
      %get3A_1791 = arith.index_cast %add3A_1790 : i32 to index
      %get3A_1792 = arith.constant 16 : index
      %get3A_1793 = tpu.vector_load %arg11[%get3A_1791, %get3A_1792] {strides = array<i32>} : memref<400x64xf32, #tpu.memory_space<vmem>>, vector<1x16xf32>,
      %get3A_1794 = vector.shape_cast %get3A_1793 : vector<1x16xf32> to vector<16xf32>
      %mul3A_1795 = vector.broadcast %squeeze3A_1779 : f32 to vector<16xf32>
      %mul3A_1796 = arith.mulf %mul3A_1795, %get3A_1794 : vector<16xf32>
      %add3A_1797 = arith.addf %add3A_1759, %mul3A_1796 : vector<16xf32>
      %add3A_1798 = arith.constant 43 : i32
      %add3A_1799 = arith.addi %mul3A_114, %add3A_1798 : i32
      %get3A_1800 = arith.index_cast %add3A_1799 : i32 to index
      %get3A_1801 = arith.constant 32 : index
      %get3A_1802 = tpu.vector_load %arg11[%get3A_1800, %get3A_1801] {strides = array<i32>} : memref<400x64xf32, #tpu.memory_space<vmem>>, vector<1x16xf32>,
      %get3A_1803 = vector.shape_cast %get3A_1802 : vector<1x16xf32> to vector<16xf32>
      %mul3A_1804 = vector.broadcast %squeeze3A_1779 : f32 to vector<16xf32>
      %mul3A_1805 = arith.mulf %mul3A_1804, %get3A_1803 : vector<16xf32>
      %add3A_1806 = arith.addf %add3A_1768, %mul3A_1805 : vector<16xf32>
      %add3A_1807 = arith.constant 43 : i32
      %add3A_1808 = arith.addi %mul3A_114, %add3A_1807 : i32
      %get3A_1809 = arith.index_cast %add3A_1808 : i32 to index
      %get3A_1810 = arith.constant 48 : index
      %get3A_1811 = tpu.vector_load %arg11[%get3A_1809, %get3A_1810] {strides = array<i32>} : memref<400x64xf32, #tpu.memory_space<vmem>>, vector<1x16xf32>,
      %get3A_1812 = vector.shape_cast %get3A_1811 : vector<1x16xf32> to vector<16xf32>
      %mul3A_1813 = vector.broadcast %squeeze3A_1779 : f32 to vector<16xf32>
      %mul3A_1814 = arith.mulf %mul3A_1813, %get3A_1812 : vector<16xf32>
      %add3A_1815 = arith.addf %add3A_1777, %mul3A_1814 : vector<16xf32>
      %slice3A_1816 = vector.extract_strided_slice %get3A_141 {offsets = [12], sizes = [1], strides = [1]} : vector<16xf32> to vector<1xf32>
      %squeeze3A_1817 = vector.extract %slice3A_1816[0] : f32 from vector<1xf32>
      %add3A_1818 = arith.constant 44 : i32
      %add3A_1819 = arith.addi %mul3A_114, %add3A_1818 : i32
      %get3A_1820 = arith.index_cast %add3A_1819 : i32 to index
      %get3A_1821 = arith.constant 0 : index
      %get3A_1822 = tpu.vector_load %arg11[%get3A_1820, %get3A_1821] {strides = array<i32>} : memref<400x64xf32, #tpu.memory_space<vmem>>, vector<1x16xf32>,
      %get3A_1823 = vector.shape_cast %get3A_1822 : vector<1x16xf32> to vector<16xf32>
      %mul3A_1824 = vector.broadcast %squeeze3A_1817 : f32 to vector<16xf32>
      %mul3A_1825 = arith.mulf %mul3A_1824, %get3A_1823 : vector<16xf32>
      %add3A_1826 = arith.addf %add3A_1788, %mul3A_1825 : vector<16xf32>
      %add3A_1827 = arith.constant 44 : i32
      %add3A_1828 = arith.addi %mul3A_114, %add3A_1827 : i32
      %get3A_1829 = arith.index_cast %add3A_1828 : i32 to index
      %get3A_1830 = arith.constant 16 : index
      %get3A_1831 = tpu.vector_load %arg11[%get3A_1829, %get3A_1830] {strides = array<i32>} : memref<400x64xf32, #tpu.memory_space<vmem>>, vector<1x16xf32>,
      %get3A_1832 = vector.shape_cast %get3A_1831 : vector<1x16xf32> to vector<16xf32>
      %mul3A_1833 = vector.broadcast %squeeze3A_1817 : f32 to vector<16xf32>
      %mul3A_1834 = arith.mulf %mul3A_1833, %get3A_1832 : vector<16xf32>
      %add3A_1835 = arith.addf %add3A_1797, %mul3A_1834 : vector<16xf32>
      %add3A_1836 = arith.constant 44 : i32
      %add3A_1837 = arith.addi %mul3A_114, %add3A_1836 : i32
      %get3A_1838 = arith.index_cast %add3A_1837 : i32 to index
      %get3A_1839 = arith.constant 32 : index
      %get3A_1840 = tpu.vector_load %arg11[%get3A_1838, %get3A_1839] {strides = array<i32>} : memref<400x64xf32, #tpu.memory_space<vmem>>, vector<1x16xf32>,
      %get3A_1841 = vector.shape_cast %get3A_1840 : vector<1x16xf32> to vector<16xf32>
      %mul3A_1842 = vector.broadcast %squeeze3A_1817 : f32 to vector<16xf32>
      %mul3A_1843 = arith.mulf %mul3A_1842, %get3A_1841 : vector<16xf32>
      %add3A_1844 = arith.addf %add3A_1806, %mul3A_1843 : vector<16xf32>
      %add3A_1845 = arith.constant 44 : i32
      %add3A_1846 = arith.addi %mul3A_114, %add3A_1845 : i32
      %get3A_1847 = arith.index_cast %add3A_1846 : i32 to index
      %get3A_1848 = arith.constant 48 : index
      %get3A_1849 = tpu.vector_load %arg11[%get3A_1847, %get3A_1848] {strides = array<i32>} : memref<400x64xf32, #tpu.memory_space<vmem>>, vector<1x16xf32>,
      %get3A_1850 = vector.shape_cast %get3A_1849 : vector<1x16xf32> to vector<16xf32>
      %mul3A_1851 = vector.broadcast %squeeze3A_1817 : f32 to vector<16xf32>
      %mul3A_1852 = arith.mulf %mul3A_1851, %get3A_1850 : vector<16xf32>
      %add3A_1853 = arith.addf %add3A_1815, %mul3A_1852 : vector<16xf32>
      %slice3A_1854 = vector.extract_strided_slice %get3A_141 {offsets = [13], sizes = [1], strides = [1]} : vector<16xf32> to vector<1xf32>
      %squeeze3A_1855 = vector.extract %slice3A_1854[0] : f32 from vector<1xf32>
      %add3A_1856 = arith.constant 45 : i32
      %add3A_1857 = arith.addi %mul3A_114, %add3A_1856 : i32
      %get3A_1858 = arith.index_cast %add3A_1857 : i32 to index
      %get3A_1859 = arith.constant 0 : index
      %get3A_1860 = tpu.vector_load %arg11[%get3A_1858, %get3A_1859] {strides = array<i32>} : memref<400x64xf32, #tpu.memory_space<vmem>>, vector<1x16xf32>,
      %get3A_1861 = vector.shape_cast %get3A_1860 : vector<1x16xf32> to vector<16xf32>
      %mul3A_1862 = vector.broadcast %squeeze3A_1855 : f32 to vector<16xf32>
      %mul3A_1863 = arith.mulf %mul3A_1862, %get3A_1861 : vector<16xf32>
      %add3A_1864 = arith.addf %add3A_1826, %mul3A_1863 : vector<16xf32>
      %add3A_1865 = arith.constant 45 : i32
      %add3A_1866 = arith.addi %mul3A_114, %add3A_1865 : i32
      %get3A_1867 = arith.index_cast %add3A_1866 : i32 to index
      %get3A_1868 = arith.constant 16 : index
      %get3A_1869 = tpu.vector_load %arg11[%get3A_1867, %get3A_1868] {strides = array<i32>} : memref<400x64xf32, #tpu.memory_space<vmem>>, vector<1x16xf32>,
      %get3A_1870 = vector.shape_cast %get3A_1869 : vector<1x16xf32> to vector<16xf32>
      %mul3A_1871 = vector.broadcast %squeeze3A_1855 : f32 to vector<16xf32>
      %mul3A_1872 = arith.mulf %mul3A_1871, %get3A_1870 : vector<16xf32>
      %add3A_1873 = arith.addf %add3A_1835, %mul3A_1872 : vector<16xf32>
      %add3A_1874 = arith.constant 45 : i32
      %add3A_1875 = arith.addi %mul3A_114, %add3A_1874 : i32
      %get3A_1876 = arith.index_cast %add3A_1875 : i32 to index
      %get3A_1877 = arith.constant 32 : index
      %get3A_1878 = tpu.vector_load %arg11[%get3A_1876, %get3A_1877] {strides = array<i32>} : memref<400x64xf32, #tpu.memory_space<vmem>>, vector<1x16xf32>,
      %get3A_1879 = vector.shape_cast %get3A_1878 : vector<1x16xf32> to vector<16xf32>
      %mul3A_1880 = vector.broadcast %squeeze3A_1855 : f32 to vector<16xf32>
      %mul3A_1881 = arith.mulf %mul3A_1880, %get3A_1879 : vector<16xf32>
      %add3A_1882 = arith.addf %add3A_1844, %mul3A_1881 : vector<16xf32>
      %add3A_1883 = arith.constant 45 : i32
      %add3A_1884 = arith.addi %mul3A_114, %add3A_1883 : i32
      %get3A_1885 = arith.index_cast %add3A_1884 : i32 to index
      %get3A_1886 = arith.constant 48 : index
      %get3A_1887 = tpu.vector_load %arg11[%get3A_1885, %get3A_1886] {strides = array<i32>} : memref<400x64xf32, #tpu.memory_space<vmem>>, vector<1x16xf32>,
      %get3A_1888 = vector.shape_cast %get3A_1887 : vector<1x16xf32> to vector<16xf32>
      %mul3A_1889 = vector.broadcast %squeeze3A_1855 : f32 to vector<16xf32>
      %mul3A_1890 = arith.mulf %mul3A_1889, %get3A_1888 : vector<16xf32>
      %add3A_1891 = arith.addf %add3A_1853, %mul3A_1890 : vector<16xf32>
      %slice3A_1892 = vector.extract_strided_slice %get3A_141 {offsets = [14], sizes = [1], strides = [1]} : vector<16xf32> to vector<1xf32>
      %squeeze3A_1893 = vector.extract %slice3A_1892[0] : f32 from vector<1xf32>
      %add3A_1894 = arith.constant 46 : i32
      %add3A_1895 = arith.addi %mul3A_114, %add3A_1894 : i32
      %get3A_1896 = arith.index_cast %add3A_1895 : i32 to index
      %get3A_1897 = arith.constant 0 : index
      %get3A_1898 = tpu.vector_load %arg11[%get3A_1896, %get3A_1897] {strides = array<i32>} : memref<400x64xf32, #tpu.memory_space<vmem>>, vector<1x16xf32>,
      %get3A_1899 = vector.shape_cast %get3A_1898 : vector<1x16xf32> to vector<16xf32>
      %mul3A_1900 = vector.broadcast %squeeze3A_1893 : f32 to vector<16xf32>
      %mul3A_1901 = arith.mulf %mul3A_1900, %get3A_1899 : vector<16xf32>
      %add3A_1902 = arith.addf %add3A_1864, %mul3A_1901 : vector<16xf32>
      %add3A_1903 = arith.constant 46 : i32
      %add3A_1904 = arith.addi %mul3A_114, %add3A_1903 : i32
      %get3A_1905 = arith.index_cast %add3A_1904 : i32 to index
      %get3A_1906 = arith.constant 16 : index
      %get3A_1907 = tpu.vector_load %arg11[%get3A_1905, %get3A_1906] {strides = array<i32>} : memref<400x64xf32, #tpu.memory_space<vmem>>, vector<1x16xf32>,
      %get3A_1908 = vector.shape_cast %get3A_1907 : vector<1x16xf32> to vector<16xf32>
      %mul3A_1909 = vector.broadcast %squeeze3A_1893 : f32 to vector<16xf32>
      %mul3A_1910 = arith.mulf %mul3A_1909, %get3A_1908 : vector<16xf32>
      %add3A_1911 = arith.addf %add3A_1873, %mul3A_1910 : vector<16xf32>
      %add3A_1912 = arith.constant 46 : i32
      %add3A_1913 = arith.addi %mul3A_114, %add3A_1912 : i32
      %get3A_1914 = arith.index_cast %add3A_1913 : i32 to index
      %get3A_1915 = arith.constant 32 : index
      %get3A_1916 = tpu.vector_load %arg11[%get3A_1914, %get3A_1915] {strides = array<i32>} : memref<400x64xf32, #tpu.memory_space<vmem>>, vector<1x16xf32>,
      %get3A_1917 = vector.shape_cast %get3A_1916 : vector<1x16xf32> to vector<16xf32>
      %mul3A_1918 = vector.broadcast %squeeze3A_1893 : f32 to vector<16xf32>
      %mul3A_1919 = arith.mulf %mul3A_1918, %get3A_1917 : vector<16xf32>
      %add3A_1920 = arith.addf %add3A_1882, %mul3A_1919 : vector<16xf32>
      %add3A_1921 = arith.constant 46 : i32
      %add3A_1922 = arith.addi %mul3A_114, %add3A_1921 : i32
      %get3A_1923 = arith.index_cast %add3A_1922 : i32 to index
      %get3A_1924 = arith.constant 48 : index
      %get3A_1925 = tpu.vector_load %arg11[%get3A_1923, %get3A_1924] {strides = array<i32>} : memref<400x64xf32, #tpu.memory_space<vmem>>, vector<1x16xf32>,
      %get3A_1926 = vector.shape_cast %get3A_1925 : vector<1x16xf32> to vector<16xf32>
      %mul3A_1927 = vector.broadcast %squeeze3A_1893 : f32 to vector<16xf32>
      %mul3A_1928 = arith.mulf %mul3A_1927, %get3A_1926 : vector<16xf32>
      %add3A_1929 = arith.addf %add3A_1891, %mul3A_1928 : vector<16xf32>
      %slice3A_1930 = vector.extract_strided_slice %get3A_141 {offsets = [15], sizes = [1], strides = [1]} : vector<16xf32> to vector<1xf32>
      %squeeze3A_1931 = vector.extract %slice3A_1930[0] : f32 from vector<1xf32>
      %add3A_1932 = arith.constant 47 : i32
      %add3A_1933 = arith.addi %mul3A_114, %add3A_1932 : i32
      %get3A_1934 = arith.index_cast %add3A_1933 : i32 to index
      %get3A_1935 = arith.constant 0 : index
      %get3A_1936 = tpu.vector_load %arg11[%get3A_1934, %get3A_1935] {strides = array<i32>} : memref<400x64xf32, #tpu.memory_space<vmem>>, vector<1x16xf32>,
      %get3A_1937 = vector.shape_cast %get3A_1936 : vector<1x16xf32> to vector<16xf32>
      %mul3A_1938 = vector.broadcast %squeeze3A_1931 : f32 to vector<16xf32>
      %mul3A_1939 = arith.mulf %mul3A_1938, %get3A_1937 : vector<16xf32>
      %add3A_1940 = arith.addf %add3A_1902, %mul3A_1939 : vector<16xf32>
      %add3A_1941 = arith.constant 47 : i32
      %add3A_1942 = arith.addi %mul3A_114, %add3A_1941 : i32
      %get3A_1943 = arith.index_cast %add3A_1942 : i32 to index
      %get3A_1944 = arith.constant 16 : index
      %get3A_1945 = tpu.vector_load %arg11[%get3A_1943, %get3A_1944] {strides = array<i32>} : memref<400x64xf32, #tpu.memory_space<vmem>>, vector<1x16xf32>,
      %get3A_1946 = vector.shape_cast %get3A_1945 : vector<1x16xf32> to vector<16xf32>
      %mul3A_1947 = vector.broadcast %squeeze3A_1931 : f32 to vector<16xf32>
      %mul3A_1948 = arith.mulf %mul3A_1947, %get3A_1946 : vector<16xf32>
      %add3A_1949 = arith.addf %add3A_1911, %mul3A_1948 : vector<16xf32>
      %add3A_1950 = arith.constant 47 : i32
      %add3A_1951 = arith.addi %mul3A_114, %add3A_1950 : i32
      %get3A_1952 = arith.index_cast %add3A_1951 : i32 to index
      %get3A_1953 = arith.constant 32 : index
      %get3A_1954 = tpu.vector_load %arg11[%get3A_1952, %get3A_1953] {strides = array<i32>} : memref<400x64xf32, #tpu.memory_space<vmem>>, vector<1x16xf32>,
      %get3A_1955 = vector.shape_cast %get3A_1954 : vector<1x16xf32> to vector<16xf32>
      %mul3A_1956 = vector.broadcast %squeeze3A_1931 : f32 to vector<16xf32>
      %mul3A_1957 = arith.mulf %mul3A_1956, %get3A_1955 : vector<16xf32>
      %add3A_1958 = arith.addf %add3A_1920, %mul3A_1957 : vector<16xf32>
      %add3A_1959 = arith.constant 47 : i32
      %add3A_1960 = arith.addi %mul3A_114, %add3A_1959 : i32
      %get3A_1961 = arith.index_cast %add3A_1960 : i32 to index
      %get3A_1962 = arith.constant 48 : index
      %get3A_1963 = tpu.vector_load %arg11[%get3A_1961, %get3A_1962] {strides = array<i32>} : memref<400x64xf32, #tpu.memory_space<vmem>>, vector<1x16xf32>,
      %get3A_1964 = vector.shape_cast %get3A_1963 : vector<1x16xf32> to vector<16xf32>
      %mul3A_1965 = vector.broadcast %squeeze3A_1931 : f32 to vector<16xf32>
      %mul3A_1966 = arith.mulf %mul3A_1965, %get3A_1964 : vector<16xf32>
      %add3A_1967 = arith.addf %add3A_1929, %mul3A_1966 : vector<16xf32>
      %slice3A_1968 = vector.extract_strided_slice %get3A_145 {offsets = [0], sizes = [1], strides = [1]} : vector<16xf32> to vector<1xf32>
      %squeeze3A_1969 = vector.extract %slice3A_1968[0] : f32 from vector<1xf32>
      %add3A_1970 = arith.constant 48 : i32
      %add3A_1971 = arith.addi %mul3A_114, %add3A_1970 : i32
      %get3A_1972 = arith.index_cast %add3A_1971 : i32 to index
      %get3A_1973 = arith.constant 0 : index
      %get3A_1974 = tpu.vector_load %arg11[%get3A_1972, %get3A_1973] {strides = array<i32>} : memref<400x64xf32, #tpu.memory_space<vmem>>, vector<1x16xf32>,
      %get3A_1975 = vector.shape_cast %get3A_1974 : vector<1x16xf32> to vector<16xf32>
      %mul3A_1976 = vector.broadcast %squeeze3A_1969 : f32 to vector<16xf32>
      %mul3A_1977 = arith.mulf %mul3A_1976, %get3A_1975 : vector<16xf32>
      %add3A_1978 = arith.addf %add3A_1940, %mul3A_1977 : vector<16xf32>
      %add3A_1979 = arith.constant 48 : i32
      %add3A_1980 = arith.addi %mul3A_114, %add3A_1979 : i32
      %get3A_1981 = arith.index_cast %add3A_1980 : i32 to index
      %get3A_1982 = arith.constant 16 : index
      %get3A_1983 = tpu.vector_load %arg11[%get3A_1981, %get3A_1982] {strides = array<i32>} : memref<400x64xf32, #tpu.memory_space<vmem>>, vector<1x16xf32>,
      %get3A_1984 = vector.shape_cast %get3A_1983 : vector<1x16xf32> to vector<16xf32>
      %mul3A_1985 = vector.broadcast %squeeze3A_1969 : f32 to vector<16xf32>
      %mul3A_1986 = arith.mulf %mul3A_1985, %get3A_1984 : vector<16xf32>
      %add3A_1987 = arith.addf %add3A_1949, %mul3A_1986 : vector<16xf32>
      %add3A_1988 = arith.constant 48 : i32
      %add3A_1989 = arith.addi %mul3A_114, %add3A_1988 : i32
      %get3A_1990 = arith.index_cast %add3A_1989 : i32 to index
      %get3A_1991 = arith.constant 32 : index
      %get3A_1992 = tpu.vector_load %arg11[%get3A_1990, %get3A_1991] {strides = array<i32>} : memref<400x64xf32, #tpu.memory_space<vmem>>, vector<1x16xf32>,
      %get3A_1993 = vector.shape_cast %get3A_1992 : vector<1x16xf32> to vector<16xf32>
      %mul3A_1994 = vector.broadcast %squeeze3A_1969 : f32 to vector<16xf32>
      %mul3A_1995 = arith.mulf %mul3A_1994, %get3A_1993 : vector<16xf32>
      %add3A_1996 = arith.addf %add3A_1958, %mul3A_1995 : vector<16xf32>
      %add3A_1997 = arith.constant 48 : i32
      %add3A_1998 = arith.addi %mul3A_114, %add3A_1997 : i32
      %get3A_1999 = arith.index_cast %add3A_1998 : i32 to index
      %get3A_2000 = arith.constant 48 : index
      %get3A_2001 = tpu.vector_load %arg11[%get3A_1999, %get3A_2000] {strides = array<i32>} : memref<400x64xf32, #tpu.memory_space<vmem>>, vector<1x16xf32>,
      %get3A_2002 = vector.shape_cast %get3A_2001 : vector<1x16xf32> to vector<16xf32>
      %mul3A_2003 = vector.broadcast %squeeze3A_1969 : f32 to vector<16xf32>
      %mul3A_2004 = arith.mulf %mul3A_2003, %get3A_2002 : vector<16xf32>
      %add3A_2005 = arith.addf %add3A_1967, %mul3A_2004 : vector<16xf32>
      %slice3A_2006 = vector.extract_strided_slice %get3A_145 {offsets = [1], sizes = [1], strides = [1]} : vector<16xf32> to vector<1xf32>
      %squeeze3A_2007 = vector.extract %slice3A_2006[0] : f32 from vector<1xf32>
      %add3A_2008 = arith.constant 49 : i32
      %add3A_2009 = arith.addi %mul3A_114, %add3A_2008 : i32
      %get3A_2010 = arith.index_cast %add3A_2009 : i32 to index
      %get3A_2011 = arith.constant 0 : index
      %get3A_2012 = tpu.vector_load %arg11[%get3A_2010, %get3A_2011] {strides = array<i32>} : memref<400x64xf32, #tpu.memory_space<vmem>>, vector<1x16xf32>,
      %get3A_2013 = vector.shape_cast %get3A_2012 : vector<1x16xf32> to vector<16xf32>
      %mul3A_2014 = vector.broadcast %squeeze3A_2007 : f32 to vector<16xf32>
      %mul3A_2015 = arith.mulf %mul3A_2014, %get3A_2013 : vector<16xf32>
      %add3A_2016 = arith.addf %add3A_1978, %mul3A_2015 : vector<16xf32>
      %add3A_2017 = arith.constant 49 : i32
      %add3A_2018 = arith.addi %mul3A_114, %add3A_2017 : i32
      %get3A_2019 = arith.index_cast %add3A_2018 : i32 to index
      %get3A_2020 = arith.constant 16 : index
      %get3A_2021 = tpu.vector_load %arg11[%get3A_2019, %get3A_2020] {strides = array<i32>} : memref<400x64xf32, #tpu.memory_space<vmem>>, vector<1x16xf32>,
      %get3A_2022 = vector.shape_cast %get3A_2021 : vector<1x16xf32> to vector<16xf32>
      %mul3A_2023 = vector.broadcast %squeeze3A_2007 : f32 to vector<16xf32>
      %mul3A_2024 = arith.mulf %mul3A_2023, %get3A_2022 : vector<16xf32>
      %add3A_2025 = arith.addf %add3A_1987, %mul3A_2024 : vector<16xf32>
      %add3A_2026 = arith.constant 49 : i32
      %add3A_2027 = arith.addi %mul3A_114, %add3A_2026 : i32
      %get3A_2028 = arith.index_cast %add3A_2027 : i32 to index
      %get3A_2029 = arith.constant 32 : index
      %get3A_2030 = tpu.vector_load %arg11[%get3A_2028, %get3A_2029] {strides = array<i32>} : memref<400x64xf32, #tpu.memory_space<vmem>>, vector<1x16xf32>,
      %get3A_2031 = vector.shape_cast %get3A_2030 : vector<1x16xf32> to vector<16xf32>
      %mul3A_2032 = vector.broadcast %squeeze3A_2007 : f32 to vector<16xf32>
      %mul3A_2033 = arith.mulf %mul3A_2032, %get3A_2031 : vector<16xf32>
      %add3A_2034 = arith.addf %add3A_1996, %mul3A_2033 : vector<16xf32>
      %add3A_2035 = arith.constant 49 : i32
      %add3A_2036 = arith.addi %mul3A_114, %add3A_2035 : i32
      %get3A_2037 = arith.index_cast %add3A_2036 : i32 to index
      %get3A_2038 = arith.constant 48 : index
      %get3A_2039 = tpu.vector_load %arg11[%get3A_2037, %get3A_2038] {strides = array<i32>} : memref<400x64xf32, #tpu.memory_space<vmem>>, vector<1x16xf32>,
      %get3A_2040 = vector.shape_cast %get3A_2039 : vector<1x16xf32> to vector<16xf32>
      %mul3A_2041 = vector.broadcast %squeeze3A_2007 : f32 to vector<16xf32>
      %mul3A_2042 = arith.mulf %mul3A_2041, %get3A_2040 : vector<16xf32>
      %add3A_2043 = arith.addf %add3A_2005, %mul3A_2042 : vector<16xf32>
      %get3A_2044 = arith.index_cast %select_n3A_40 : i32 to index
      %get3A_2045 = arith.constant 0 : index
      %get3A_2046 = tpu.vector_load %arg14[%get3A_2044, %get3A_2045] {strides = array<i32>} : memref<64x64xf32, #tpu.memory_space<vmem>>, vector<1x16xf32>,
      %get3A_2047 = vector.shape_cast %get3A_2046 : vector<1x16xf32> to vector<16xf32>
      %mul3A_2048 = arith.mulf %add3A_2016, %get3A_2047 : vector<16xf32>
      %get3A_2049 = arith.index_cast %select_n3A_40 : i32 to index
      %get3A_2050 = arith.constant 16 : index
      %get3A_2051 = tpu.vector_load %arg14[%get3A_2049, %get3A_2050] {strides = array<i32>} : memref<64x64xf32, #tpu.memory_space<vmem>>, vector<1x16xf32>,
      %get3A_2052 = vector.shape_cast %get3A_2051 : vector<1x16xf32> to vector<16xf32>
      %mul3A_2053 = arith.mulf %add3A_2025, %get3A_2052 : vector<16xf32>
      %add3A_2054 = arith.addf %mul3A_2048, %mul3A_2053 : vector<16xf32>
      %get3A_2055 = arith.index_cast %select_n3A_40 : i32 to index
      %get3A_2056 = arith.constant 32 : index
      %get3A_2057 = tpu.vector_load %arg14[%get3A_2055, %get3A_2056] {strides = array<i32>} : memref<64x64xf32, #tpu.memory_space<vmem>>, vector<1x16xf32>,
      %get3A_2058 = vector.shape_cast %get3A_2057 : vector<1x16xf32> to vector<16xf32>
      %mul3A_2059 = arith.mulf %add3A_2034, %get3A_2058 : vector<16xf32>
      %add3A_2060 = arith.addf %add3A_2054, %mul3A_2059 : vector<16xf32>
      %get3A_2061 = arith.index_cast %select_n3A_40 : i32 to index
      %get3A_2062 = arith.constant 48 : index
      %get3A_2063 = tpu.vector_load %arg14[%get3A_2061, %get3A_2062] {strides = array<i32>} : memref<64x64xf32, #tpu.memory_space<vmem>>, vector<1x16xf32>,
      %get3A_2064 = vector.shape_cast %get3A_2063 : vector<1x16xf32> to vector<16xf32>
      %mul3A_2065 = arith.mulf %add3A_2043, %get3A_2064 : vector<16xf32>
      %add3A_2066 = arith.addf %add3A_2060, %mul3A_2065 : vector<16xf32>
      %jit3A_2067 = arith.constant 16 : i32
      %eq3A_2068 = arith.constant 0 : i32
      %eq3A_2069 = arith.cmpi eq, %jit3A_2067, %eq3A_2068 : i32
      %jit3A_2070 = arith.constant 1 : i32
      %select_n3A_2071 = arith.select %eq3A_2069, %jit3A_2070, %jit3A_2067 : i32
      %rem3A_2072 = arith.remsi %select_n3A_40, %select_n3A_2071 : i32
      %ne3A_2073 = arith.constant 0 : i32
      %ne3A_2074 = arith.cmpi ne, %rem3A_2072, %ne3A_2073 : i32
      %lt3A_2075 = arith.constant 0 : i32
      %lt3A_2076 = arith.cmpi slt, %rem3A_2072, %lt3A_2075 : i32
      %lt3A_2077 = arith.constant 0 : i32
      %lt3A_2078 = arith.cmpi slt, %select_n3A_2071, %lt3A_2077 : i32
      %ne3A_2079 = arith.xori %lt3A_2076, %lt3A_2078 : i1
      %and3A_2080 = arith.andi %ne3A_2079, %ne3A_2074 : i1
      %add3A_2081 = arith.addi %rem3A_2072, %select_n3A_2071 : i32
      %select_n3A_2082 = arith.select %and3A_2080, %add3A_2081, %rem3A_2072 : i32
      %eq3A_2083 = vector.broadcast %select_n3A_2082 : i32 to vector<16xi32>
      %eq3A_2084 = arith.cmpi eq, %iota3A, %eq3A_2083 : vector<16xi32>
      %add3A_2085 = arith.constant 8 : i32
      %add3A_2086 = vector.broadcast %add3A_2085 : i32 to vector<16xi32>
      %add3A_2087 = arith.addi %iota3A, %add3A_2086 : vector<16xi32>
      %and3A_2088 = arith.constant 15 : i32
      %and3A_2089 = vector.broadcast %and3A_2088 : i32 to vector<16xi32>
      %and3A_2090 = arith.andi %add3A_2087, %and3A_2089 : vector<16xi32>
      %broadcast_in_dim3A_2091 = vector.shape_cast %and3A_2090 : vector<16xi32> to vector<16x1xi32>
      %gather3A = vector.shape_cast %broadcast_in_dim3A_2091 : vector<16x1xi32> to vector<16xi32>
      %gather3A_2092 = tpu.dynamic_gather %add3A_2066[%gather3A] in [0] : vector<16xf32>, vector<16xi32> -> vector<16xf32>
      %add3A_2093 = arith.addf %add3A_2066, %gather3A_2092 : vector<16xf32>
      %add3A_2094 = arith.constant 4 : i32
      %add3A_2095 = vector.broadcast %add3A_2094 : i32 to vector<16xi32>
      %add3A_2096 = arith.addi %iota3A, %add3A_2095 : vector<16xi32>
      %and3A_2097 = arith.constant 15 : i32
      %and3A_2098 = vector.broadcast %and3A_2097 : i32 to vector<16xi32>
      %and3A_2099 = arith.andi %add3A_2096, %and3A_2098 : vector<16xi32>
      %broadcast_in_dim3A_2100 = vector.shape_cast %and3A_2099 : vector<16xi32> to vector<16x1xi32>
      %gather3A_2101 = vector.shape_cast %broadcast_in_dim3A_2100 : vector<16x1xi32> to vector<16xi32>
      %gather3A_2102 = tpu.dynamic_gather %add3A_2093[%gather3A_2101] in [0] : vector<16xf32>, vector<16xi32> -> vector<16xf32>
      %add3A_2103 = arith.addf %add3A_2093, %gather3A_2102 : vector<16xf32>
      %add3A_2104 = arith.constant 2 : i32
      %add3A_2105 = vector.broadcast %add3A_2104 : i32 to vector<16xi32>
      %add3A_2106 = arith.addi %iota3A, %add3A_2105 : vector<16xi32>
      %and3A_2107 = arith.constant 15 : i32
      %and3A_2108 = vector.broadcast %and3A_2107 : i32 to vector<16xi32>
      %and3A_2109 = arith.andi %add3A_2106, %and3A_2108 : vector<16xi32>
      %broadcast_in_dim3A_2110 = vector.shape_cast %and3A_2109 : vector<16xi32> to vector<16x1xi32>
      %gather3A_2111 = vector.shape_cast %broadcast_in_dim3A_2110 : vector<16x1xi32> to vector<16xi32>
      %gather3A_2112 = tpu.dynamic_gather %add3A_2103[%gather3A_2111] in [0] : vector<16xf32>, vector<16xi32> -> vector<16xf32>
      %add3A_2113 = arith.addf %add3A_2103, %gather3A_2112 : vector<16xf32>
      %add3A_2114 = arith.constant 1 : i32
      %add3A_2115 = vector.broadcast %add3A_2114 : i32 to vector<16xi32>
      %add3A_2116 = arith.addi %iota3A, %add3A_2115 : vector<16xi32>
      %and3A_2117 = arith.constant 15 : i32
      %and3A_2118 = vector.broadcast %and3A_2117 : i32 to vector<16xi32>
      %and3A_2119 = arith.andi %add3A_2116, %and3A_2118 : vector<16xi32>
      %broadcast_in_dim3A_2120 = vector.shape_cast %and3A_2119 : vector<16xi32> to vector<16x1xi32>
      %gather3A_2121 = vector.shape_cast %broadcast_in_dim3A_2120 : vector<16x1xi32> to vector<16xi32>
      %gather3A_2122 = tpu.dynamic_gather %add3A_2113[%gather3A_2121] in [0] : vector<16xf32>, vector<16xi32> -> vector<16xf32>
      %add3A_2123 = arith.addf %add3A_2113, %gather3A_2122 : vector<16xf32>
      %select_n3A_2124 = arith.select %eq3A_2084, %add3A_2123, %scan3A_10 : vector<16xi1>, vector<16xf32>
      %jit3A_2125 = arith.constant 16 : i32
      %eq3A_2126 = arith.constant 0 : i32
      %eq3A_2127 = arith.cmpi eq, %jit3A_2125, %eq3A_2126 : i32
      %jit3A_2128 = arith.constant 1 : i32
      %select_n3A_2129 = arith.select %eq3A_2127, %jit3A_2128, %jit3A_2125 : i32
      %rem3A_2130 = arith.remsi %scan3A_9, %select_n3A_2129 : i32
      %ne3A_2131 = arith.constant 0 : i32
      %ne3A_2132 = arith.cmpi ne, %rem3A_2130, %ne3A_2131 : i32
      %lt3A_2133 = arith.constant 0 : i32
      %lt3A_2134 = arith.cmpi slt, %rem3A_2130, %lt3A_2133 : i32
      %lt3A_2135 = arith.constant 0 : i32
      %lt3A_2136 = arith.cmpi slt, %select_n3A_2129, %lt3A_2135 : i32
      %ne3A_2137 = arith.xori %lt3A_2134, %lt3A_2136 : i1
      %and3A_2138 = arith.andi %ne3A_2137, %ne3A_2132 : i1
      %add3A_2139 = arith.addi %rem3A_2130, %select_n3A_2129 : i32
      %select_n3A_2140 = arith.select %and3A_2138, %add3A_2139, %rem3A_2130 : i32
      %eq3A_2141 = arith.constant 15 : i32
      %eq3A_2142 = arith.cmpi eq, %select_n3A_2140, %eq3A_2141 : i32
      %convert_element_type3A_2143 = arith.extui %eq3A_2142 : i1 to i32
      %cond3A_2144 = arith.constant 0 : i32
      %cond3A_2145 = arith.cmpi ne, %convert_element_type3A_2143, %cond3A_2144 : i32
      scf.if %cond3A_2145 {
        %jit3A_2146 = arith.constant 16 : i32
        %div3A_2147 = arith.divsi %scan3A_9, %jit3A_2146 : i32
        %sign3A_2148 = arith.constant 0 : i32
        %sign3A_2149 = arith.cmpi sgt, %scan3A_9, %sign3A_2148 : i32
        %sign3A_2150 = arith.extui %sign3A_2149 : i1 to i32
        %sign3A_2151 = arith.constant 0 : i32
        %sign3A_2152 = arith.cmpi slt, %scan3A_9, %sign3A_2151 : i32
        %sign3A_2153 = arith.extui %sign3A_2152 : i1 to i32
        %sign3A_2154 = arith.subi %sign3A_2150, %sign3A_2153 : i32
        %sign3A_2155 = arith.constant 0 : i32
        %sign3A_2156 = arith.cmpi sgt, %jit3A_2146, %sign3A_2155 : i32
        %sign3A_2157 = arith.extui %sign3A_2156 : i1 to i32
        %sign3A_2158 = arith.constant 0 : i32
        %sign3A_2159 = arith.cmpi slt, %jit3A_2146, %sign3A_2158 : i32
        %sign3A_2160 = arith.extui %sign3A_2159 : i1 to i32
        %sign3A_2161 = arith.subi %sign3A_2157, %sign3A_2160 : i32
        %ne3A_2162 = arith.cmpi ne, %sign3A_2154, %sign3A_2161 : i32
        %rem3A_2163 = arith.remsi %scan3A_9, %jit3A_2146 : i32
        %ne3A_2164 = arith.constant 0 : i32
        %ne3A_2165 = arith.cmpi ne, %rem3A_2163, %ne3A_2164 : i32
        %and3A_2166 = arith.andi %ne3A_2162, %ne3A_2165 : i1
        %sub3A_2167 = arith.constant 1 : i32
        %sub3A_2168 = arith.subi %div3A_2147, %sub3A_2167 : i32
        %select_n3A_2169 = arith.select %and3A_2166, %sub3A_2168, %div3A_2147 : i32
        %mul3A_2170 = arith.constant 16 : i32
        %mul3A_2171 = arith.muli %select_n3A_2169, %mul3A_2170 : i32
        %swap3A = arith.index_cast %mul3A_2171 : i32 to index
        %swap3A_2172 = tpu.vector_load %arg15[%swap3A] {strides = array<i32>} : memref<512xf32, #tpu.memory_space<vmem>>, vector<16xf32>,
        %swap3A_2173 = vector.shape_cast %swap3A_2172 : vector<16xf32> to vector<16xf32>
        %swap3A_2174 = vector.shape_cast %select_n3A_2124 : vector<16xf32> to vector<16xf32>
        tpu.vector_store %arg15[%swap3A], %swap3A_2174 {strides = array<i32>} : memref<512xf32, #tpu.memory_space<vmem>>, vector<16xf32>,
      } else {
      }
      scf.yield %select_n3A_2124 : vector<16xf32>
    }
    %scan3A_8 = arith.constant 512 : i32
    "tpu.region"() ({
      %run_scoped3A = tpu.sem_alloc : memref<!tpu.dma_semaphore, #tpu.memory_space<semaphore_mem>>
      %dma_start3A = tpu.memref_slice %arg8[%mul3A_2] : memref<16384xf32, #tpu.memory_space<hbm>> -> memref<512xf32, #tpu.memory_space<hbm>>
      %dma_start3A_9 = tpu.memref_slice %arg8[%mul3A_2] : memref<16384xf32, #tpu.memory_space<hbm>> -> memref<512xf32, #tpu.memory_space<hbm>>
      tpu.enqueue_dma source(%arg15 : memref<512xf32, #tpu.memory_space<vmem>>) target(%dma_start3A_9 : memref<512xf32, #tpu.memory_space<hbm>>) target_semaphore(%run_scoped3A : memref<!tpu.dma_semaphore, #tpu.memory_space<semaphore_mem>>)
      %dma_wait3A = tpu.memref_slice %arg8[%mul3A_2] : memref<16384xf32, #tpu.memory_space<hbm>> -> memref<512xf32, #tpu.memory_space<hbm>>
      %dma_wait3A_10 = tpu.memref_slice %arg8[%mul3A_2] : memref<16384xf32, #tpu.memory_space<hbm>> -> memref<512xf32, #tpu.memory_space<hbm>>
      tpu.wait_dma2 semaphore(%run_scoped3A : memref<!tpu.dma_semaphore, #tpu.memory_space<semaphore_mem>>) src(%arg15 : memref<512xf32, #tpu.memory_space<vmem>>) dst(%dma_wait3A_10 : memref<512xf32, #tpu.memory_space<hbm>>)
      tpu.yield
    }) : () -> ()
    return
  }
}

</mosaic_0001>

<sc_bundles>
// kernel: _run.3.cloned.1.call-start
scs
__scs_entry_jumppad:
0x0: {  	(pc) =	sbr.rel $0x88, $3  }
0x1: {  	(tag) =	ssettag $0x0;
	lr =	simm.s32 $0x1  }
0x2: {  	[smem:$0x3F9B] =	sst lr;
	_ =	strace $0xD0000000  }
0x3: {  	_ = 	snop  }
0x4: {  	_ = 	snop  }
0x5: {  	_ = 	snop  }
0x6: {  	_ = 	snop  }
0x7: {  	_ = 	snop  }
__scs_overlays_trampoline_lowered:
0x8: {  	[smem:$0x3FAA] =	sst s0  }
0x9: {  	[smem:$0x3FAB] =	sst s1  }
0xa: {  	[smem:$0x3FAC] =	sst s2  }
0xb: {  	[smem:$0x3FAD] =	sst s3  }
0xc: {  	[smem:$0x3FAE] =	sst s4  }
0xd: {  	[smem:$0x3FAF] =	sst s5  }
0xe: {  	[smem:$0x3FB0] =	sst s6  }
0xf: {  	[smem:$0x3FB1] =	sst s7  }
0x10: {  	[smem:$0x3FB2] =	sst s8  }
0x11: {  	[smem:$0x3FB3] =	sst s9;
	s0 =	simm.s32 @!p0 $0x0  }
0x12: {  	s1 =	sld [smem:$0x3F99];
	s0 =	simm.s32 @p0 $0x1  }
0x13: {  	[smem:$0x3FB4] =	sst s0;
	s0 =	simm.s32 @!p1 $0x0  }
0x14: {  	s2 =	sld [smem:$0x3F98];
	s0 =	simm.s32 @p1 $0x1  }
0x15: {  	[smem:$0x3FB5] =	sst s0;
	s0 =	simm.s32 @!p2 $0x0  }
0x16: {  	s3 =	sld [smem:$0x3FDB];
	s0 =	simm.s32 @p2 $0x1  }
0x17: {  	s4 =	simm.s32 $0x1BF5;
	[smem:$0x3FB7] =	sst s0  }
0x18: {  	s0 =	sld [smem:$0x3F9A];
	_ =	swait.ge [sflag:s4], $0x0  }
0x19: {  	s7 =	sld [smem:$0x3F9B]  }
0x1a: {  	s8 =	sadd.s32 $0xFFFFE003, lr  }
0x1b: {  	s9 =	sadd.s32 $0xFFFFFEF7, lr;
	s5 =	simm.s32 $0xFFFFFFFF;
	p2 =	slt.u32 s8, $0xFFFFF086  }
0x1c: {  	p1 =	slt.u32 s9, $0xF7A;
	s5 =	simm.s32 @!p2 $0x0  }
0x1d: {  	s5 =	simm.s32 @p1 $0x1;
	p0 =	seq.s32 s7, s2  }
0x1e: {  	s7 =	smul.u32 @!p0 $0xF7A, s2;
	p2 =	seq.s32 @!p0 s5, $0x0  }
0x1f: {  	s9 =	smul.u32 $0xF7A, s1;
	s8 =	simm.s32 @!p0 $0x1BF5;
	p2 =	por !p2, p0  }
0x20: {  	[sflag:s8] =	ssyncset.s32 @!p0 $0xFFFFF086;
	s6 =	sadd.s32 @!p0 s3, s7;
	s7 =	simm.s32 @!p0 $0x108  }
0x21: {  	s3 =	sadd.s32 s3, s9;
	s6 =	sadd.s32 @!p0 $0x88, s6;
	s7 =	simm.s32 @p2 $0x1082  }
0x22: {  	[simem:s7], [sflag:s8] =	dma.local @!p0 [hbm:s6], $0xF7A  }
0x23: {  	s9 =	sor.u32 $0xD0000000, s2;
	s6 =	simm.s32 $0x108;
	_ =	swait.ge @!p0 [sflag:s8], $0x0  }
0x24: {  	s3 =	sadd.s32 $0x88, s3;
	s6 =	simm.s32 @!p1 $0x1082;
	[sflag:s4] =	ssyncset.s32 $0xFFFFF086  }
0x25: {  	[simem:s6], [sflag:s4] =	dma.local [hbm:s3], $0xF7A  }
0x26: {  	[smem:$0x3F9B] =	sst s1;
	(tag) =	ssettag s2;
	_ =	strace s9  }
0x27: {  	s1 =	sld [smem:$0x3FAB]  }
0x28: {  	s2 =	sld [smem:$0x3FAC]  }
0x29: {  	s4 =	sld [smem:$0x3FAE]  }
0x2a: {  	p0 =	seq.s32 s5, $0x0;
	s5 =	sld [smem:$0x3FAF]  }
0x2b: {  	s6 =	sld [smem:$0x3FB0]  }
0x2c: {  	s7 =	sld [smem:$0x3FB1]  }
0x2d: {  	s3 =	simm.s32 $0x108;
	s8 =	sld [smem:$0x3FB2]  }
0x2e: {  	s3 =	simm.s32 @!p0 $0x1082;
	s9 =	sld [smem:$0x3FB3]  }
0x2f: {  	lr =	sadd.s32 s0, s3;
	s0 =	sld [smem:$0x3FAA]  }
0x30: {  	s3 =	sld [smem:$0x3FAD]  }
0x31: {  	[smem:$0x3FB6] =	sst s10  }
0x32: {  	s10 =	sld [smem:$0x3FB4];
	_ =	sdelay $0x3  }
0x33: {  	p0 =	seq.s32 s10, $0x1;
	s10 =	sld [smem:$0x3FB6];
	_ =	sdelay $0x3  }
0x34: {  	[smem:$0x3FB6] =	sst s10  }
0x35: {  	s10 =	sld [smem:$0x3FB5];
	_ =	sdelay $0x3  }
0x36: {  	p1 =	seq.s32 s10, $0x1;
	s10 =	sld [smem:$0x3FB6];
	_ =	sdelay $0x3  }
0x37: {  	[smem:$0x3FB6] =	sst s10  }
0x38: {  	s10 =	sld [smem:$0x3FB7]  }
0x39: {  	_ = 	snop;
	(pc) =	sbr.ind lr, $3  }
0x3a: {  	_ = 	snop  }
0x3b: {  	_ = 	snop  }
0x3c: {  	p2 =	seq.s32 s10, $0x1;
	s10 =	sld [smem:$0x3FB6]  }
0x3d: {  	_ =	shalt  }
0x3e: {  	_ =	shalt  }
0x3f: {  	_ =	shalt  }
0x40: {  	_ =	shalt  }
0x41: {  	_ =	shalt  }
0x42: {  	_ =	shalt  }
0x43: {  	_ =	shalt  }
0x44: {  	_ =	shalt  }
0x45: {  	_ =	shalt  }
0x46: {  	_ =	shalt  }
0x47: {  	_ =	shalt  }
0x48: {  	_ =	shalt  }
0x49: {  	_ =	shalt  }
0x4a: {  	_ =	shalt  }
0x4b: {  	_ =	shalt  }
0x4c: {  	_ =	shalt  }
0x4d: {  	_ =	shalt  }
0x4e: {  	_ =	shalt  }
0x4f: {  	_ =	shalt  }
0x50: {  	_ =	shalt  }
0x51: {  	_ =	shalt  }
0x52: {  	_ =	shalt  }
0x53: {  	_ =	shalt  }
0x54: {  	_ =	shalt  }
0x55: {  	_ =	shalt  }
0x56: {  	_ =	shalt  }
0x57: {  	_ =	shalt  }
0x58: {  	_ =	shalt  }
0x59: {  	_ =	shalt  }
0x5a: {  	_ =	shalt  }
0x5b: {  	_ =	shalt  }
0x5c: {  	_ =	shalt  }
0x5d: {  	_ =	shalt  }
0x5e: {  	_ =	shalt  }
0x5f: {  	_ =	shalt  }
0x60: {  	_ =	shalt  }
0x61: {  	_ =	shalt  }
0x62: {  	_ =	shalt  }
0x63: {  	_ =	shalt  }
0x64: {  	_ =	shalt  }
0x65: {  	_ =	shalt  }
0x66: {  	_ =	shalt  }
0x67: {  	_ =	shalt  }
0x68: {  	_ =	shalt  }
0x69: {  	_ =	shalt  }
0x6a: {  	_ =	shalt  }
0x6b: {  	_ =	shalt  }
0x6c: {  	_ =	shalt  }
0x6d: {  	_ =	shalt  }
0x6e: {  	_ =	shalt  }
0x6f: {  	_ =	shalt  }
0x70: {  	_ =	shalt  }
0x71: {  	_ =	shalt  }
0x72: {  	_ =	shalt  }
0x73: {  	_ =	shalt  }
0x74: {  	_ =	shalt  }
0x75: {  	_ =	shalt  }
0x76: {  	_ =	shalt  }
0x77: {  	_ =	shalt  }
0x78: {  	_ =	shalt  }
0x79: {  	_ =	shalt  }
0x7a: {  	_ =	shalt  }
0x7b: {  	_ =	shalt  }
0x7c: {  	_ =	shalt  }
0x7d: {  	_ =	shalt  }
0x7e: {  	_ =	shalt  }
0x7f: {  	_ =	shalt  }
0x80: {  	_ =	shalt  }
0x81: {  	_ =	shalt  }
0x82: {  	_ =	shalt  }
0x83: {  	_ =	shalt  }
0x84: {  	_ =	shalt  }
0x85: {  	_ =	shalt  }
0x86: {  	_ =	shalt  }
0x87: {  	_ =	shalt  }
.Lfunc_end0:
.L_simem_size_0:
called_computation_lowered:
.L_overlay_start_0:
0x88: {  	s2 =	sld [smem:$0x3FD9]  }
0x89: {  	s3 =	sld [smem:$0x3FFE];
	_ =	sdelay $0x1  }
0x8a: {  	s1 =	srdreg.scid  }
0x8b: {  	s0 =	sand.u32 $0x1, s1  }
0x8c: {  	s17 =	sshll.u32 s0, $0xA;
	s2 =	sadd.s32 s3, s2  }
0x8d: {  	s2 =	sadd.s32 s2, s17  }
0x8e: {  	[smem:$0x3FC2] =	sst s2  }
0x8f: {  	_ = 	snop  }
0x90: {  	s2 =	sld [smem:$0x3FC9]  }
0x91: {  	s18 =	sld [smem:$0x3FD0];
	(tm) =	ssettm $0x1  }
0x92: {  	s4 =	sld [smem:$0x3FFB];
	_ =	sdelay $0x3  }
0x93: {  	_ =	strace s4  }
0x94: {  	s4 =	sld [smem:$0x3FFC];
	_ =	sdelay $0x3  }
0x95: {  	_ =	strace s4  }
0x96: {  	s4 =	sld [smem:$0x3FFD];
	_ =	sdelay $0x3  }
0x97: {  	_ =	strace s4  }
0x98: {  	_ =	strace $0x8FFFFFFF  }
0x99: {  	s19 =	sld [smem:$0x3FDB];
	_ =	sdelay $0x1  }
0x9a: {  	s5 =	simm.s32 $_scs_section_size  }
0x9b: {  	s6 =	simm.s32 $_size__tile_overlayer_lowered;
	s7 =	simm.s32 $_tile_overlayer_lowered  }
0x9c: {  	s22 =	simm.s32 $0x1BFF;
	s21 =	sshll.u32 s7, $0x1;
	s4 =	sadd.s32 s5, s19  }
0x9d: {  	s8 =	simm.s32 $0x0;
	s20 =	sshll.u32 s6, $0x1;
	s6 =	sadd.s32 s21, s4  }
0x9e: {  	[timem:s8], [sflag:s22] =	dma.local [hbm:s6], s20  }
0x9f: {  	_ =	swait.ge [sflag:s22], s20  }
0xa0: {  	s5 =	ssub.s32 $0x0, s20;
	[sflag:s22] =	ssyncset.done $0x0  }
0xa1: {  	[sflag:s22] =	ssyncadd.s32 s5;
	_ =	sdelay $0x1  }
0xa2: {  	s23 =	simm.s32 $0x1B8B  }
0xa3: {  	_ =	swait.ge [sflag:s23], $0x1  }
0xa4: {  	[sflag:s23] =	ssyncset.done $0x0  }
0xa5: {  	s25 =	simm.s32 $0x1B8E;
	s24 =	sld [smem:$0x3FFE];
	[sflag:s23] =	ssyncadd.s32 $0xFFFFFFFF  }
0xa6: {  	s26 =	simm.s32 $execute0_lowered;
	[smem:$0x3FD2] =	sst s25  }
0xa7: {  	s6 =	sshll.u32 s26, $0x1;
	_ =	strace $0x80000046;
	[dreg:$0x1] =	wrdreg $0xFFFFFFFF  }
0xa8: {  	s28 =	simm.s32 $_size_execute0_lowered;
	s4 =	sadd.s32 s4, s6;
	[dreg:$0x0] =	wrdreg $0x0  }
0xa9: {  	s6 =	sshll.u32 s28, $0x1;
	[dreg:$0x2] =	wrdreg s4  }
0xaa: {  	[dreg:$0x3] =	wrdreg s6  }
0xab: {  	[dreg:$0x4] =	wrdreg $0xC0  }
0xac: {  	_ =	task [dreg:s8], $0x5FFFF  }
0xad: {  	[dreg:$0x1] =	wrdreg $0xFFFFFFFF  }
0xae: {  	[dreg:$0x0] =	wrdreg $0x60  }
0xaf: {  	[dreg:$0x2] =	wrdreg s2  }
0xb0: {  	[dreg:$0x3] =	wrdreg s24  }
0xb1: {  	[dreg:$0x4] =	wrdreg s18  }
0xb2: {  	[dreg:$0x5] =	wrdreg $0x9  }
0xb3: {  	_ =	task.clear_ibuf [dreg:s8], $0x6FFFF;
	_ =	strace $0x90000046  }
0xb4: {  	s29 =	simm.s32 $0x9;
	_ =	strace $0x80000048  }
0xb5: {  	_ =	swait.ge [sflag:s29], $0x1  }
0xb6: {  	[sflag:s29] =	ssyncadd.s32 $0xFFFFFFFF  }
0xb7: {  	_ =	strace $0x90000048  }
0xb8: {  	_ =	sfence  }
0xb9: {  	s30 =	sld [smem:$0x0];
	_ =	sdelay $0x2  }
0xba: {  	s31 =	sshll.u32 s1, $0xD;
	s1 =	sshrl.u32 s1, $0x2  }
0xbb: {  	s3 =	sand.u32 $0x4000, s31;
	s1 =	sadd.s32 s1, s30  }
0xbc: {  	s0 =	sor.u32 s3, s0;
	s1 =	sshll.u32 s1, $0x11  }
0xbd: {  	s0 =	sor.u32 s1, s0  }
0xbe: {  	s0 =	sadd.s32 $0x8F2B, s0  }
0xbf: {  	[sflag:s0] =	ssyncadd.remote.s32 $0x1  }
0xc0: {  	_ =	sfence.sel $0xFFFF  }
0xc1: {  	[dreg:$0x0] =	wrdreg $0xFFFFFFFF;
	(pc) =	sbr.abs _section_cstart, $3  }
0xc2: {  	[dreg:$0x1] =	wrdreg $0xFFFFFFFF  }
0xc3: {  	_ =	task.clear_ibuf [dreg:s8], $0x2FFFF;
	_ =	strace $0x9FFFFFFF  }
0xc4: {  	(tm) =	ssettm $0x7FFFFFFF  }
0xc5: {  	_ =	shalt  }
tec
execute0_lowered:
.L_overlay_start_1:
0x0: {  	(tag) =	ssettag $0x1  }
0x1: {  	s0 =	rddreg [dreg:$0x1]  }
0x2: {  	s1 =	rddreg [dreg:$0x2];
	v0 =	vimm.s32 $0xFEDCBA98  }
0x3: {  	s2 =	simm.s32 $0x0;
	v1 =	vimm.s32 $0x76543210;
	s10 =	simm.s32 $0xA;
	s12 =	simm.s32 $0x8200;
	v2 =	vimm.s32 $0x3210FEDC  }
0x4: {  	s6 =	srdreg.scid;
	v3 =	vimm.s32 $0xBA987654;
	v4 =	vimm.s32 $0x10FEDCBA;
	s15 =	simm.s32 $0x9;
	s16 =	simm.s32 $0x32  }
0x5: {  	s9 =	stileid.u32;
	v5 =	vimm.s32 $0x98765432;
	v6 =	vimm.s32 $0xFEDCBA9;
	s20 =	simm.s32 $0x1E00;
	s21 =	simm.s32 $0x38  }
0x6: {  	v7 =	vimm.s32 $0x87654321;
	s22 =	simm.s32 $0x2A80;
	s23 =	simm.s32 $0x70;
	s28 =	simm.s32 $0xE0;
	v0 =	vunpack.c.l.s4.s8 v0  }
0x7: {  	s29 =	simm.s32 $0x5000;
	s30 =	simm.s32 $0x118;
	s31 =	simm.s32 $0x5C80;
	v1 =	vunpack.c.l.s4.s8 v1;
	v2 =	vunpack.c.l.s4.s8 v2;
	v3 =	vunpack.c.l.s4.s8 v3  }
0x8: {  	s17 =	simm.s32 $0x0;
	s19 =	simm.s32 $0xE00;
	[smem:$0x7FF] =	sst s2;
	v4 =	vunpack.c.l.s4.s8 v4;
	v5 =	vunpack.c.l.s4.s8 v5;
	v6 =	vunpack.c.l.s4.s8 v6  }
0x9: {  	s3 =	sadd.s32 $0x2600, s0;
	s4 =	sadd.s32 $0x3E600, s0;
	s5 =	sadd.s32 $0x1E600, s0;
	v7 =	vunpack.c.l.s4.s8 v7;
	v2 =	vunpack.c.0.s8.s32 v2;
	v3 =	vunpack.c.0.s8.s32 v3  }
0xa: {  	s7 =	sadd.s32 $0x24C600, s0;
	s8 =	sadd.s32 $0x189000, s0;
	s24 =	sand.u32 $0x1, s6;
	v0 =	vunpack.c.0.s8.s32 v0;
	v4 =	vunpack.c.0.s8.s32 v4;
	v5 =	vunpack.c.0.s8.s32 v5  }
0xb: {  	s9 =	sshll.u32 s9, $0xA;
	_ =	strace $0x80000047;
	s0 =	sshll.u32 s24, $0x9;
	v6 =	vunpack.c.0.s8.s32 v6;
	v7 =	vunpack.c.0.s8.s32 v7;
	v61 =	vcombine.low v3, v2  }
.Ltmp0:
0xc: {  	s6 =	ssub.s32 $0x2, s24;
	s9 =	sor.u32 s0, s9;
	v1 =	vunpack.c.0.s8.s32 v1;
	v62 =	vcombine.low v5, v4;
	(pc) =	sbr.rel .LBB2_1-.Ltmp0, $4  }
0xd: {  	s24 =	simm.s32 $0x3700;
	s11 =	sshrl.u32 s6, $0x1;
	s26 =	sshrl.u32 s9, $0x3;
	v0 =	vand.u32 $0xF, v0;
	v63 =	vcombine.low v7, v6;
	[tilespmem:$0x1FFD0] =	vst v61  }
0xe: {  	s25 =	ssub.s32 s6, s11;
	s6 =	simm.s32 $0x6900;
	s1 =	sadd.s32 s1, s26;
	v0 =	vcombine.low v0, v1;
	[tilespmem:$0x1FFE0] =	vst v62  }
0xf: {  	s0 =	smax.u32 s25, $0x1;
	s25 =	simm.s32 $0xA8;
	[dreg:$0x4] =	wrdreg s1;
	[tilespmem:$0x1FFF0] =	vst v63  }
0x10: {  	s26 =	simm.s32 $0x4380;
	[dreg:$0x5] =	wrdreg s0;
	s0 =	simm.s32 $0x150;
	[tilespmem:$0x1FFC0] =	vst v0  }
.LBB2_7:
0x11: {  	s1 =	rddreg [dreg:$0x4];
	s11 =	simm.s32 $0xA240  }
0x12: {  	[hbm4b:s1+s2] =	stream.linear.scatter [tilespmem:s11], [sflag:$0xA], $0x200, $0x38;
	[tilespmem:$0xA440] =	vst v63  }
0x13: {  	_ =	swait.ge [sflag:s10], $0x200  }
0x14: {  	s17 =	sadd.s32 $0x1, s17;
	s18 =	rddreg [dreg:$0x5]  }
0x15: {  	p0 =	sne.s32 s17, s18  }
.Ltmp1:
0x16: {  	_ = 	snop;
	(pc) =	sbr.rel @!p0 .LBB2_8-.Ltmp1, $3  }
0x17: {  	_ =	sdelay $0x1  }
0x18: {  	[sflag:s10] =	ssyncset.done $0x0  }
0x19: {  	[sflag:s10] =	ssyncadd.s32 $0xFFFFFE00  }
.LBB2_1:
.Ltmp2:
0x1a: {  	(pc) =	sbr.rel .LBB2_2-.Ltmp2, $2  }
0x1b: {  	_ =	sdelay $0x2  }
0x1c: {  	v0 =	vimm.f32 $0.0e+00;
	s18 =	simm.s32 $0x0  }
.LBB2_3:
0x1d: {  	s11 =	sand.u32 $0x1C0, s18  }
0x1e: {  	s11 =	sor.u32 s9, s11  }
0x1f: {  	s13 =	smul.u32 $0x7, s11;
	_ =	sdelay $0x1  }
0x20: {  	s13 =	sadd.s32 s3, s13  }
0x21: {  	[tilespmem:s2], [sflag:$0xA] =	stream.linear.gather [hbm4b:s13+s2], $0xE00, $0x38;
	[tilespmem:$0xA440] =	vst v63  }
0x22: {  	_ =	swait.ge [sflag:s10], $0xE00  }
0x23: {  	s13 =	sshll.u32 s11, $0x3;
	[sflag:s10] =	ssyncset.done $0x0  }
0x24: {  	s14 =	sadd.s32 s4, s13;
	[sflag:s10] =	ssyncadd.s32 $0xFFFFF200  }
0x25: {  	[tilespmem:s19], [sflag:$0xA] =	stream.linear.gather [hbm4b:s14+s2], $0x1000, $0x38;
	[tilespmem:$0xA440] =	vst v63  }
0x26: {  	_ =	swait.ge [sflag:s10], $0x1000  }
0x27: {  	[sflag:s10] =	ssyncset.done $0x0  }
0x28: {  	[sflag:s10] =	ssyncadd.s32 $0xFFFFF000  }
0x29: {  	s11 =	sshrl.u32 s11, $0x3;
	s14 =	rddreg [dreg:$0x0]  }
0x2a: {  	s11 =	sadd.s32 s14, s11  }
0x2b: {  	[tilespmem:s12], [sflag:$0xA] =	stream.linear.gather [hbm4b:s11+s2], $0x40, $0x38;
	[tilespmem:$0xA440] =	vst v63  }
0x2c: {  	_ =	swait.ge [sflag:s10], $0x40  }
0x2d: {  	[sflag:s10] =	ssyncset.done $0x0  }
0x2e: {  	s13 =	sadd.s32 s5, s13;
	s14 =	simm.s32 $0x9240;
	[sflag:s10] =	ssyncadd.s32 $0xFFFFFFC0  }
0x2f: {  	[tilespmem:s14], [sflag:$0xA] =	stream.linear.gather [hbm4b:s13+s2], $0x1000, $0x38;
	[tilespmem:$0xA440] =	vst v63  }
0x30: {  	_ =	swait.ge [sflag:s10], $0x1000  }
0x31: {  	[sflag:s10] =	ssyncset.done $0x0  }
0x32: {  	s13 =	simm.s32 $0x8240;
	s14 =	simm.s32 $0x40;
	[sflag:s10] =	ssyncadd.s32 $0xFFFFF000  }
0x33: {  	[tilespmem:s13], [sflag:$0x9] =	stream.indirect.gather [hbm4b:s7+s14], $0x40, s12, s14, $0xb8;
	[tilespmem:$0xA440] =	vst v63  }
0x34: {  	_ =	swait.ge [sflag:s15], $0x1000  }
0x35: {  	[sflag:s15] =	ssyncset.done $0x0  }
0x36: {  	[sflag:s15] =	ssyncadd.s32 $0xFFFFF000  }
0x37: {  	[tilespmem:s20], [sflag:$0x1] =	stream.indirect.gather [hbm4b:s8+s16], $0x40, s2, s16, $0xb8;
	[tilespmem:$0xA440] =	vst v63  }
0x38: {  	_ = 	snop  }
0x39: {  	[tilespmem:s22], [sflag:$0x2] =	stream.indirect.gather [hbm4b:s8+s16], $0x40, s21, s16, $0xb8;
	[tilespmem:$0xA440] =	vst v63  }
0x3a: {  	_ = 	snop  }
0x3b: {  	[tilespmem:s24], [sflag:$0x3] =	stream.indirect.gather [hbm4b:s8+s16], $0x40, s23, s16, $0xb8;
	[tilespmem:$0xA440] =	vst v63  }
0x3c: {  	_ = 	snop  }
0x3d: {  	[tilespmem:s26], [sflag:$0x4] =	stream.indirect.gather [hbm4b:s8+s16], $0x40, s25, s16, $0xb8;
	[tilespmem:$0xA440] =	vst v63  }
0x3e: {  	_ = 	snop  }
0x3f: {  	[tilespmem:s29], [sflag:$0x5] =	stream.indirect.gather [hbm4b:s8+s16], $0x40, s28, s16, $0xb8;
	[tilespmem:$0xA440] =	vst v63  }
0x40: {  	_ = 	snop  }
0x41: {  	[tilespmem:s31], [sflag:$0x6] =	stream.indirect.gather [hbm4b:s8+s16], $0x40, s30, s16, $0xb8;
	[tilespmem:$0xA440] =	vst v63  }
0x42: {  	_ = 	snop  }
0x43: {  	[tilespmem:s6], [sflag:$0x7] =	stream.indirect.gather [hbm4b:s8+s16], $0x40, s0, s16, $0xb8;
	[tilespmem:$0xA440] =	vst v63  }
.LBB2_5:
0x44: {  	s11 =	sadd.s32 $0x7, s1  }
0x45: {  	s13 =	sand.u32 $0x7, s11  }
0x46: {  	s14 =	smul.u32 $0x3200, s13  }
0x47: {  	s11 =	smul.u32 $0xE0, s11  }
0x48: {  	s14 =	sshrl.u32 s14, $0x2  }
0x49: {  	s13 =	sadd.s32 $0x1, s13;
	s11 =	sshrl.u32 s11, $0x2;
	s14 =	sadd.s32 $0x1E00, s14  }
0x4a: {  	[tilespmem:s14], [sflag:s13] =	stream.indirect.gather [hbm4b:s8+s16], $0x40, s11, s16, $0xb8;
	[tilespmem:$0xA440] =	vst v63  }
.LBB2_6:
0x4b: {  	s11 =	sand.u32 $0x7, s18  }
0x4c: {  	s13 =	sadd.s32 $0x1, s11  }
0x4d: {  	_ =	swait.ge [sflag:s13], $0xC80  }
0x4e: {  	[sflag:s13] =	ssyncset.done $0x0  }
0x4f: {  	s1 =	sshll.u32 s1, $0x6;
	[sflag:s13] =	ssyncadd.s32 $0xFFFFF380  }
0x50: {  	v13 =	vld [tilespmem:s1+$0x8240]  }
0x51: {  	v14 =	vld [tilespmem:s1+$0x8250]  }
0x52: {  	v15 =	vld [tilespmem:s1+$0x8260]  }
0x53: {  	v19 =	vld [tilespmem:s1+$0x8270]  }
0x54: {  	v9 =	vld [tilespmem:s1+$0xE00]  }
0x55: {  	s11 =	smul.u32 $0x3200, s11;
	v8 =	vld [tilespmem:s1+$0xE10]  }
0x56: {  	v7 =	vld [tilespmem:s1+$0xE20]  }
0x57: {  	s11 =	sshrl.u32 s11, $0x2;
	v0 =	vld [tilespmem:s1+$0xE30]  }
0x58: {  	v11 =	vld [tilespmem:s11+$0x1E00]  }
0x59: {  	v12 =	vld [tilespmem:s11+$0x1E10]  }
0x5a: {  	v20 =	vld [tilespmem:s11+$0x1E20]  }
0x5b: {  	v22 =	vld [tilespmem:s11+$0x1E30]  }
0x5c: {  	v23 =	vld [tilespmem:s11+$0x1E40]  }
0x5d: {  	v24 =	vld [tilespmem:s11+$0x1E50]  }
0x5e: {  	v25 =	vld [tilespmem:s11+$0x1E60]  }
0x5f: {  	v27 =	vld [tilespmem:s11+$0x1E70]  }
0x60: {  	v28 =	vld [tilespmem:s11+$0x1E80]  }
0x61: {  	v31 =	vld [tilespmem:s11+$0x1E90]  }
0x62: {  	v32 =	vld [tilespmem:s11+$0x1EA0]  }
0x63: {  	v34 =	vld [tilespmem:s11+$0x1EB0]  }
0x64: {  	v35 =	vld [tilespmem:s11+$0x1EC0]  }
0x65: {  	v36 =	vld [tilespmem:s11+$0x1ED0]  }
0x66: {  	v37 =	vld [tilespmem:s11+$0x1EE0]  }
0x67: {  	v39 =	vld [tilespmem:s11+$0x1EF0]  }
0x68: {  	v40 =	vld [tilespmem:s11+$0x1F00]  }
0x69: {  	v43 =	vld [tilespmem:s11+$0x1F10]  }
0x6a: {  	v44 =	vld [tilespmem:s11+$0x1F20]  }
0x6b: {  	v46 =	vld [tilespmem:s11+$0x1F30]  }
0x6c: {  	v47 =	vld [tilespmem:s11+$0x1F40]  }
0x6d: {  	v48 =	vld [tilespmem:s11+$0x1F50]  }
0x6e: {  	v49 =	vld [tilespmem:s11+$0x1F60]  }
0x6f: {  	v51 =	vld [tilespmem:s11+$0x1F70]  }
0x70: {  	v56 =	vld [tilespmem:s11+$0x1F80]  }
0x71: {  	v57 =	vld [tilespmem:s11+$0x1F90]  }
0x72: {  	v58 =	vld [tilespmem:s11+$0x1FA0]  }
0x73: {  	v59 =	vld [tilespmem:s11+$0x1FB0]  }
0x74: {  	v60 =	vld [tilespmem:s11+$0x1FC0]  }
0x75: {  	v61 =	vld [tilespmem:s11+$0x1FD0]  }
0x76: {  	v62 =	vld [tilespmem:s11+$0x1FE0]  }
0x77: {  	v63 =	vld [tilespmem:s11+$0x1FF0]  }
0x78: {  	v3 =	vld [tilespmem:s11+$0x2000]  }
0x79: {  	v4 =	vld [tilespmem:s11+$0x2010]  }
0x7a: {  	v5 =	vld [tilespmem:s11+$0x2020]  }
0x7b: {  	v10 =	vld [tilespmem:s11+$0x2030]  }
0x7c: {  	v17 =	vld [tilespmem:s11+$0x2040]  }
0x7d: {  	v16 =	vld [tilespmem:s11+$0x2050]  }
0x7e: {  	v52 =	vld [tilespmem:s11+$0x2060]  }
0x7f: {  	v55 =	vld [tilespmem:s11+$0x2070]  }
0x80: {  	v53 =	vld [tilespmem:s11+$0x2080]  }
0x81: {  	v54 =	vld [tilespmem:s11+$0x2090]  }
0x82: {  	v50 =	vld [tilespmem:s11+$0x20A0]  }
0x83: {  	[tilespmem:$0x1FFA0] =	vst v0;
	v0 =	vld [tilespmem:s11+$0x2140]  }
0x84: {  	v45 =	vld [tilespmem:s11+$0x20B0]  }
0x85: {  	v41 =	vld [tilespmem:s11+$0x20C0]  }
0x86: {  	v42 =	vld [tilespmem:s11+$0x20D0]  }
0x87: {  	v38 =	vld [tilespmem:s11+$0x20E0]  }
0x88: {  	[tilespmem:$0x1FF70] =	vst v0;
	v0 =	vld [tilespmem:s11+$0x2160]  }
0x89: {  	v33 =	vld [tilespmem:s11+$0x20F0]  }
0x8a: {  	v29 =	vld [tilespmem:s11+$0x2100]  }
0x8b: {  	v30 =	vld [tilespmem:s11+$0x2110]  }
0x8c: {  	v26 =	vld [tilespmem:s11+$0x2120]  }
0x8d: {  	[tilespmem:$0x1FF80] =	vst v0;
	v0 =	vld [tilespmem:s11+$0x2170]  }
0x8e: {  	v21 =	vld [tilespmem:s11+$0x2130];
	v6 =	vbroadcast v9, $0x0  }
0x8f: {  	v18 =	vld [tilespmem:s11+$0x2150]  }
0x90: {  	v2 =	vmul.f32 v11, v6;
	v1 =	vmul.f32 v12, v6;
	v11 =	vld [tilespmem:s11+$0x2180]  }
0x91: {  	v12 =	vld [tilespmem:s11+$0x2190]  }
0x92: {  	v20 =	vmul.f32 v20, v6;
	v1 =	vadd.f32 v1, v14;
	v14 =	vld [tilespmem:s11+$0x21A0];
	[tilespmem:$0x1FF90] =	vst v0;
	v0 =	vbroadcast v9, $0x1  }
0x93: {  	v6 =	vmul.f32 v22, v6;
	v2 =	vadd.f32 v2, v13;
	v13 =	vld [tilespmem:s11+$0x21B0]  }
0x94: {  	v20 =	vadd.f32 v20, v15;
	v15 =	vld [tilespmem:s11+$0x21C0];
	v22 =	vmul.f32 v23, v0;
	v23 =	vmul.f32 v24, v0  }
0x95: {  	v6 =	vadd.f32 v6, v19;
	v19 =	vld [tilespmem:s11+$0x21D0];
	v24 =	vmul.f32 v25, v0;
	v25 =	vbroadcast v9, $0x2  }
0x96: {  	v0 =	vmul.f32 v27, v0;
	v2 =	vadd.f32 v22, v2;
	v1 =	vadd.f32 v23, v1;
	v22 =	vld [tilespmem:s11+$0x21E0]  }
0x97: {  	v24 =	vadd.f32 v24, v20;
	v23 =	vmul.f32 v28, v25;
	v27 =	vmul.f32 v31, v25;
	v20 =	vld [tilespmem:s11+$0x21F0]  }
0x98: {  	v32 =	vmul.f32 v32, v25;
	v25 =	vmul.f32 v34, v25;
	v34 =	vld [tilespmem:s11+$0x2260]  }
0x99: {  	v28 =	vbroadcast v9, $0x3;
	v2 =	vadd.f32 v23, v2;
	v23 =	vld [tilespmem:s11+$0x2200]  }
0x9a: {  	v0 =	vadd.f32 v0, v6;
	v6 =	vadd.f32 v32, v24;
	v24 =	vld [tilespmem:s11+$0x2210]  }
0x9b: {  	v1 =	vadd.f32 v27, v1;
	v31 =	vmul.f32 v35, v28;
	v36 =	vmul.f32 v36, v28;
	v27 =	vld [tilespmem:s11+$0x2220]  }
0x9c: {  	v0 =	vadd.f32 v25, v0;
	v37 =	vmul.f32 v37, v28;
	v35 =	vbroadcast v9, $0x4;
	v25 =	vld [tilespmem:s11+$0x2230]  }
0x9d: {  	v39 =	vmul.f32 v39, v28;
	v28 =	vld [tilespmem:s11+$0x2240];
	v2 =	vadd.f32 v31, v2  }
0x9e: {  	v32 =	vld [tilespmem:s11+$0x2270];
	v1 =	vadd.f32 v36, v1;
	v6 =	vadd.f32 v37, v6;
	v40 =	vmul.f32 v40, v35  }
0x9f: {  	v43 =	vmul.f32 v43, v35;
	v0 =	vadd.f32 v39, v0;
	v37 =	vbroadcast v9, $0x5;
	v31 =	vld [tilespmem:s11+$0x2250]  }
0xa0: {  	v44 =	vmul.f32 v44, v35;
	v35 =	vmul.f32 v46, v35;
	v36 =	vld [tilespmem:s11+$0x2290];
	v2 =	vadd.f32 v40, v2  }
0xa1: {  	v39 =	vld [tilespmem:s11+$0x22A0];
	v1 =	vadd.f32 v43, v1;
	v46 =	vmul.f32 v47, v37;
	v47 =	vmul.f32 v48, v37  }
0xa2: {  	v0 =	vadd.f32 v35, v0;
	v48 =	vmul.f32 v49, v37;
	v49 =	vbroadcast v9, $0x6;
	v35 =	vld [tilespmem:s11+$0x2280]  }
0xa3: {  	v6 =	vadd.f32 v44, v6;
	v37 =	vmul.f32 v51, v37;
	v40 =	vld [tilespmem:s11+$0x22C0]  }
0xa4: {  	v43 =	vld [tilespmem:s11+$0x22D0];
	v2 =	vadd.f32 v46, v2;
	v1 =	vadd.f32 v47, v1;
	v56 =	vmul.f32 v56, v49  }
0xa5: {  	v44 =	vld [tilespmem:s11+$0x22F0];
	v6 =	vadd.f32 v48, v6;
	v57 =	vmul.f32 v57, v49;
	v47 =	vbroadcast v9, $0x7  }
0xa6: {  	v51 =	vld [tilespmem:s11+$0x2320];
	v0 =	vadd.f32 v37, v0;
	v58 =	vmul.f32 v58, v49;
	v59 =	vmul.f32 v59, v49  }
0xa7: {  	v37 =	vld [tilespmem:s11+$0x22B0];
	v2 =	vadd.f32 v56, v2;
	v1 =	vadd.f32 v57, v1;
	v61 =	vmul.f32 v61, v47  }
0xa8: {  	v46 =	vld [tilespmem:s11+$0x22E0];
	v6 =	vadd.f32 v58, v6;
	v48 =	vmul.f32 v60, v47;
	v62 =	vmul.f32 v62, v47  }
0xa9: {  	v49 =	vld [tilespmem:s11+$0x2330];
	v60 =	vbroadcast v9, $0x8;
	v58 =	vbroadcast v9, $0xA;
	v1 =	vadd.f32 v61, v1  }
0xaa: {  	v61 =	vmul.f32 v63, v47;
	v6 =	vadd.f32 v62, v6;
	v47 =	vld [tilespmem:s11+$0x2300];
	v62 =	vbroadcast v9, $0x9  }
0xab: {  	v2 =	vadd.f32 v48, v2;
	v3 =	vmul.f32 v3, v60;
	v4 =	vmul.f32 v4, v60;
	v48 =	vld [tilespmem:s11+$0x2310]  }
0xac: {  	v0 =	vadd.f32 v59, v0;
	v5 =	vmul.f32 v5, v60;
	v59 =	vmul.f32 v55, v62;
	v55 =	vld [tilespmem:s11+$0x2350]  }
0xad: {  	v2 =	vadd.f32 v3, v2;
	v3 =	vmul.f32 v10, v60;
	v60 =	vmul.f32 v53, v58;
	v53 =	vld [tilespmem:s11+$0x2360]  }
0xae: {  	v0 =	vadd.f32 v61, v0;
	v63 =	vadd.f32 v5, v6;
	v17 =	vmul.f32 v17, v62;
	v6 =	vld [tilespmem:s11+$0x23E0]  }
0xaf: {  	v1 =	vadd.f32 v4, v1;
	v56 =	vmul.f32 v16, v62;
	v61 =	vmul.f32 v54, v58;
	v10 =	vld [tilespmem:s11+$0x2410]  }
0xb0: {  	v16 =	vld [tilespmem:s11+$0x24D0];
	v0 =	vadd.f32 v3, v0;
	v3 =	vmul.f32 v52, v62;
	v62 =	vmul.f32 v50, v58  }
0xb1: {  	v52 =	vld [tilespmem:s11+$0x2340];
	v2 =	vadd.f32 v17, v2;
	v17 =	vmul.f32 v45, v58;
	v58 =	vbroadcast v9, $0xC  }
0xb2: {  	v1 =	vadd.f32 v56, v1;
	v50 =	vld [tilespmem:s11+$0x2370];
	v3 =	vadd.f32 v3, v63  }
0xb3: {  	v45 =	vld [tilespmem:s11+$0x2380];
	v63 =	vbroadcast v9, $0xB;
	v2 =	vadd.f32 v60, v2;
	v60 =	vmul.f32 v29, v58  }
0xb4: {  	v1 =	vadd.f32 v61, v1;
	v61 =	vmul.f32 v30, v58;
	v29 =	vld [tilespmem:s11+$0x23C0];
	v30 =	vmul.f32 v21, v58  }
0xb5: {  	v0 =	vadd.f32 v59, v0;
	v54 =	vmul.f32 v41, v63;
	v56 =	vmul.f32 v42, v63;
	v41 =	vld [tilespmem:s11+$0x2390]  }
0xb6: {  	v3 =	vadd.f32 v62, v3;
	v57 =	vmul.f32 v38, v63;
	v38 =	vld [tilespmem:s11+$0x23A0];
	v59 =	vmul.f32 v33, v63  }
0xb7: {  	v0 =	vadd.f32 v17, v0;
	v33 =	vld [tilespmem:s11+$0x23B0];
	v62 =	vmul.f32 v26, v58;
	v63 =	vbroadcast v9, $0xD  }
0xb8: {  	v17 =	vld [tilespmem:s11+$0x23D0];
	v2 =	vadd.f32 v54, v2;
	v3 =	vadd.f32 v57, v3;
	v57 =	vbroadcast v9, $0xE  }
0xb9: {  	v42 =	vld [tilespmem:$0x1FF70];
	v1 =	vadd.f32 v56, v1;
	v0 =	vadd.f32 v59, v0;
	v54 =	vmul.f32 v18, v63  }
0xba: {  	v58 =	vld [tilespmem:$0x1FF90];
	v9 =	vbroadcast v9, $0xF;
	v2 =	vadd.f32 v60, v2;
	v59 =	vmul.f32 v11, v57  }
0xbb: {  	v56 =	vld [tilespmem:$0x1FF80];
	v1 =	vadd.f32 v61, v1;
	v60 =	vmul.f32 v12, v57;
	v61 =	vmul.f32 v14, v57  }
0xbc: {  	v26 =	vld [tilespmem:s11+$0x2400];
	v3 =	vadd.f32 v62, v3;
	v62 =	vmul.f32 v13, v57;
	v21 =	vmul.f32 v19, v9  }
0xbd: {  	v18 =	vld [tilespmem:s11+$0x23F0];
	v0 =	vadd.f32 v30, v0;
	v22 =	vmul.f32 v22, v9;
	v30 =	vbroadcast v8, $0x0  }
0xbe: {  	v12 =	vld [tilespmem:s11+$0x2420];
	v5 =	vmul.f32 v42, v63;
	v42 =	vmul.f32 v20, v9  }
0xbf: {  	v14 =	vld [tilespmem:s11+$0x2430];
	v1 =	vadd.f32 v54, v1;
	v54 =	vmul.f32 v23, v30;
	v57 =	vmul.f32 v27, v30  }
0xc0: {  	v11 =	vld [tilespmem:s11+$0x2440];
	v4 =	vmul.f32 v56, v63;
	v2 =	vadd.f32 v5, v2;
	v5 =	vmul.f32 v58, v63  }
0xc1: {  	v19 =	vld [tilespmem:s11+$0x2460];
	v63 =	vmul.f32 v15, v9;
	v56 =	vmul.f32 v24, v30  }
0xc2: {  	v13 =	vld [tilespmem:s11+$0x24A0];
	v58 =	vbroadcast v8, $0x1;
	v1 =	vadd.f32 v60, v1;
	v3 =	vadd.f32 v4, v3  }
0xc3: {  	v20 =	vld [tilespmem:s11+$0x2480];
	v0 =	vadd.f32 v5, v0;
	v2 =	vadd.f32 v59, v2;
	v59 =	vmul.f32 v25, v30  }
0xc4: {  	v23 =	vld [tilespmem:s11+$0x24B0];
	v60 =	vmul.f32 v28, v58;
	v32 =	vmul.f32 v32, v58;
	v1 =	vadd.f32 v21, v1  }
0xc5: {  	v27 =	vld [tilespmem:s11+$0x24E0];
	v3 =	vadd.f32 v61, v3;
	v0 =	vadd.f32 v62, v0;
	v61 =	vmul.f32 v31, v58  }
0xc6: {  	v15 =	vld [tilespmem:s11+$0x2450];
	v2 =	vadd.f32 v63, v2;
	v62 =	vmul.f32 v34, v58;
	v63 =	vbroadcast v8, $0x2  }
0xc7: {  	v9 =	vld [tilespmem:s11+$0x2470];
	v58 =	vbroadcast v8, $0x4;
	v1 =	vadd.f32 v56, v1;
	v3 =	vadd.f32 v22, v3  }
0xc8: {  	v24 =	vld [tilespmem:s11+$0x2530];
	v0 =	vadd.f32 v42, v0;
	v34 =	vmul.f32 v35, v63;
	v35 =	vmul.f32 v36, v63  }
0xc9: {  	v25 =	vld [tilespmem:s11+$0x24C0];
	v2 =	vadd.f32 v54, v2;
	v36 =	vmul.f32 v39, v63;
	v39 =	vbroadcast v8, $0x3  }
0xca: {  	v30 =	vld [tilespmem:s11+$0x24F0];
	v42 =	vmul.f32 v37, v63;
	v63 =	vbroadcast v8, $0x5;
	v1 =	vadd.f32 v61, v1  }
0xcb: {  	v28 =	vld [tilespmem:s11+$0x2560];
	v61 =	vmul.f32 v48, v58;
	v3 =	vadd.f32 v57, v3;
	v54 =	vmul.f32 v40, v39  }
0xcc: {  	v21 =	vld [tilespmem:s11+$0x2500];
	v0 =	vadd.f32 v59, v0;
	v56 =	vmul.f32 v43, v39;
	v57 =	vmul.f32 v46, v39  }
0xcd: {  	v31 =	vld [tilespmem:s11+$0x2510];
	v2 =	vadd.f32 v60, v2;
	v59 =	vmul.f32 v44, v39;
	v60 =	vmul.f32 v47, v58  }
0xce: {  	v22 =	vld [tilespmem:s11+$0x2490];
	v44 =	vmul.f32 v49, v58;
	v46 =	vmul.f32 v52, v63  }
0xcf: {  	v37 =	vld [tilespmem:s11+$0x2550];
	v47 =	vmul.f32 v55, v63;
	v48 =	vmul.f32 v53, v63  }
0xd0: {  	v39 =	vld [tilespmem:s11+$0x2570];
	v49 =	vbroadcast v8, $0x6;
	v55 =	vbroadcast v8, $0x7  }
0xd1: {  	v43 =	vld [tilespmem:s11+$0x25B0];
	v1 =	vadd.f32 v35, v1;
	v3 =	vadd.f32 v62, v3;
	v62 =	vmul.f32 v51, v58  }
0xd2: {  	v35 =	vld [tilespmem:s11+$0x2540];
	v0 =	vadd.f32 v32, v0;
	v51 =	vmul.f32 v50, v63;
	v52 =	vmul.f32 v45, v49  }
0xd3: {  	v2 =	vadd.f32 v34, v2;
	v34 =	vld [tilespmem:s11+$0x2520];
	v53 =	vmul.f32 v41, v49;
	v17 =	vmul.f32 v17, v55  }
0xd4: {  	v32 =	vld [tilespmem:s11+$0x2590];
	v58 =	vmul.f32 v6, v55;
	v63 =	vbroadcast v8, $0x9;
	v1 =	vadd.f32 v56, v1  }
0xd5: {  	v41 =	vld [tilespmem:s11+$0x25A0];
	v56 =	vmul.f32 v33, v49;
	v3 =	vadd.f32 v36, v3;
	v0 =	vadd.f32 v42, v0  }
0xd6: {  	v6 =	vld [tilespmem:s11+$0x2620];
	v2 =	vadd.f32 v54, v2;
	v54 =	vmul.f32 v38, v49;
	v40 =	vmul.f32 v11, v63  }
0xd7: {  	v33 =	vld [tilespmem:s11+$0x25C0];
	v45 =	vmul.f32 v19, v63;
	v1 =	vadd.f32 v61, v1;
	v3 =	vadd.f32 v57, v3  }
0xd8: {  	v42 =	vld [tilespmem:s11+$0x2580];
	v0 =	vadd.f32 v59, v0;
	v2 =	vadd.f32 v60, v2;
	v59 =	vbroadcast v8, $0x8  }
0xd9: {  	v36 =	vld [tilespmem:s11+$0x25E0];
	v57 =	vmul.f32 v29, v55;
	v60 =	vmul.f32 v18, v55;
	v1 =	vadd.f32 v47, v1  }
0xda: {  	v11 =	vld [tilespmem:s11+$0x2630];
	v47 =	vmul.f32 v9, v63;
	v3 =	vadd.f32 v62, v3;
	v61 =	vmul.f32 v26, v59  }
0xdb: {  	v19 =	vld [tilespmem:s11+$0x2670];
	v0 =	vadd.f32 v44, v0;
	v10 =	vmul.f32 v10, v59;
	v62 =	vmul.f32 v12, v59  }
0xdc: {  	v29 =	vld [tilespmem:s11+$0x25D0];
	v2 =	vadd.f32 v46, v2;
	v38 =	vmul.f32 v14, v59;
	v46 =	vbroadcast v8, $0xA  }
0xdd: {  	v18 =	vld [tilespmem:s11+$0x2600];
	v44 =	vmul.f32 v15, v63;
	v1 =	vadd.f32 v53, v1;
	v3 =	vadd.f32 v48, v3  }
0xde: {  	v9 =	vld [tilespmem:s11+$0x2650];
	v0 =	vadd.f32 v51, v0;
	v48 =	vmul.f32 v20, v46;
	v49 =	vmul.f32 v22, v46  }
0xdf: {  	v26 =	vld [tilespmem:s11+$0x2610];
	v2 =	vadd.f32 v52, v2;
	v50 =	vmul.f32 v13, v46;
	v51 =	vbroadcast v8, $0xB  }
0xe0: {  	v15 =	vld [tilespmem:s11+$0x2640];
	v52 =	vmul.f32 v23, v46;
	v1 =	vadd.f32 v17, v1;
	v3 =	vadd.f32 v54, v3  }
0xe1: {  	v12 =	vld [tilespmem:s11+$0x2660];
	v0 =	vadd.f32 v56, v0;
	v53 =	vmul.f32 v25, v51;
	v54 =	vmul.f32 v16, v51  }
0xe2: {  	v14 =	vld [tilespmem:s11+$0x26E0];
	v2 =	vadd.f32 v57, v2;
	v55 =	vmul.f32 v27, v51;
	v56 =	vbroadcast v8, $0xC  }
0xe3: {  	v22 =	vld [tilespmem:s11+$0x26A0];
	v57 =	vmul.f32 v30, v51;
	v1 =	vadd.f32 v10, v1;
	v3 =	vadd.f32 v58, v3  }
0xe4: {  	v13 =	vld [tilespmem:s11+$0x26B0];
	v2 =	vadd.f32 v61, v2;
	v58 =	vmul.f32 v21, v56;
	v61 =	vbroadcast v8, $0xD  }
0xe5: {  	v20 =	vld [tilespmem:s11+$0x2710];
	v0 =	vadd.f32 v60, v0;
	v59 =	vmul.f32 v31, v56;
	v60 =	vmul.f32 v34, v56  }
0xe6: {  	v23 =	vld [tilespmem:s11+$0x2740];
	v3 =	vadd.f32 v62, v3;
	v62 =	vmul.f32 v24, v56;
	v63 =	vmul.f32 v35, v61  }
0xe7: {  	v17 =	vld [tilespmem:s11+$0x25F0];
	v1 =	vadd.f32 v44, v1;
	v34 =	vmul.f32 v37, v61;
	v35 =	vmul.f32 v28, v61  }
0xe8: {  	v16 =	vld [tilespmem:s11+$0x2690];
	v0 =	vadd.f32 v38, v0;
	v37 =	vbroadcast v8, $0xE;
	v38 =	vmul.f32 v39, v61  }
0xe9: {  	v25 =	vld [tilespmem:s11+$0x26D0];
	v8 =	vbroadcast v8, $0xF;
	v1 =	vadd.f32 v49, v1;
	v49 =	vbroadcast v7, $0x0  }
0xea: {  	v10 =	vld [tilespmem:s11+$0x2680];
	v2 =	vadd.f32 v40, v2;
	v39 =	vmul.f32 v42, v37;
	v40 =	vmul.f32 v32, v37  }
0xeb: {  	v21 =	vld [tilespmem:s11+$0x26C0];
	v3 =	vadd.f32 v45, v3;
	v44 =	vmul.f32 v41, v37;
	v45 =	vmul.f32 v43, v37  }
0xec: {  	v31 =	vld [tilespmem:s11+$0x2730];
	v0 =	vadd.f32 v47, v0;
	v46 =	vmul.f32 v33, v8;
	v47 =	vmul.f32 v29, v8  }
0xed: {  	v24 =	vld [tilespmem:s11+$0x26F0];
	v2 =	vadd.f32 v48, v2;
	v48 =	vmul.f32 v36, v8;
	v43 =	vbroadcast v7, $0x5  }
0xee: {  	v28 =	vld [tilespmem:s11+$0x2700];
	v1 =	vadd.f32 v54, v1;
	v51 =	vmul.f32 v18, v49;
	v54 =	vbroadcast v7, $0x1  }
0xef: {  	v42 =	vld [tilespmem:s11+$0x2720];
	v3 =	vadd.f32 v50, v3;
	v0 =	vadd.f32 v52, v0;
	v50 =	vmul.f32 v17, v8  }
0xf0: {  	v29 =	vld [tilespmem:s11+$0x2750];
	v2 =	vadd.f32 v53, v2;
	v52 =	vmul.f32 v26, v49;
	v53 =	vmul.f32 v6, v49  }
0xf1: {  	v33 =	vld [tilespmem:s11+$0x2760];
	v1 =	vadd.f32 v59, v1;
	v56 =	vmul.f32 v15, v54;
	v9 =	vmul.f32 v9, v54  }
0xf2: {  	v36 =	vld [tilespmem:s11+$0x2820];
	v59 =	vmul.f32 v19, v54;
	v3 =	vadd.f32 v55, v3;
	v0 =	vadd.f32 v57, v0  }
0xf3: {  	v41 =	vld [tilespmem:s11+$0x2840];
	v2 =	vadd.f32 v58, v2;
	v55 =	vmul.f32 v11, v49;
	v58 =	vbroadcast v7, $0x2  }
0xf4: {  	v18 =	vld [tilespmem:s11+$0x2780];
	v57 =	vmul.f32 v12, v54;
	v1 =	vadd.f32 v34, v1;
	v3 =	vadd.f32 v60, v3  }
0xf5: {  	v8 =	vld [tilespmem:s11+$0x2770];
	v0 =	vadd.f32 v62, v0;
	v60 =	vmul.f32 v10, v58;
	v61 =	vmul.f32 v16, v58  }
0xf6: {  	v26 =	vld [tilespmem:s11+$0x2790];
	v2 =	vadd.f32 v63, v2;
	v62 =	vmul.f32 v22, v58;
	v63 =	vbroadcast v7, $0x3  }
0xf7: {  	v17 =	vld [tilespmem:s11+$0x27C0];
	v22 =	vmul.f32 v13, v58;
	v1 =	vadd.f32 v40, v1;
	v3 =	vadd.f32 v35, v3  }
0xf8: {  	v6 =	vld [tilespmem:s11+$0x27D0];
	v0 =	vadd.f32 v38, v0;
	v27 =	vmul.f32 v21, v63;
	v32 =	vmul.f32 v25, v63  }
0xf9: {  	v15 =	vld [tilespmem:s11+$0x27B0];
	v2 =	vadd.f32 v39, v2;
	v34 =	vmul.f32 v14, v63;
	v35 =	vbroadcast v7, $0x4  }
0xfa: {  	v19 =	vld [tilespmem:s11+$0x27F0];
	v37 =	vmul.f32 v24, v63;
	v1 =	vadd.f32 v47, v1;
	v47 =	vmul.f32 v23, v43  }
0xfb: {  	v13 =	vld [tilespmem:s11+$0x2810];
	v3 =	vadd.f32 v44, v3;
	v0 =	vadd.f32 v45, v0;
	v39 =	vmul.f32 v28, v35  }
0xfc: {  	v38 =	vld [tilespmem:s11+$0x2830];
	v2 =	vadd.f32 v46, v2;
	v40 =	vmul.f32 v20, v35;
	v42 =	vmul.f32 v42, v35  }
0xfd: {  	v11 =	vld [tilespmem:s11+$0x27A0];
	v45 =	vmul.f32 v31, v35;
	v28 =	vbroadcast v7, $0x8;
	v1 =	vadd.f32 v52, v1  }
0xfe: {  	v49 =	vld [tilespmem:s11+$0x2870];
	v3 =	vadd.f32 v48, v3;
	v0 =	vadd.f32 v50, v0;
	v48 =	vmul.f32 v29, v43  }
0xff: {  	v54 =	vld [tilespmem:s11+$0x2890];
	v2 =	vadd.f32 v51, v2;
	v50 =	vmul.f32 v33, v43;
	v51 =	vbroadcast v7, $0x6  }
0x100: {  	v46 =	vld [tilespmem:s11+$0x2860];
	v33 =	vmul.f32 v13, v28;
	v35 =	vmul.f32 v36, v28  }
0x101: {  	v10 =	vld [tilespmem:s11+$0x27E0];
	v36 =	vbroadcast v7, $0x9;
	v1 =	vadd.f32 v9, v1;
	v38 =	vmul.f32 v38, v28  }
0x102: {  	v25 =	vld [tilespmem:s11+$0x28D0];
	v3 =	vadd.f32 v53, v3;
	v0 =	vadd.f32 v55, v0;
	v53 =	vmul.f32 v8, v43  }
0x103: {  	v44 =	vld [tilespmem:s11+$0x2850];
	v2 =	vadd.f32 v56, v2;
	v55 =	vmul.f32 v18, v51;
	v56 =	vmul.f32 v26, v51  }
0x104: {  	v31 =	vld [tilespmem:s11+$0x28F0];
	v58 =	vmul.f32 v11, v51;
	v1 =	vadd.f32 v61, v1;
	v61 =	vmul.f32 v15, v51  }
0x105: {  	v9 =	vld [tilespmem:s11+$0x2800];
	v43 =	vmul.f32 v46, v36;
	v46 =	vmul.f32 v49, v36;
	v3 =	vadd.f32 v57, v3  }
0x106: {  	v52 =	vld [tilespmem:s11+$0x2880];
	v0 =	vadd.f32 v59, v0;
	v2 =	vadd.f32 v60, v2;
	v59 =	vbroadcast v7, $0x7  }
0x107: {  	v29 =	vld [tilespmem:s11+$0x28E0];
	v51 =	vbroadcast v7, $0xB;
	v1 =	vadd.f32 v32, v1;
	v3 =	vadd.f32 v62, v3  }
0x108: {  	v49 =	vld [tilespmem:s11+$0x2960];
	v0 =	vadd.f32 v22, v0;
	v63 =	vmul.f32 v17, v59;
	v6 =	vmul.f32 v6, v59  }
0x109: {  	v57 =	vld [tilespmem:s11+$0x28A0];
	v2 =	vadd.f32 v27, v2;
	v26 =	vmul.f32 v10, v59;
	v30 =	vmul.f32 v19, v59  }
0x10a: {  	v60 =	vld [tilespmem:s11+$0x28B0];
	v32 =	vmul.f32 v9, v28;
	v1 =	vadd.f32 v40, v1;
	v40 =	vmul.f32 v41, v36  }
0x10b: {  	v62 =	vld [tilespmem:s11+$0x28C0];
	v41 =	vmul.f32 v44, v36;
	v44 =	vbroadcast v7, $0xA;
	v3 =	vadd.f32 v34, v3  }
0x10c: {  	v59 =	vbroadcast v7, $0xC;
	v0 =	vadd.f32 v37, v0;
	v2 =	vadd.f32 v39, v2;
	v37 =	vld [tilespmem:s11+$0x2910]  }
0x10d: {  	v39 =	vld [tilespmem:s11+$0x2920];
	v1 =	vadd.f32 v48, v1;
	v48 =	vmul.f32 v52, v44;
	v3 =	vadd.f32 v42, v3  }
0x10e: {  	v34 =	vld [tilespmem:s11+$0x2900];
	v8 =	vmul.f32 v54, v44;
	v0 =	vadd.f32 v45, v0;
	v2 =	vadd.f32 v47, v2  }
0x10f: {  	v52 =	vld [tilespmem:s11+$0x2970];
	v1 =	vadd.f32 v56, v1;
	v56 =	vmul.f32 v25, v51;
	v25 =	vbroadcast v7, $0xD  }
0x110: {  	v42 =	vld [tilespmem:s11+$0x2930];
	v3 =	vadd.f32 v50, v3;
	v0 =	vadd.f32 v53, v0;
	v50 =	vmul.f32 v57, v44  }
0x111: {  	v45 =	vld [tilespmem:s11+$0x2940];
	v2 =	vadd.f32 v55, v2;
	v53 =	vmul.f32 v60, v44;
	v55 =	vmul.f32 v62, v51  }
0x112: {  	v47 =	vld [tilespmem:s11+$0x2950];
	v1 =	vadd.f32 v6, v1;
	v22 =	vmul.f32 v37, v59;
	v24 =	vmul.f32 v39, v59  }
0x113: {  	v3 =	vadd.f32 v58, v3;
	v0 =	vadd.f32 v61, v0;
	v58 =	vmul.f32 v29, v51  }
0x114: {  	v54 =	vld [tilespmem:s11+$0x2980];
	v2 =	vadd.f32 v63, v2;
	v61 =	vmul.f32 v31, v51;
	v63 =	vmul.f32 v34, v59  }
0x115: {  	v57 =	vld [tilespmem:s11+$0x2990];
	v31 =	vmul.f32 v49, v25;
	v34 =	vmul.f32 v52, v25;
	v1 =	vadd.f32 v33, v1  }
0x116: {  	v60 =	vld [tilespmem:s11+$0x29A0];
	v27 =	vmul.f32 v42, v59;
	v29 =	vmul.f32 v45, v25;
	v3 =	vadd.f32 v26, v3  }
0x117: {  	v62 =	vld [tilespmem:s11+$0x29B0];
	v10 =	vmul.f32 v47, v25;
	v0 =	vadd.f32 v30, v0;
	v2 =	vadd.f32 v32, v2  }
0x118: {  	v23 =	vld [tilespmem:s11+$0x29C0];
	v32 =	vbroadcast v7, $0xE;
	v1 =	vadd.f32 v41, v1;
	v3 =	vadd.f32 v35, v3  }
0x119: {  	v45 =	vld [tilespmem:$0x1FFA0];
	v7 =	vbroadcast v7, $0xF;
	v0 =	vadd.f32 v38, v0;
	v2 =	vadd.f32 v40, v2  }
0x11a: {  	v28 =	vld [tilespmem:s11+$0x29E0];
	v36 =	vmul.f32 v54, v32;
	v38 =	vmul.f32 v57, v32;
	v1 =	vadd.f32 v8, v1  }
0x11b: {  	v26 =	vld [tilespmem:s11+$0x29D0];
	v39 =	vmul.f32 v60, v32;
	v3 =	vadd.f32 v43, v3;
	v2 =	vadd.f32 v48, v2  }
0x11c: {  	v30 =	vld [tilespmem:s11+$0x29F0];
	v41 =	vmul.f32 v62, v32;
	v0 =	vadd.f32 v46, v0;
	v1 =	vadd.f32 v56, v1  }
0x11d: {  	v33 =	vld [tilespmem:s11+$0x2A00];
	v42 =	vmul.f32 v23, v7;
	v3 =	vadd.f32 v50, v3;
	v2 =	vadd.f32 v55, v2  }
0x11e: {  	v37 =	vld [tilespmem:s11+$0x2A20];
	v46 =	vbroadcast v45, $0x0;
	v0 =	vadd.f32 v53, v0;
	v1 =	vadd.f32 v22, v1  }
0x11f: {  	v35 =	vld [tilespmem:s11+$0x2A10];
	v48 =	vmul.f32 v28, v7;
	v3 =	vadd.f32 v58, v3;
	v2 =	vadd.f32 v63, v2  }
0x120: {  	v49 =	vld [tilespmem:s11+$0x2A60];
	v44 =	vmul.f32 v26, v7;
	v0 =	vadd.f32 v61, v0;
	v1 =	vadd.f32 v10, v1  }
0x121: {  	v47 =	vld [tilespmem:s11+$0x2A50];
	v7 =	vmul.f32 v30, v7;
	v3 =	vadd.f32 v24, v3;
	v2 =	vadd.f32 v29, v2  }
0x122: {  	v43 =	vld [tilespmem:s11+$0x2A40];
	v50 =	vmul.f32 v33, v46;
	v0 =	vadd.f32 v27, v0;
	v1 =	vadd.f32 v38, v1  }
0x123: {  	v40 =	vld [tilespmem:s11+$0x2A30];
	v53 =	vbroadcast v45, $0x1;
	v3 =	vadd.f32 v31, v3;
	v2 =	vadd.f32 v36, v2  }
0x124: {  	v51 =	vld [tilespmem:s11+$0x2A70];
	v52 =	vmul.f32 v35, v46;
	v0 =	vadd.f32 v34, v0;
	v1 =	vadd.f32 v44, v1  }
0x125: {  	v54 =	vld [tilespmem:s1+$0x9240];
	v55 =	vmul.f32 v37, v46;
	v3 =	vadd.f32 v39, v3;
	v2 =	vadd.f32 v42, v2  }
0x126: {  	v56 =	vld [tilespmem:s1+$0x9250];
	v58 =	vmul.f32 v47, v53;
	v0 =	vadd.f32 v41, v0;
	v1 =	vadd.f32 v52, v1  }
0x127: {  	v57 =	vmul.f32 v43, v53;
	v3 =	vadd.f32 v48, v3;
	v2 =	vadd.f32 v50, v2  }
0x128: {  	v60 =	vld [tilespmem:s1+$0x9260];
	v59 =	vmul.f32 v40, v46;
	v0 =	vadd.f32 v7, v0;
	v1 =	vadd.f32 v58, v1  }
0x129: {  	v61 =	vmul.f32 v49, v53;
	v3 =	vadd.f32 v55, v3;
	v2 =	vadd.f32 v57, v2  }
0x12a: {  	v62 =	vmul.f32 v51, v53;
	v63 =	vld [tilespmem:s1+$0x9270];
	v0 =	vadd.f32 v59, v0  }
0x12b: {  	v1 =	vmul.f32 v56, v1;
	v3 =	vadd.f32 v61, v3;
	v2 =	vmul.f32 v54, v2;
	_ =	sdelay $0x1  }
0x12c: {  	v0 =	vadd.f32 v62, v0;
	v1 =	vadd.f32 v1, v2;
	v2 =	vmul.f32 v60, v3;
	_ =	sdelay $0x1  }
0x12d: {  	v0 =	vmul.f32 v63, v0;
	v1 =	vadd.f32 v2, v1;
	_ =	sdelay $0x1  }
0x12e: {  	v0 =	vadd.f32 v0, v1;
	v1 =	vld [tilespmem:$0x1FFC0];
	_ =	sdelay $0x4  }
0x12f: {  	v1 =	vperm.xlane v0, v1;
	_ =	sdelay $0x1  }
0x130: {  	v0 =	vadd.f32 v0, v1;
	v1 =	vld [tilespmem:$0x1FFD0];
	_ =	sdelay $0x4  }
0x131: {  	v1 =	vperm.xlane v0, v1;
	_ =	sdelay $0x1  }
0x132: {  	v0 =	vadd.f32 v0, v1;
	v1 =	vld [tilespmem:$0x1FFE0];
	_ =	sdelay $0x4  }
0x133: {  	v1 =	vperm.xlane v0, v1;
	_ =	sdelay $0x1  }
0x134: {  	v0 =	vadd.f32 v0, v1;
	v1 =	vld [tilespmem:$0x1FFF0];
	_ =	sdelay $0x3  }
0x135: {  	s14 =	sand.u32 $0xF, s18  }
0x136: {  	p0 =	sne.s32 s14, $0xF;
	v1 =	vperm.xlane v0, v1  }
0x137: {  	p1 =	seq.s32 @!p0 s18, $0x0  }
0x138: {  	p1 =	por !p1, p0;
	v2 =	vmov s14;
	v0 =	vadd.f32 v0, v1;
	v1 =	vlaneseq.u32  }
0x139: {  	s13 =	sshrl.u32 @!p0 s18, $0x4;
	s18 =	sadd.s32 $0x1, s18;
	s11 =	simm.s32 @!p0 $0x1;
	vm0 =	veq.s32 v2, v1;
	v1 =	vld [tilespmem:$0x1FFB0]  }
0x13a: {  	s11 =	simm.s32 @p1 $0x0;
	p1 =	sne.s32 s18, $0x200  }
.Ltmp3:
0x13b: {  	_ = 	snop;
	(pc) =	sbr.rel @!p1 .LBB2_7-.Ltmp3, $4  }
0x13c: {  	s1 =	ssub.s32 @!p0 s13, s11  }
0x13d: {  	s1 =	sshll.u32 @!p0 s1, $0x6  }
0x13e: {  	s1 =	sshra.s32 @!p0 s1, $0x2;
	v0 =	vsel vm0, v0, v1  }
0x13f: {  	[tilespmem:s1+$0xA240] =	vst @!p0 v0  }
.LBB2_2:
0x140: {  	s1 =	sand.u32 $0x3F, s18  }
0x141: {  	p0 =	sne.s32 s1, $0x0  }
.Ltmp4:
0x142: {  	_ = 	snop;
	(pc) =	sbr.rel @!p0 .LBB2_3-.Ltmp4, $2  }
0x143: {  	_ =	sdelay $0x2  }
0x144: {  	[tilespmem:$0x1FFB0] =	vst v0  }
0x145: {  	p0 =	sgt.u32 s1, $0x38  }
.Ltmp5:
0x146: {  	_ = 	snop;
	(pc) =	sbr.rel @p0 .LBB2_6-.Ltmp5, $4  }
.Ltmp6:
0x147: {  	_ = 	snop;
	(pc) =	sbr.rel @!p0 .LBB2_5-.Ltmp6, $4  }
0x148: {  	_ = 	snop  }
0x149: {  	_ = 	snop  }
0x14a: {  	_ = 	snop  }
0x14b: {  	_ = 	snop  }
.LBB2_8:
0x14c: {  	_ =	sfence.sel $0x180000  }
0x14d: {  	[bflag:$0x0] =	sbarrier.arrive $0xFFFF  }
0x14e: {  	_ =	strace $0x90000047  }
0x14f: {  	s0 =	stileid.u32;
	[bflag:$0x2] =	sbarrier.arrive $0xFFFF  }
0x150: {  	p0 =	sne.s32 s0, $0x0;
	s0 =	rddreg [dreg:$0x3]  }
0x151: {  	s0 =	sadd.s32 @!p0 $0x100000, s0  }
0x152: {  	[sflag:s0] =	ssyncadd.tile.s32 @!p0 $0x1;
	_ =	shalt  }
.Lfunc_end2:
_tile_overlayer_lowered:
.L_overlay_start_2:
0x153: {  	(tag) =	ssettag $0x2  }
0x154: {  	s0 =	rddreg [dreg:$0x0];
	s2 =	stileid.u32  }
0x155: {  	s1 =	rddreg [dreg:$0x1];
	p0 =	sne.s32 s2, $0x0  }
0x156: {  	s3 =	rddreg [dreg:$0x2];
	[bflag:$0x3] =	sbarrier.arrive $0xFFFF;
	s2 =	simm.s32 @!p0 $0x1C0A  }
0x157: {  	[timem:s3], [sflag:s2] =	dma.local @!p0 [hbm:s0], s1  }
0x158: {  	s0 =	simm.s32 @!p0 $0xA  }
0x159: {  	_ =	swait.ge @!p0 [sflag:s0], s1  }
0x15a: {  	s1 =	ssub.s32 @!p0 $0x0, s1;
	[sflag:s0] =	ssyncset.done @!p0 $0x0  }
0x15b: {  	[sflag:s0] =	ssyncadd.s32 @!p0 s1  }
0x15c: {  	[bflag:$0x3] =	sbarrier.arrive $0xFFFF  }
0x15d: {  	_ =	shalt  }

</sc_bundles>
